<compile_context>
chip_gen: v7x
topology: tpu7x:2x2x1
jax: 0.10.2.dev20260603
libtpu: 0.0.44.dev20260713+nightly
codegen_flags: <defaults>
</compile_context>

<pallas_src>
import functools

import jax
import jax.numpy as jnp
from jax import lax
from jax.experimental import pallas as pl
from jax.experimental.pallas import tpu as pltpu
from jax.experimental.pallas import tpu_sc as plsc

N = 10000
E = 320000
D = 128

NC = 2
NS = 16
NW = NC * NS
N_PAD = 10240
ROWS_PER_SUB = N_PAD // NS

DEG_REGS = (E // NW) // 16

K = 100
CHUNKS = (E // NW) // K
HALVES = 2
CH_H = CHUNKS // HALVES
NBUF = 2
SB = 10
SBLOCKS_H = CH_H // SB

_MESH = plsc.VectorSubcoreMesh(
    core_axis_name="c", subcore_axis_name="s", num_cores=NC, num_subcores=NS
)


@functools.partial(
    pl.kernel,
    out_type=jax.ShapeDtypeStruct((NW, N_PAD), jnp.float32),
    mesh=_MESH,
    scratch_types=[
        pltpu.VMEM((DEG_REGS, 16), jnp.int32),
        pltpu.VMEM((N_PAD,), jnp.float32),
    ],
    compiler_params=pltpu.CompilerParams(needs_layout_passes=False),
)
def _sc_degree(dst_hbm, out_hbm, idx_v, hist_v):
    cid = lax.axis_index("c")
    sid = lax.axis_index("s")
    wid = sid * NC + cid

    @pl.loop(0, N_PAD // 16)
    def _(j):
        hist_v[pl.ds(j * 16, 16)] = jnp.zeros((16,), jnp.float32)

    pltpu.sync_copy(dst_hbm.at[wid], idx_v)
    ones = jnp.full((16,), 1.0, jnp.float32)

    @pl.loop(0, DEG_REGS)
    def _(j):
        plsc.addupdate_scatter(hist_v, [idx_v[j, :]], ones)

    pltpu.sync_copy(hist_v, out_hbm.at[wid])


@functools.partial(
    pl.kernel,
    out_type=jax.ShapeDtypeStruct((NC, N_PAD, D), jnp.float32),
    mesh=_MESH,
    scratch_types=[
        pltpu.VMEM((CH_H, K), jnp.int32),
        pltpu.VMEM((CH_H, K), jnp.int32),
        pltpu.VMEM((NBUF, K, D), jnp.float32),
        pltpu.VMEM_SHARED((N_PAD, D), jnp.float32),
        pltpu.SemaphoreType.DMA((NBUF,)),
        pltpu.SemaphoreType.DMA((NBUF,)),
    ],
)
def _sc_gather_scatter(g_hbm, src_hbm, dst_hbm, zeros_hbm, out_hbm,
                       src_v, dst_v, rows_v, acc, gsem, ssem):
    cid = lax.axis_index("c")
    sid = lax.axis_index("s")
    wid = sid * NC + cid

    pltpu.sync_copy(
        zeros_hbm.at[pl.ds(sid * ROWS_PER_SUB, ROWS_PER_SUB)],
        acc.at[pl.ds(sid * ROWS_PER_SUB, ROWS_PER_SUB)],
    )
    plsc.subcore_barrier()

    for h in range(HALVES):
        pltpu.sync_copy(src_hbm.at[wid].at[h], src_v)
        pltpu.sync_copy(dst_hbm.at[wid].at[h], dst_v)

        @pl.loop(0, SBLOCKS_H)
        def _(sb):
            base = sb * SB
            gds = [None] * NBUF
            sds = [None] * NBUF
            gds[0] = pltpu.async_copy(g_hbm.at[src_v.at[base]],
                                      rows_v.at[0], gsem.at[0])
            for i in range(SB):
                b = i % 2
                nb = 1 - b
                if i + 1 < SB:
                    if i >= 1:
                        sds[nb].wait()
                    gds[nb] = pltpu.async_copy(
                        g_hbm.at[src_v.at[base + i + 1]], rows_v.at[nb],
                        gsem.at[nb])
                gds[b].wait()
                sds[b] = pltpu.async_copy(rows_v.at[b],
                                          acc.at[dst_v.at[base + i]],
                                          ssem.at[b], add=True)
            sds[0].wait()
            sds[1].wait()

    plsc.subcore_barrier()
    pltpu.sync_copy(
        acc.at[pl.ds(sid * ROWS_PER_SUB, ROWS_PER_SUB)],
        out_hbm.at[cid].at[pl.ds(sid * ROWS_PER_SUB, ROWS_PER_SUB)],
    )


_RB = 2000
_GRID = N // _RB


def _dis_from_parts(dp):
    deg = jnp.sum(dp, axis=1, keepdims=True) + 1.0
    return lax.rsqrt(deg)


def _scale_body(x_ref, w_ref, dp_ref, g_ref):
    h = jnp.dot(x_ref[...], w_ref[...], preferred_element_type=jnp.float32)
    g_ref[...] = _dis_from_parts(dp_ref[...]) * h


def _tc_scale(x, W, deg_parts):
    return pl.pallas_call(
        _scale_body,
        grid=(_GRID,),
        in_specs=[
            pl.BlockSpec((_RB, D), lambda i: (i, 0)),
            pl.BlockSpec((D, D), lambda i: (0, 0)),
            pl.BlockSpec((_RB, NW), lambda i: (i, 0)),
        ],
        out_specs=pl.BlockSpec((_RB, D), lambda i: (i, 0)),
        out_shape=jax.ShapeDtypeStruct((N, D), jnp.float32),
    )(x, W, deg_parts)


def _final_body(p0_ref, p1_ref, g_ref, dp_ref, b_ref, o_ref):
    dis = _dis_from_parts(dp_ref[...])
    o = dis * (p0_ref[...] + p1_ref[...] + g_ref[...]) + b_ref[...]
    m = jnp.max(o, axis=1, keepdims=True)
    e = jnp.exp(o - m)
    z = jnp.sum(e, axis=1, keepdims=True)
    o_ref[...] = (o - m) - jnp.log(z)


def _tc_final(p0, p1, g, deg_parts, b):
    return pl.pallas_call(
        _final_body,
        grid=(_GRID,),
        in_specs=[
            pl.BlockSpec((_RB, D), lambda i: (i, 0)),
            pl.BlockSpec((_RB, D), lambda i: (i, 0)),
            pl.BlockSpec((_RB, D), lambda i: (i, 0)),
            pl.BlockSpec((_RB, NW), lambda i: (i, 0)),
            pl.BlockSpec((1, D), lambda i: (0, 0)),
        ],
        out_specs=pl.BlockSpec((_RB, D), lambda i: (i, 0)),
        out_shape=jax.ShapeDtypeStruct((N, D), jnp.float32),
    )(p0, p1, g, deg_parts, b)


@jax.jit
def kernel(x, edge_index, W, b):
    dst_deg = edge_index[1].reshape(NW, DEG_REGS, 16)
    src4 = edge_index[0].reshape(NW, HALVES, CH_H, K)
    dst4 = edge_index[1].reshape(NW, HALVES, CH_H, K)
    zerosD = jnp.zeros((N_PAD, D), jnp.float32)

    deg_parts = _sc_degree(dst_deg).T
    g = _tc_scale(x, W, deg_parts)
    parts = _sc_gather_scatter(g, src4, dst4, zerosD)
    return _tc_final(parts[0], parts[1], g, deg_parts, b.reshape(1, D))

# --- scband reference (transcript-rebuilt; emitter-appended) ---
"""Pipeline reference for scband-simple-gcn-16724602651053 (READ-ONLY COPY).

The authoritative reference and input builder live on the scoring server;
editing this copy changes nothing except your own understanding.
"""

import jax, jax.numpy as jnp
import numpy as np

N_NODES = 10000
N_EDGES = 320000
DIM_IN = 128
DIM_OUT = 128


def setup_inputs(seed: int = 0) -> dict:
    key = jax.random.key(seed)
    k1, k2, k3, k4 = jax.random.split(key, 4)
    x = jax.random.normal(k1, (N_NODES, DIM_IN), dtype=jnp.float32)
    edge_index = jax.random.randint(k2, (2, N_EDGES), 0, N_NODES, dtype=jnp.int32)
    # GCNConv learned parameters (glorot init for W, zeros for bias, like PyG)
    limit = float(np.sqrt(6.0 / (DIM_IN + DIM_OUT)))
    W = jax.random.uniform(k3, (DIM_IN, DIM_OUT), dtype=jnp.float32, minval=-limit, maxval=limit)
    b = jnp.zeros((DIM_OUT,), dtype=jnp.float32)
    return {"x": x, "edge_index": edge_index, "W": W, "b": b}


def reference(x, edge_index, W, b):
    # PyG GCNConv: add self-loops, symmetric normalization D^-1/2 (A+I) D^-1/2 X W + b
    N = x.shape[0]
    loops = jnp.arange(N, dtype=edge_index.dtype)
    src = jnp.concatenate([edge_index[0], loops])
    dst = jnp.concatenate([edge_index[1], loops])
    ones = jnp.ones(src.shape[0], dtype=x.dtype)
    deg = jax.ops.segment_sum(ones, dst, num_segments=N)
    deg_inv_sqrt = jnp.where(deg > 0, jax.lax.rsqrt(jnp.maximum(deg, 1e-12)), 0.0)
    norm = deg_inv_sqrt[src] * deg_inv_sqrt[dst]
    h = x @ W
    msg = h[src] * norm[:, None]
    out = jax.ops.segment_sum(msg, dst, num_segments=N)
    out = out + b
    return jax.nn.log_softmax(out, axis=1)

if __name__ == "__main__":
    import jax
    _d = setup_inputs()
    print(jax.jit(kernel)(*tuple(_d.values())))

</pallas_src>

<mosaic_0001>
#map = affine_map<(d0, d1) -> (0, 0, 0)>
#map1 = affine_map<(d0, d1) -> (0, 0)>
module attributes {stable_mosaic.version = 14 : i64} {
  func.func @_sc_degree(%arg0: i32, %arg1: i32, %arg2: memref<32x625x16xi32, #tpu.memory_space<hbm>>, %arg3: memref<32x10240xf32, #tpu.memory_space<hbm>>, %arg4: memref<625x16xi32, #tpu.memory_space<vmem>>, %arg5: memref<10240xf32, #tpu.memory_space<vmem>>) attributes {dimension_semantics = [#tpu.dimension_semantics<core_parallel>, #tpu.dimension_semantics<subcore_parallel>], iteration_bounds = array<i64: 2, 16>, scalar_prefetch = 0 : i64, scratch_operands = 2 : i64, tpu.core_type = #tpu.core_type<sc_vector_subcore>, window_params = [{transform_indices = #map}, {transform_indices = #map1}]} {
    %mul3A = arith.constant 2 : i32
    %mul3A_0 = arith.muli %arg1, %mul3A : i32
    %add3A = arith.addi %mul3A_0, %arg0 : i32
    %scan3A = arith.constant 0 : i32
    %scan3A_1 = arith.constant 640 : i32
    %scan3A_2 = arith.addi %scan3A, %scan3A_1 : i32
    %scan3A_3 = arith.constant 1 : i32
    scf.for %scan3A_11 = %scan3A to %scan3A_2 step %scan3A_3  : i32 {
      %mul3A_12 = arith.constant 1 : i32
      %mul3A_13 = arith.muli %scan3A_11, %mul3A_12 : i32
      %add3A_14 = arith.constant 0 : i32
      %add3A_15 = arith.addi %add3A_14, %mul3A_13 : i32
      %broadcast_in_dim3A_16 = arith.constant 0.000000e+00 : f32
      %broadcast_in_dim3A_17 = vector.broadcast %broadcast_in_dim3A_16 : f32 to vector<16xf32>
      %mul3A_18 = arith.constant 16 : i32
      %mul3A_19 = arith.muli %add3A_15, %mul3A_18 : i32
      %swap3A = arith.index_cast %mul3A_19 : i32 to index
      %swap3A_20 = tpu.vector_load %arg5[%swap3A] {strides = array<i32>} : memref<10240xf32, #tpu.memory_space<vmem>>, vector<16xf32>,
      tpu.vector_store %arg5[%swap3A], %broadcast_in_dim3A_17 {strides = array<i32>} : memref<10240xf32, #tpu.memory_space<vmem>>, vector<16xf32>,
    }
    %scan3A_4 = arith.constant 640 : i32
    "tpu.region"() ({
      %run_scoped3A = tpu.sem_alloc : memref<!tpu.dma_semaphore, #tpu.memory_space<semaphore_mem>>
      %dma_start3A = arith.constant 0 : i32
      %dma_start3A_11 = arith.constant 0 : i32
      %dma_start3A_12 = tpu.memref_slice %arg2[%add3A, %dma_start3A, %dma_start3A_11] : memref<32x625x16xi32, #tpu.memory_space<hbm>> -> memref<1x625x16xi32, #tpu.memory_space<hbm>>
      %dma_start3A_13 = tpu.memref_squeeze %dma_start3A_12 : memref<1x625x16xi32, #tpu.memory_space<hbm>> -> memref<625x16xi32, #tpu.memory_space<hbm>>
      %dma_start3A_14 = arith.constant 0 : i32
      %dma_start3A_15 = arith.constant 0 : i32
      %dma_start3A_16 = tpu.memref_slice %arg2[%add3A, %dma_start3A_14, %dma_start3A_15] : memref<32x625x16xi32, #tpu.memory_space<hbm>> -> memref<1x625x16xi32, #tpu.memory_space<hbm>>
      %dma_start3A_17 = tpu.memref_squeeze %dma_start3A_16 : memref<1x625x16xi32, #tpu.memory_space<hbm>> -> memref<625x16xi32, #tpu.memory_space<hbm>>
      tpu.enqueue_dma source(%dma_start3A_17 : memref<625x16xi32, #tpu.memory_space<hbm>>) target(%arg4 : memref<625x16xi32, #tpu.memory_space<vmem>>) target_semaphore(%run_scoped3A : memref<!tpu.dma_semaphore, #tpu.memory_space<semaphore_mem>>)
      %dma_wait3A = arith.constant 0 : i32
      %dma_wait3A_18 = arith.constant 0 : i32
      %dma_wait3A_19 = tpu.memref_slice %arg2[%add3A, %dma_wait3A, %dma_wait3A_18] : memref<32x625x16xi32, #tpu.memory_space<hbm>> -> memref<1x625x16xi32, #tpu.memory_space<hbm>>
      %dma_wait3A_20 = tpu.memref_squeeze %dma_wait3A_19 : memref<1x625x16xi32, #tpu.memory_space<hbm>> -> memref<625x16xi32, #tpu.memory_space<hbm>>
      %dma_wait3A_21 = arith.constant 0 : i32
      %dma_wait3A_22 = arith.constant 0 : i32
      %dma_wait3A_23 = tpu.memref_slice %arg2[%add3A, %dma_wait3A_21, %dma_wait3A_22] : memref<32x625x16xi32, #tpu.memory_space<hbm>> -> memref<1x625x16xi32, #tpu.memory_space<hbm>>
      %dma_wait3A_24 = tpu.memref_squeeze %dma_wait3A_23 : memref<1x625x16xi32, #tpu.memory_space<hbm>> -> memref<625x16xi32, #tpu.memory_space<hbm>>
      tpu.wait_dma2 semaphore(%run_scoped3A : memref<!tpu.dma_semaphore, #tpu.memory_space<semaphore_mem>>) src(%dma_wait3A_24 : memref<625x16xi32, #tpu.memory_space<hbm>>) dst(%arg4 : memref<625x16xi32, #tpu.memory_space<vmem>>)
      tpu.yield
    }) : () -> ()
    %broadcast_in_dim3A = arith.constant 1.000000e+00 : f32
    %broadcast_in_dim3A_5 = vector.broadcast %broadcast_in_dim3A : f32 to vector<16xf32>
    %scan3A_6 = arith.constant 0 : i32
    %scan3A_7 = arith.constant 625 : i32
    %scan3A_8 = arith.addi %scan3A_6, %scan3A_7 : i32
    %scan3A_9 = arith.constant 1 : i32
    scf.for %scan3A_11 = %scan3A_6 to %scan3A_8 step %scan3A_9  : i32 {
      %mul3A_12 = arith.constant 1 : i32
      %mul3A_13 = arith.muli %scan3A_11, %mul3A_12 : i32
      %add3A_14 = arith.constant 0 : i32
      %add3A_15 = arith.addi %add3A_14, %mul3A_13 : i32
      %get3A = arith.index_cast %add3A_15 : i32 to index
      %get3A_16 = arith.constant 0 : index
      %get3A_17 = tpu.vector_load %arg4[%get3A, %get3A_16] {strides = array<i32>} : memref<625x16xi32, #tpu.memory_space<vmem>>, vector<16xi32>,
      tpu.vector_store_idx %arg5[%get3A_17], %broadcast_in_dim3A_5 {add = true} : memref<10240xf32, #tpu.memory_space<vmem>>[vector<16xi32>], vector<16xf32>,
    }
    %scan3A_10 = arith.constant 625 : i32
    "tpu.region"() ({
      %run_scoped3A = tpu.sem_alloc : memref<!tpu.dma_semaphore, #tpu.memory_space<semaphore_mem>>
      %dma_start3A = arith.constant 0 : i32
      %dma_start3A_11 = tpu.memref_slice %arg3[%add3A, %dma_start3A] : memref<32x10240xf32, #tpu.memory_space<hbm>> -> memref<1x10240xf32, #tpu.memory_space<hbm>>
      %dma_start3A_12 = tpu.memref_squeeze %dma_start3A_11 : memref<1x10240xf32, #tpu.memory_space<hbm>> -> memref<10240xf32, #tpu.memory_space<hbm>>
      %dma_start3A_13 = arith.constant 0 : i32
      %dma_start3A_14 = tpu.memref_slice %arg3[%add3A, %dma_start3A_13] : memref<32x10240xf32, #tpu.memory_space<hbm>> -> memref<1x10240xf32, #tpu.memory_space<hbm>>
      %dma_start3A_15 = tpu.memref_squeeze %dma_start3A_14 : memref<1x10240xf32, #tpu.memory_space<hbm>> -> memref<10240xf32, #tpu.memory_space<hbm>>
      tpu.enqueue_dma source(%arg5 : memref<10240xf32, #tpu.memory_space<vmem>>) target(%dma_start3A_15 : memref<10240xf32, #tpu.memory_space<hbm>>) target_semaphore(%run_scoped3A : memref<!tpu.dma_semaphore, #tpu.memory_space<semaphore_mem>>)
      %dma_wait3A = arith.constant 0 : i32
      %dma_wait3A_16 = tpu.memref_slice %arg3[%add3A, %dma_wait3A] : memref<32x10240xf32, #tpu.memory_space<hbm>> -> memref<1x10240xf32, #tpu.memory_space<hbm>>
      %dma_wait3A_17 = tpu.memref_squeeze %dma_wait3A_16 : memref<1x10240xf32, #tpu.memory_space<hbm>> -> memref<10240xf32, #tpu.memory_space<hbm>>
      %dma_wait3A_18 = arith.constant 0 : i32
      %dma_wait3A_19 = tpu.memref_slice %arg3[%add3A, %dma_wait3A_18] : memref<32x10240xf32, #tpu.memory_space<hbm>> -> memref<1x10240xf32, #tpu.memory_space<hbm>>
      %dma_wait3A_20 = tpu.memref_squeeze %dma_wait3A_19 : memref<1x10240xf32, #tpu.memory_space<hbm>> -> memref<10240xf32, #tpu.memory_space<hbm>>
      tpu.wait_dma2 semaphore(%run_scoped3A : memref<!tpu.dma_semaphore, #tpu.memory_space<semaphore_mem>>) src(%arg5 : memref<10240xf32, #tpu.memory_space<vmem>>) dst(%dma_wait3A_20 : memref<10240xf32, #tpu.memory_space<hbm>>)
      tpu.yield
    }) : () -> ()
    return
  }
}

#map = affine_map<(d0, d1) -> (0, 0)>
#map1 = affine_map<(d0, d1) -> (0, 0, 0, 0)>
#map2 = affine_map<(d0, d1) -> (0, 0, 0)>
module attributes {stable_mosaic.version = 14 : i64} {
  func.func @_sc_gather_scatter(%arg0: i32, %arg1: i32, %arg2: memref<10000x128xf32, #tpu.memory_space<hbm>>, %arg3: memref<32x2x50x100xi32, #tpu.memory_space<hbm>>, %arg4: memref<32x2x50x100xi32, #tpu.memory_space<hbm>>, %arg5: memref<10240x128xf32, #tpu.memory_space<hbm>>, %arg6: memref<2x10240x128xf32, #tpu.memory_space<hbm>>, %arg7: memref<50x100xi32, #tpu.memory_space<vmem>>, %arg8: memref<50x100xi32, #tpu.memory_space<vmem>>, %arg9: memref<2x100x128xf32, #tpu.memory_space<vmem>>, %arg10: memref<10240x128xf32, #tpu.memory_space<vmem_shared>>, %arg11: memref<2x!tpu.dma_semaphore, #tpu.memory_space<semaphore_mem>>, %arg12: memref<2x!tpu.dma_semaphore, #tpu.memory_space<semaphore_mem>>) attributes {dimension_semantics = [#tpu.dimension_semantics<core_parallel>, #tpu.dimension_semantics<subcore_parallel>], iteration_bounds = array<i64: 2, 16>, scalar_prefetch = 0 : i64, scratch_operands = 6 : i64, tpu.core_type = #tpu.core_type<sc_vector_subcore>, window_params = [{transform_indices = #map}, {transform_indices = #map1}, {transform_indices = #map1}, {transform_indices = #map}, {transform_indices = #map2}]} {
    %mul3A = arith.constant 2 : i32
    %mul3A_0 = arith.muli %arg1, %mul3A : i32
    %add3A = arith.addi %mul3A_0, %arg0 : i32
    %mul3A_1 = arith.constant 640 : i32
    %mul3A_2 = arith.muli %arg1, %mul3A_1 : i32
    %mul3A_3 = arith.constant 640 : i32
    %mul3A_4 = arith.muli %arg1, %mul3A_3 : i32
    "tpu.region"() ({
      %run_scoped3A_22 = tpu.sem_alloc : memref<!tpu.dma_semaphore, #tpu.memory_space<semaphore_mem>>
      %dma_start3A = arith.constant 0 : i32
      %dma_start3A_23 = tpu.memref_slice %arg10[%mul3A_4, %dma_start3A] : memref<10240x128xf32, #tpu.memory_space<vmem_shared>> -> memref<640x128xf32, #tpu.memory_space<vmem_shared>>
      %dma_start3A_24 = arith.constant 0 : i32
      %dma_start3A_25 = tpu.memref_slice %arg5[%mul3A_2, %dma_start3A_24] : memref<10240x128xf32, #tpu.memory_space<hbm>> -> memref<640x128xf32, #tpu.memory_space<hbm>>
      tpu.enqueue_dma source(%dma_start3A_25 : memref<640x128xf32, #tpu.memory_space<hbm>>) target(%dma_start3A_23 : memref<640x128xf32, #tpu.memory_space<vmem_shared>>) target_semaphore(%run_scoped3A_22 : memref<!tpu.dma_semaphore, #tpu.memory_space<semaphore_mem>>)
      %dma_wait3A = arith.constant 0 : i32
      %dma_wait3A_26 = tpu.memref_slice %arg10[%mul3A_4, %dma_wait3A] : memref<10240x128xf32, #tpu.memory_space<vmem_shared>> -> memref<640x128xf32, #tpu.memory_space<vmem_shared>>
      %dma_wait3A_27 = arith.constant 0 : i32
      %dma_wait3A_28 = tpu.memref_slice %arg5[%mul3A_2, %dma_wait3A_27] : memref<10240x128xf32, #tpu.memory_space<hbm>> -> memref<640x128xf32, #tpu.memory_space<hbm>>
      tpu.wait_dma2 semaphore(%run_scoped3A_22 : memref<!tpu.dma_semaphore, #tpu.memory_space<semaphore_mem>>) src(%dma_wait3A_28 : memref<640x128xf32, #tpu.memory_space<hbm>>) dst(%dma_wait3A_26 : memref<640x128xf32, #tpu.memory_space<vmem_shared>>)
      tpu.yield
    }) : () -> ()
    %barrier3A = arith.constant 0 : index
    tpu.barrier barrier_id(%barrier3A)
    %run_scoped3A = arith.constant 0 : i32
    "tpu.region"() ({
      %run_scoped3A_22 = tpu.sem_alloc : memref<!tpu.dma_semaphore, #tpu.memory_space<semaphore_mem>>
      %dma_start3A = arith.constant 0 : i32
      %dma_start3A_23 = arith.constant 0 : i32
      %dma_start3A_24 = arith.constant 0 : i32
      %dma_start3A_25 = tpu.memref_slice %arg3[%add3A, %dma_start3A, %dma_start3A_23, %dma_start3A_24] : memref<32x2x50x100xi32, #tpu.memory_space<hbm>> -> memref<1x2x50x100xi32, #tpu.memory_space<hbm>>
      %dma_start3A_26 = tpu.memref_squeeze %dma_start3A_25 : memref<1x2x50x100xi32, #tpu.memory_space<hbm>> -> memref<2x50x100xi32, #tpu.memory_space<hbm>>
      %dma_start3A_27 = arith.constant 0 : i32
      %dma_start3A_28 = arith.constant 0 : i32
      %dma_start3A_29 = tpu.memref_slice %dma_start3A_26[%run_scoped3A, %dma_start3A_27, %dma_start3A_28] : memref<2x50x100xi32, #tpu.memory_space<hbm>> -> memref<1x50x100xi32, #tpu.memory_space<hbm>>
      %dma_start3A_30 = tpu.memref_squeeze %dma_start3A_29 : memref<1x50x100xi32, #tpu.memory_space<hbm>> -> memref<50x100xi32, #tpu.memory_space<hbm>>
      %dma_start3A_31 = arith.constant 0 : i32
      %dma_start3A_32 = arith.constant 0 : i32
      %dma_start3A_33 = arith.constant 0 : i32
      %dma_start3A_34 = tpu.memref_slice %arg3[%add3A, %dma_start3A_31, %dma_start3A_32, %dma_start3A_33] : memref<32x2x50x100xi32, #tpu.memory_space<hbm>> -> memref<1x2x50x100xi32, #tpu.memory_space<hbm>>
      %dma_start3A_35 = tpu.memref_squeeze %dma_start3A_34 : memref<1x2x50x100xi32, #tpu.memory_space<hbm>> -> memref<2x50x100xi32, #tpu.memory_space<hbm>>
      %dma_start3A_36 = arith.constant 0 : i32
      %dma_start3A_37 = arith.constant 0 : i32
      %dma_start3A_38 = tpu.memref_slice %dma_start3A_35[%run_scoped3A, %dma_start3A_36, %dma_start3A_37] : memref<2x50x100xi32, #tpu.memory_space<hbm>> -> memref<1x50x100xi32, #tpu.memory_space<hbm>>
      %dma_start3A_39 = tpu.memref_squeeze %dma_start3A_38 : memref<1x50x100xi32, #tpu.memory_space<hbm>> -> memref<50x100xi32, #tpu.memory_space<hbm>>
      tpu.enqueue_dma source(%dma_start3A_39 : memref<50x100xi32, #tpu.memory_space<hbm>>) target(%arg7 : memref<50x100xi32, #tpu.memory_space<vmem>>) target_semaphore(%run_scoped3A_22 : memref<!tpu.dma_semaphore, #tpu.memory_space<semaphore_mem>>)
      %dma_wait3A = arith.constant 0 : i32
      %dma_wait3A_40 = arith.constant 0 : i32
      %dma_wait3A_41 = arith.constant 0 : i32
      %dma_wait3A_42 = tpu.memref_slice %arg3[%add3A, %dma_wait3A, %dma_wait3A_40, %dma_wait3A_41] : memref<32x2x50x100xi32, #tpu.memory_space<hbm>> -> memref<1x2x50x100xi32, #tpu.memory_space<hbm>>
      %dma_wait3A_43 = tpu.memref_squeeze %dma_wait3A_42 : memref<1x2x50x100xi32, #tpu.memory_space<hbm>> -> memref<2x50x100xi32, #tpu.memory_space<hbm>>
      %dma_wait3A_44 = arith.constant 0 : i32
      %dma_wait3A_45 = arith.constant 0 : i32
      %dma_wait3A_46 = tpu.memref_slice %dma_wait3A_43[%run_scoped3A, %dma_wait3A_44, %dma_wait3A_45] : memref<2x50x100xi32, #tpu.memory_space<hbm>> -> memref<1x50x100xi32, #tpu.memory_space<hbm>>
      %dma_wait3A_47 = tpu.memref_squeeze %dma_wait3A_46 : memref<1x50x100xi32, #tpu.memory_space<hbm>> -> memref<50x100xi32, #tpu.memory_space<hbm>>
      %dma_wait3A_48 = arith.constant 0 : i32
      %dma_wait3A_49 = arith.constant 0 : i32
      %dma_wait3A_50 = arith.constant 0 : i32
      %dma_wait3A_51 = tpu.memref_slice %arg3[%add3A, %dma_wait3A_48, %dma_wait3A_49, %dma_wait3A_50] : memref<32x2x50x100xi32, #tpu.memory_space<hbm>> -> memref<1x2x50x100xi32, #tpu.memory_space<hbm>>
      %dma_wait3A_52 = tpu.memref_squeeze %dma_wait3A_51 : memref<1x2x50x100xi32, #tpu.memory_space<hbm>> -> memref<2x50x100xi32, #tpu.memory_space<hbm>>
      %dma_wait3A_53 = arith.constant 0 : i32
      %dma_wait3A_54 = arith.constant 0 : i32
      %dma_wait3A_55 = tpu.memref_slice %dma_wait3A_52[%run_scoped3A, %dma_wait3A_53, %dma_wait3A_54] : memref<2x50x100xi32, #tpu.memory_space<hbm>> -> memref<1x50x100xi32, #tpu.memory_space<hbm>>
      %dma_wait3A_56 = tpu.memref_squeeze %dma_wait3A_55 : memref<1x50x100xi32, #tpu.memory_space<hbm>> -> memref<50x100xi32, #tpu.memory_space<hbm>>
      tpu.wait_dma2 semaphore(%run_scoped3A_22 : memref<!tpu.dma_semaphore, #tpu.memory_space<semaphore_mem>>) src(%dma_wait3A_56 : memref<50x100xi32, #tpu.memory_space<hbm>>) dst(%arg7 : memref<50x100xi32, #tpu.memory_space<vmem>>)
      tpu.yield
    }) : () -> ()
    %run_scoped3A_5 = arith.constant 0 : i32
    "tpu.region"() ({
      %run_scoped3A_22 = tpu.sem_alloc : memref<!tpu.dma_semaphore, #tpu.memory_space<semaphore_mem>>
      %dma_start3A = arith.constant 0 : i32
      %dma_start3A_23 = arith.constant 0 : i32
      %dma_start3A_24 = arith.constant 0 : i32
      %dma_start3A_25 = tpu.memref_slice %arg4[%add3A, %dma_start3A, %dma_start3A_23, %dma_start3A_24] : memref<32x2x50x100xi32, #tpu.memory_space<hbm>> -> memref<1x2x50x100xi32, #tpu.memory_space<hbm>>
      %dma_start3A_26 = tpu.memref_squeeze %dma_start3A_25 : memref<1x2x50x100xi32, #tpu.memory_space<hbm>> -> memref<2x50x100xi32, #tpu.memory_space<hbm>>
      %dma_start3A_27 = arith.constant 0 : i32
      %dma_start3A_28 = arith.constant 0 : i32
      %dma_start3A_29 = tpu.memref_slice %dma_start3A_26[%run_scoped3A_5, %dma_start3A_27, %dma_start3A_28] : memref<2x50x100xi32, #tpu.memory_space<hbm>> -> memref<1x50x100xi32, #tpu.memory_space<hbm>>
      %dma_start3A_30 = tpu.memref_squeeze %dma_start3A_29 : memref<1x50x100xi32, #tpu.memory_space<hbm>> -> memref<50x100xi32, #tpu.memory_space<hbm>>
      %dma_start3A_31 = arith.constant 0 : i32
      %dma_start3A_32 = arith.constant 0 : i32
      %dma_start3A_33 = arith.constant 0 : i32
      %dma_start3A_34 = tpu.memref_slice %arg4[%add3A, %dma_start3A_31, %dma_start3A_32, %dma_start3A_33] : memref<32x2x50x100xi32, #tpu.memory_space<hbm>> -> memref<1x2x50x100xi32, #tpu.memory_space<hbm>>
      %dma_start3A_35 = tpu.memref_squeeze %dma_start3A_34 : memref<1x2x50x100xi32, #tpu.memory_space<hbm>> -> memref<2x50x100xi32, #tpu.memory_space<hbm>>
      %dma_start3A_36 = arith.constant 0 : i32
      %dma_start3A_37 = arith.constant 0 : i32
      %dma_start3A_38 = tpu.memref_slice %dma_start3A_35[%run_scoped3A_5, %dma_start3A_36, %dma_start3A_37] : memref<2x50x100xi32, #tpu.memory_space<hbm>> -> memref<1x50x100xi32, #tpu.memory_space<hbm>>
      %dma_start3A_39 = tpu.memref_squeeze %dma_start3A_38 : memref<1x50x100xi32, #tpu.memory_space<hbm>> -> memref<50x100xi32, #tpu.memory_space<hbm>>
      tpu.enqueue_dma source(%dma_start3A_39 : memref<50x100xi32, #tpu.memory_space<hbm>>) target(%arg8 : memref<50x100xi32, #tpu.memory_space<vmem>>) target_semaphore(%run_scoped3A_22 : memref<!tpu.dma_semaphore, #tpu.memory_space<semaphore_mem>>)
      %dma_wait3A = arith.constant 0 : i32
      %dma_wait3A_40 = arith.constant 0 : i32
      %dma_wait3A_41 = arith.constant 0 : i32
      %dma_wait3A_42 = tpu.memref_slice %arg4[%add3A, %dma_wait3A, %dma_wait3A_40, %dma_wait3A_41] : memref<32x2x50x100xi32, #tpu.memory_space<hbm>> -> memref<1x2x50x100xi32, #tpu.memory_space<hbm>>
      %dma_wait3A_43 = tpu.memref_squeeze %dma_wait3A_42 : memref<1x2x50x100xi32, #tpu.memory_space<hbm>> -> memref<2x50x100xi32, #tpu.memory_space<hbm>>
      %dma_wait3A_44 = arith.constant 0 : i32
      %dma_wait3A_45 = arith.constant 0 : i32
      %dma_wait3A_46 = tpu.memref_slice %dma_wait3A_43[%run_scoped3A_5, %dma_wait3A_44, %dma_wait3A_45] : memref<2x50x100xi32, #tpu.memory_space<hbm>> -> memref<1x50x100xi32, #tpu.memory_space<hbm>>
      %dma_wait3A_47 = tpu.memref_squeeze %dma_wait3A_46 : memref<1x50x100xi32, #tpu.memory_space<hbm>> -> memref<50x100xi32, #tpu.memory_space<hbm>>
      %dma_wait3A_48 = arith.constant 0 : i32
      %dma_wait3A_49 = arith.constant 0 : i32
      %dma_wait3A_50 = arith.constant 0 : i32
      %dma_wait3A_51 = tpu.memref_slice %arg4[%add3A, %dma_wait3A_48, %dma_wait3A_49, %dma_wait3A_50] : memref<32x2x50x100xi32, #tpu.memory_space<hbm>> -> memref<1x2x50x100xi32, #tpu.memory_space<hbm>>
      %dma_wait3A_52 = tpu.memref_squeeze %dma_wait3A_51 : memref<1x2x50x100xi32, #tpu.memory_space<hbm>> -> memref<2x50x100xi32, #tpu.memory_space<hbm>>
      %dma_wait3A_53 = arith.constant 0 : i32
      %dma_wait3A_54 = arith.constant 0 : i32
      %dma_wait3A_55 = tpu.memref_slice %dma_wait3A_52[%run_scoped3A_5, %dma_wait3A_53, %dma_wait3A_54] : memref<2x50x100xi32, #tpu.memory_space<hbm>> -> memref<1x50x100xi32, #tpu.memory_space<hbm>>
      %dma_wait3A_56 = tpu.memref_squeeze %dma_wait3A_55 : memref<1x50x100xi32, #tpu.memory_space<hbm>> -> memref<50x100xi32, #tpu.memory_space<hbm>>
      tpu.wait_dma2 semaphore(%run_scoped3A_22 : memref<!tpu.dma_semaphore, #tpu.memory_space<semaphore_mem>>) src(%dma_wait3A_56 : memref<50x100xi32, #tpu.memory_space<hbm>>) dst(%arg8 : memref<50x100xi32, #tpu.memory_space<vmem>>)
      tpu.yield
    }) : () -> ()
    %scan3A = arith.constant 0 : i32
    %scan3A_6 = arith.constant 5 : i32
    %scan3A_7 = arith.addi %scan3A, %scan3A_6 : i32
    %scan3A_8 = arith.constant 1 : i32
    scf.for %scan3A_22 = %scan3A to %scan3A_7 step %scan3A_8  : i32 {
      %mul3A_23 = arith.constant 1 : i32
      %mul3A_24 = arith.muli %scan3A_22, %mul3A_23 : i32
      %add3A_25 = arith.constant 0 : i32
      %add3A_26 = arith.addi %add3A_25, %mul3A_24 : i32
      %mul3A_27 = arith.constant 10 : i32
      %mul3A_28 = arith.muli %add3A_26, %mul3A_27 : i32
      %dma_start3A = arith.constant 0 : i32
      %dma_start3A_29 = arith.constant 0 : i32
      %dma_start3A_30 = arith.constant 0 : i32
      %dma_start3A_31 = arith.constant 0 : i32
      %dma_start3A_32 = tpu.memref_slice %arg9[%dma_start3A, %dma_start3A_30, %dma_start3A_31] : memref<2x100x128xf32, #tpu.memory_space<vmem>> -> memref<1x100x128xf32, #tpu.memory_space<vmem>>
      %dma_start3A_33 = tpu.memref_squeeze %dma_start3A_32 : memref<1x100x128xf32, #tpu.memory_space<vmem>> -> memref<100x128xf32, #tpu.memory_space<vmem>>
      %dma_start3A_34 = arith.constant 0 : i32
      %dma_start3A_35 = tpu.memref_slice %arg7[%mul3A_28, %dma_start3A_34] : memref<50x100xi32, #tpu.memory_space<vmem>> -> memref<1x100xi32, #tpu.memory_space<vmem>>
      %dma_start3A_36 = tpu.memref_squeeze %dma_start3A_35 : memref<1x100xi32, #tpu.memory_space<vmem>> -> memref<100xi32, #tpu.memory_space<vmem>>
      %dma_start3A_37 = arith.constant 0 : i32
      %dma_start3A_38 = arith.constant 0 : i32
      %dma_start3A_39 = tpu.memref_slice %arg2[%dma_start3A_37, %dma_start3A_38] : memref<10000x128xf32, #tpu.memory_space<hbm>> -> memref<10000x128xf32, #tpu.memory_space<hbm>>
      %dma_start3A_40 = tpu.memref_slice %arg11[%dma_start3A_29] : memref<2x!tpu.dma_semaphore, #tpu.memory_space<semaphore_mem>> -> memref<1x!tpu.dma_semaphore, #tpu.memory_space<semaphore_mem>>
      %dma_start3A_41 = tpu.memref_squeeze %dma_start3A_40 : memref<1x!tpu.dma_semaphore, #tpu.memory_space<semaphore_mem>> -> memref<!tpu.dma_semaphore, #tpu.memory_space<semaphore_mem>>
      tpu.enqueue_indirect_dma source(%dma_start3A_39 : memref<10000x128xf32, #tpu.memory_space<hbm>>) target(%dma_start3A_33 : memref<100x128xf32, #tpu.memory_space<vmem>>) offsets(%dma_start3A_36 : memref<100xi32, #tpu.memory_space<vmem>>) semaphore(%dma_start3A_41 : memref<!tpu.dma_semaphore, #tpu.memory_space<semaphore_mem>>)
      %add3A_42 = arith.constant 0 : i32
      %add3A_43 = arith.addi %mul3A_28, %add3A_42 : i32
      %add3A_44 = arith.constant 1 : i32
      %add3A_45 = arith.addi %add3A_43, %add3A_44 : i32
      %dma_start3A_46 = arith.constant 1 : i32
      %dma_start3A_47 = arith.constant 1 : i32
      %dma_start3A_48 = arith.constant 0 : i32
      %dma_start3A_49 = arith.constant 0 : i32
      %dma_start3A_50 = tpu.memref_slice %arg9[%dma_start3A_46, %dma_start3A_48, %dma_start3A_49] : memref<2x100x128xf32, #tpu.memory_space<vmem>> -> memref<1x100x128xf32, #tpu.memory_space<vmem>>
      %dma_start3A_51 = tpu.memref_squeeze %dma_start3A_50 : memref<1x100x128xf32, #tpu.memory_space<vmem>> -> memref<100x128xf32, #tpu.memory_space<vmem>>
      %dma_start3A_52 = arith.constant 0 : i32
      %dma_start3A_53 = tpu.memref_slice %arg7[%add3A_45, %dma_start3A_52] : memref<50x100xi32, #tpu.memory_space<vmem>> -> memref<1x100xi32, #tpu.memory_space<vmem>>
      %dma_start3A_54 = tpu.memref_squeeze %dma_start3A_53 : memref<1x100xi32, #tpu.memory_space<vmem>> -> memref<100xi32, #tpu.memory_space<vmem>>
      %dma_start3A_55 = arith.constant 0 : i32
      %dma_start3A_56 = arith.constant 0 : i32
      %dma_start3A_57 = tpu.memref_slice %arg2[%dma_start3A_55, %dma_start3A_56] : memref<10000x128xf32, #tpu.memory_space<hbm>> -> memref<10000x128xf32, #tpu.memory_space<hbm>>
      %dma_start3A_58 = tpu.memref_slice %arg11[%dma_start3A_47] : memref<2x!tpu.dma_semaphore, #tpu.memory_space<semaphore_mem>> -> memref<1x!tpu.dma_semaphore, #tpu.memory_space<semaphore_mem>>
      %dma_start3A_59 = tpu.memref_squeeze %dma_start3A_58 : memref<1x!tpu.dma_semaphore, #tpu.memory_space<semaphore_mem>> -> memref<!tpu.dma_semaphore, #tpu.memory_space<semaphore_mem>>
      tpu.enqueue_indirect_dma source(%dma_start3A_57 : memref<10000x128xf32, #tpu.memory_space<hbm>>) target(%dma_start3A_51 : memref<100x128xf32, #tpu.memory_space<vmem>>) offsets(%dma_start3A_54 : memref<100xi32, #tpu.memory_space<vmem>>) semaphore(%dma_start3A_59 : memref<!tpu.dma_semaphore, #tpu.memory_space<semaphore_mem>>)
      %dma_wait3A = arith.constant 0 : i32
      %dma_wait3A_60 = arith.constant 0 : i32
      %dma_wait3A_61 = arith.constant 0 : i32
      %dma_wait3A_62 = arith.constant 0 : i32
      %dma_wait3A_63 = tpu.memref_slice %arg9[%dma_wait3A, %dma_wait3A_61, %dma_wait3A_62] : memref<2x100x128xf32, #tpu.memory_space<vmem>> -> memref<1x100x128xf32, #tpu.memory_space<vmem>>
      %dma_wait3A_64 = tpu.memref_squeeze %dma_wait3A_63 : memref<1x100x128xf32, #tpu.memory_space<vmem>> -> memref<100x128xf32, #tpu.memory_space<vmem>>
      %dma_wait3A_65 = arith.constant 0 : i32
      %dma_wait3A_66 = tpu.memref_slice %arg7[%mul3A_28, %dma_wait3A_65] : memref<50x100xi32, #tpu.memory_space<vmem>> -> memref<1x100xi32, #tpu.memory_space<vmem>>
      %dma_wait3A_67 = tpu.memref_squeeze %dma_wait3A_66 : memref<1x100xi32, #tpu.memory_space<vmem>> -> memref<100xi32, #tpu.memory_space<vmem>>
      %dma_wait3A_68 = arith.constant 0 : i32
      %dma_wait3A_69 = arith.constant 0 : i32
      %dma_wait3A_70 = tpu.memref_slice %arg2[%dma_wait3A_68, %dma_wait3A_69] : memref<10000x128xf32, #tpu.memory_space<hbm>> -> memref<10000x128xf32, #tpu.memory_space<hbm>>
      %dma_wait3A_71 = tpu.memref_slice %arg11[%dma_wait3A_60] : memref<2x!tpu.dma_semaphore, #tpu.memory_space<semaphore_mem>> -> memref<1x!tpu.dma_semaphore, #tpu.memory_space<semaphore_mem>>
      %dma_wait3A_72 = tpu.memref_squeeze %dma_wait3A_71 : memref<1x!tpu.dma_semaphore, #tpu.memory_space<semaphore_mem>> -> memref<!tpu.dma_semaphore, #tpu.memory_space<semaphore_mem>>
      tpu.wait_indirect_dma semaphore(%dma_wait3A_72 : memref<!tpu.dma_semaphore, #tpu.memory_space<semaphore_mem>>) src(%dma_wait3A_70 : memref<10000x128xf32, #tpu.memory_space<hbm>>) dst(%dma_wait3A_64 : memref<100x128xf32, #tpu.memory_space<vmem>>)
      %add3A_73 = arith.constant 0 : i32
      %add3A_74 = arith.addi %mul3A_28, %add3A_73 : i32
      %dma_start3A_75 = arith.constant 0 : i32
      %dma_start3A_76 = arith.constant 0 : i32
      %dma_start3A_77 = arith.constant 0 : i32
      %dma_start3A_78 = arith.constant 0 : i32
      %dma_start3A_79 = tpu.memref_slice %arg9[%dma_start3A_75, %dma_start3A_77, %dma_start3A_78] : memref<2x100x128xf32, #tpu.memory_space<vmem>> -> memref<1x100x128xf32, #tpu.memory_space<vmem>>
      %dma_start3A_80 = tpu.memref_squeeze %dma_start3A_79 : memref<1x100x128xf32, #tpu.memory_space<vmem>> -> memref<100x128xf32, #tpu.memory_space<vmem>>
      %dma_start3A_81 = arith.constant 0 : i32
      %dma_start3A_82 = tpu.memref_slice %arg8[%add3A_74, %dma_start3A_81] : memref<50x100xi32, #tpu.memory_space<vmem>> -> memref<1x100xi32, #tpu.memory_space<vmem>>
      %dma_start3A_83 = tpu.memref_squeeze %dma_start3A_82 : memref<1x100xi32, #tpu.memory_space<vmem>> -> memref<100xi32, #tpu.memory_space<vmem>>
      %dma_start3A_84 = arith.constant 0 : i32
      %dma_start3A_85 = arith.constant 0 : i32
      %dma_start3A_86 = tpu.memref_slice %arg10[%dma_start3A_84, %dma_start3A_85] : memref<10240x128xf32, #tpu.memory_space<vmem_shared>> -> memref<10240x128xf32, #tpu.memory_space<vmem_shared>>
      %dma_start3A_87 = tpu.memref_slice %arg12[%dma_start3A_76] : memref<2x!tpu.dma_semaphore, #tpu.memory_space<semaphore_mem>> -> memref<1x!tpu.dma_semaphore, #tpu.memory_space<semaphore_mem>>
      %dma_start3A_88 = tpu.memref_squeeze %dma_start3A_87 : memref<1x!tpu.dma_semaphore, #tpu.memory_space<semaphore_mem>> -> memref<!tpu.dma_semaphore, #tpu.memory_space<semaphore_mem>>
      tpu.enqueue_indirect_dma source(%dma_start3A_80 : memref<100x128xf32, #tpu.memory_space<vmem>>) target(%dma_start3A_86 : memref<10240x128xf32, #tpu.memory_space<vmem_shared>>) offsets(%dma_start3A_83 : memref<100xi32, #tpu.memory_space<vmem>>) semaphore(%dma_start3A_88 : memref<!tpu.dma_semaphore, #tpu.memory_space<semaphore_mem>>) {add = true}
      %dma_wait3A_89 = arith.constant 0 : i32
      %dma_wait3A_90 = arith.constant 0 : i32
      %dma_wait3A_91 = arith.constant 0 : i32
      %dma_wait3A_92 = arith.constant 0 : i32
      %dma_wait3A_93 = tpu.memref_slice %arg9[%dma_wait3A_89, %dma_wait3A_91, %dma_wait3A_92] : memref<2x100x128xf32, #tpu.memory_space<vmem>> -> memref<1x100x128xf32, #tpu.memory_space<vmem>>
      %dma_wait3A_94 = tpu.memref_squeeze %dma_wait3A_93 : memref<1x100x128xf32, #tpu.memory_space<vmem>> -> memref<100x128xf32, #tpu.memory_space<vmem>>
      %dma_wait3A_95 = arith.constant 0 : i32
      %dma_wait3A_96 = tpu.memref_slice %arg8[%add3A_74, %dma_wait3A_95] : memref<50x100xi32, #tpu.memory_space<vmem>> -> memref<1x100xi32, #tpu.memory_space<vmem>>
      %dma_wait3A_97 = tpu.memref_squeeze %dma_wait3A_96 : memref<1x100xi32, #tpu.memory_space<vmem>> -> memref<100xi32, #tpu.memory_space<vmem>>
      %dma_wait3A_98 = arith.constant 0 : i32
      %dma_wait3A_99 = arith.constant 0 : i32
      %dma_wait3A_100 = tpu.memref_slice %arg10[%dma_wait3A_98, %dma_wait3A_99] : memref<10240x128xf32, #tpu.memory_space<vmem_shared>> -> memref<10240x128xf32, #tpu.memory_space<vmem_shared>>
      %dma_wait3A_101 = tpu.memref_slice %arg12[%dma_wait3A_90] : memref<2x!tpu.dma_semaphore, #tpu.memory_space<semaphore_mem>> -> memref<1x!tpu.dma_semaphore, #tpu.memory_space<semaphore_mem>>
      %dma_wait3A_102 = tpu.memref_squeeze %dma_wait3A_101 : memref<1x!tpu.dma_semaphore, #tpu.memory_space<semaphore_mem>> -> memref<!tpu.dma_semaphore, #tpu.memory_space<semaphore_mem>>
      tpu.wait_indirect_dma semaphore(%dma_wait3A_102 : memref<!tpu.dma_semaphore, #tpu.memory_space<semaphore_mem>>) src(%dma_wait3A_94 : memref<100x128xf32, #tpu.memory_space<vmem>>) dst(%dma_wait3A_100 : memref<10240x128xf32, #tpu.memory_space<vmem_shared>>)
      %add3A_103 = arith.constant 1 : i32
      %add3A_104 = arith.addi %mul3A_28, %add3A_103 : i32
      %add3A_105 = arith.constant 1 : i32
      %add3A_106 = arith.addi %add3A_104, %add3A_105 : i32
      %dma_start3A_107 = arith.constant 0 : i32
      %dma_start3A_108 = arith.constant 0 : i32
      %dma_start3A_109 = arith.constant 0 : i32
      %dma_start3A_110 = arith.constant 0 : i32
      %dma_start3A_111 = tpu.memref_slice %arg9[%dma_start3A_107, %dma_start3A_109, %dma_start3A_110] : memref<2x100x128xf32, #tpu.memory_space<vmem>> -> memref<1x100x128xf32, #tpu.memory_space<vmem>>
      %dma_start3A_112 = tpu.memref_squeeze %dma_start3A_111 : memref<1x100x128xf32, #tpu.memory_space<vmem>> -> memref<100x128xf32, #tpu.memory_space<vmem>>
      %dma_start3A_113 = arith.constant 0 : i32
      %dma_start3A_114 = tpu.memref_slice %arg7[%add3A_106, %dma_start3A_113] : memref<50x100xi32, #tpu.memory_space<vmem>> -> memref<1x100xi32, #tpu.memory_space<vmem>>
      %dma_start3A_115 = tpu.memref_squeeze %dma_start3A_114 : memref<1x100xi32, #tpu.memory_space<vmem>> -> memref<100xi32, #tpu.memory_space<vmem>>
      %dma_start3A_116 = arith.constant 0 : i32
      %dma_start3A_117 = arith.constant 0 : i32
      %dma_start3A_118 = tpu.memref_slice %arg2[%dma_start3A_116, %dma_start3A_117] : memref<10000x128xf32, #tpu.memory_space<hbm>> -> memref<10000x128xf32, #tpu.memory_space<hbm>>
      %dma_start3A_119 = tpu.memref_slice %arg11[%dma_start3A_108] : memref<2x!tpu.dma_semaphore, #tpu.memory_space<semaphore_mem>> -> memref<1x!tpu.dma_semaphore, #tpu.memory_space<semaphore_mem>>
      %dma_start3A_120 = tpu.memref_squeeze %dma_start3A_119 : memref<1x!tpu.dma_semaphore, #tpu.memory_space<semaphore_mem>> -> memref<!tpu.dma_semaphore, #tpu.memory_space<semaphore_mem>>
      tpu.enqueue_indirect_dma source(%dma_start3A_118 : memref<10000x128xf32, #tpu.memory_space<hbm>>) target(%dma_start3A_112 : memref<100x128xf32, #tpu.memory_space<vmem>>) offsets(%dma_start3A_115 : memref<100xi32, #tpu.memory_space<vmem>>) semaphore(%dma_start3A_120 : memref<!tpu.dma_semaphore, #tpu.memory_space<semaphore_mem>>)
      %dma_wait3A_121 = arith.constant 1 : i32
      %dma_wait3A_122 = arith.constant 1 : i32
      %dma_wait3A_123 = arith.constant 0 : i32
      %dma_wait3A_124 = arith.constant 0 : i32
      %dma_wait3A_125 = tpu.memref_slice %arg9[%dma_wait3A_121, %dma_wait3A_123, %dma_wait3A_124] : memref<2x100x128xf32, #tpu.memory_space<vmem>> -> memref<1x100x128xf32, #tpu.memory_space<vmem>>
      %dma_wait3A_126 = tpu.memref_squeeze %dma_wait3A_125 : memref<1x100x128xf32, #tpu.memory_space<vmem>> -> memref<100x128xf32, #tpu.memory_space<vmem>>
      %dma_wait3A_127 = arith.constant 0 : i32
      %dma_wait3A_128 = tpu.memref_slice %arg7[%add3A_45, %dma_wait3A_127] : memref<50x100xi32, #tpu.memory_space<vmem>> -> memref<1x100xi32, #tpu.memory_space<vmem>>
      %dma_wait3A_129 = tpu.memref_squeeze %dma_wait3A_128 : memref<1x100xi32, #tpu.memory_space<vmem>> -> memref<100xi32, #tpu.memory_space<vmem>>
      %dma_wait3A_130 = arith.constant 0 : i32
      %dma_wait3A_131 = arith.constant 0 : i32
      %dma_wait3A_132 = tpu.memref_slice %arg2[%dma_wait3A_130, %dma_wait3A_131] : memref<10000x128xf32, #tpu.memory_space<hbm>> -> memref<10000x128xf32, #tpu.memory_space<hbm>>
      %dma_wait3A_133 = tpu.memref_slice %arg11[%dma_wait3A_122] : memref<2x!tpu.dma_semaphore, #tpu.memory_space<semaphore_mem>> -> memref<1x!tpu.dma_semaphore, #tpu.memory_space<semaphore_mem>>
      %dma_wait3A_134 = tpu.memref_squeeze %dma_wait3A_133 : memref<1x!tpu.dma_semaphore, #tpu.memory_space<semaphore_mem>> -> memref<!tpu.dma_semaphore, #tpu.memory_space<semaphore_mem>>
      tpu.wait_indirect_dma semaphore(%dma_wait3A_134 : memref<!tpu.dma_semaphore, #tpu.memory_space<semaphore_mem>>) src(%dma_wait3A_132 : memref<10000x128xf32, #tpu.memory_space<hbm>>) dst(%dma_wait3A_126 : memref<100x128xf32, #tpu.memory_space<vmem>>)
      %add3A_135 = arith.constant 1 : i32
      %add3A_136 = arith.addi %mul3A_28, %add3A_135 : i32
      %dma_start3A_137 = arith.constant 1 : i32
      %dma_start3A_138 = arith.constant 1 : i32
      %dma_start3A_139 = arith.constant 0 : i32
      %dma_start3A_140 = arith.constant 0 : i32
      %dma_start3A_141 = tpu.memref_slice %arg9[%dma_start3A_137, %dma_start3A_139, %dma_start3A_140] : memref<2x100x128xf32, #tpu.memory_space<vmem>> -> memref<1x100x128xf32, #tpu.memory_space<vmem>>
      %dma_start3A_142 = tpu.memref_squeeze %dma_start3A_141 : memref<1x100x128xf32, #tpu.memory_space<vmem>> -> memref<100x128xf32, #tpu.memory_space<vmem>>
      %dma_start3A_143 = arith.constant 0 : i32
      %dma_start3A_144 = tpu.memref_slice %arg8[%add3A_136, %dma_start3A_143] : memref<50x100xi32, #tpu.memory_space<vmem>> -> memref<1x100xi32, #tpu.memory_space<vmem>>
      %dma_start3A_145 = tpu.memref_squeeze %dma_start3A_144 : memref<1x100xi32, #tpu.memory_space<vmem>> -> memref<100xi32, #tpu.memory_space<vmem>>
      %dma_start3A_146 = arith.constant 0 : i32
      %dma_start3A_147 = arith.constant 0 : i32
      %dma_start3A_148 = tpu.memref_slice %arg10[%dma_start3A_146, %dma_start3A_147] : memref<10240x128xf32, #tpu.memory_space<vmem_shared>> -> memref<10240x128xf32, #tpu.memory_space<vmem_shared>>
      %dma_start3A_149 = tpu.memref_slice %arg12[%dma_start3A_138] : memref<2x!tpu.dma_semaphore, #tpu.memory_space<semaphore_mem>> -> memref<1x!tpu.dma_semaphore, #tpu.memory_space<semaphore_mem>>
      %dma_start3A_150 = tpu.memref_squeeze %dma_start3A_149 : memref<1x!tpu.dma_semaphore, #tpu.memory_space<semaphore_mem>> -> memref<!tpu.dma_semaphore, #tpu.memory_space<semaphore_mem>>
      tpu.enqueue_indirect_dma source(%dma_start3A_142 : memref<100x128xf32, #tpu.memory_space<vmem>>) target(%dma_start3A_148 : memref<10240x128xf32, #tpu.memory_space<vmem_shared>>) offsets(%dma_start3A_145 : memref<100xi32, #tpu.memory_space<vmem>>) semaphore(%dma_start3A_150 : memref<!tpu.dma_semaphore, #tpu.memory_space<semaphore_mem>>) {add = true}
      %dma_wait3A_151 = arith.constant 1 : i32
      %dma_wait3A_152 = arith.constant 1 : i32
      %dma_wait3A_153 = arith.constant 0 : i32
      %dma_wait3A_154 = arith.constant 0 : i32
      %dma_wait3A_155 = tpu.memref_slice %arg9[%dma_wait3A_151, %dma_wait3A_153, %dma_wait3A_154] : memref<2x100x128xf32, #tpu.memory_space<vmem>> -> memref<1x100x128xf32, #tpu.memory_space<vmem>>
      %dma_wait3A_156 = tpu.memref_squeeze %dma_wait3A_155 : memref<1x100x128xf32, #tpu.memory_space<vmem>> -> memref<100x128xf32, #tpu.memory_space<vmem>>
      %dma_wait3A_157 = arith.constant 0 : i32
      %dma_wait3A_158 = tpu.memref_slice %arg8[%add3A_136, %dma_wait3A_157] : memref<50x100xi32, #tpu.memory_space<vmem>> -> memref<1x100xi32, #tpu.memory_space<vmem>>
      %dma_wait3A_159 = tpu.memref_squeeze %dma_wait3A_158 : memref<1x100xi32, #tpu.memory_space<vmem>> -> memref<100xi32, #tpu.memory_space<vmem>>
      %dma_wait3A_160 = arith.constant 0 : i32
      %dma_wait3A_161 = arith.constant 0 : i32
      %dma_wait3A_162 = tpu.memref_slice %arg10[%dma_wait3A_160, %dma_wait3A_161] : memref<10240x128xf32, #tpu.memory_space<vmem_shared>> -> memref<10240x128xf32, #tpu.memory_space<vmem_shared>>
      %dma_wait3A_163 = tpu.memref_slice %arg12[%dma_wait3A_152] : memref<2x!tpu.dma_semaphore, #tpu.memory_space<semaphore_mem>> -> memref<1x!tpu.dma_semaphore, #tpu.memory_space<semaphore_mem>>
      %dma_wait3A_164 = tpu.memref_squeeze %dma_wait3A_163 : memref<1x!tpu.dma_semaphore, #tpu.memory_space<semaphore_mem>> -> memref<!tpu.dma_semaphore, #tpu.memory_space<semaphore_mem>>
      tpu.wait_indirect_dma semaphore(%dma_wait3A_164 : memref<!tpu.dma_semaphore, #tpu.memory_space<semaphore_mem>>) src(%dma_wait3A_156 : memref<100x128xf32, #tpu.memory_space<vmem>>) dst(%dma_wait3A_162 : memref<10240x128xf32, #tpu.memory_space<vmem_shared>>)
      %add3A_165 = arith.constant 2 : i32
      %add3A_166 = arith.addi %mul3A_28, %add3A_165 : i32
      %add3A_167 = arith.constant 1 : i32
      %add3A_168 = arith.addi %add3A_166, %add3A_167 : i32
      %dma_start3A_169 = arith.constant 1 : i32
      %dma_start3A_170 = arith.constant 1 : i32
      %dma_start3A_171 = arith.constant 0 : i32
      %dma_start3A_172 = arith.constant 0 : i32
      %dma_start3A_173 = tpu.memref_slice %arg9[%dma_start3A_169, %dma_start3A_171, %dma_start3A_172] : memref<2x100x128xf32, #tpu.memory_space<vmem>> -> memref<1x100x128xf32, #tpu.memory_space<vmem>>
      %dma_start3A_174 = tpu.memref_squeeze %dma_start3A_173 : memref<1x100x128xf32, #tpu.memory_space<vmem>> -> memref<100x128xf32, #tpu.memory_space<vmem>>
      %dma_start3A_175 = arith.constant 0 : i32
      %dma_start3A_176 = tpu.memref_slice %arg7[%add3A_168, %dma_start3A_175] : memref<50x100xi32, #tpu.memory_space<vmem>> -> memref<1x100xi32, #tpu.memory_space<vmem>>
      %dma_start3A_177 = tpu.memref_squeeze %dma_start3A_176 : memref<1x100xi32, #tpu.memory_space<vmem>> -> memref<100xi32, #tpu.memory_space<vmem>>
      %dma_start3A_178 = arith.constant 0 : i32
      %dma_start3A_179 = arith.constant 0 : i32
      %dma_start3A_180 = tpu.memref_slice %arg2[%dma_start3A_178, %dma_start3A_179] : memref<10000x128xf32, #tpu.memory_space<hbm>> -> memref<10000x128xf32, #tpu.memory_space<hbm>>
      %dma_start3A_181 = tpu.memref_slice %arg11[%dma_start3A_170] : memref<2x!tpu.dma_semaphore, #tpu.memory_space<semaphore_mem>> -> memref<1x!tpu.dma_semaphore, #tpu.memory_space<semaphore_mem>>
      %dma_start3A_182 = tpu.memref_squeeze %dma_start3A_181 : memref<1x!tpu.dma_semaphore, #tpu.memory_space<semaphore_mem>> -> memref<!tpu.dma_semaphore, #tpu.memory_space<semaphore_mem>>
      tpu.enqueue_indirect_dma source(%dma_start3A_180 : memref<10000x128xf32, #tpu.memory_space<hbm>>) target(%dma_start3A_174 : memref<100x128xf32, #tpu.memory_space<vmem>>) offsets(%dma_start3A_177 : memref<100xi32, #tpu.memory_space<vmem>>) semaphore(%dma_start3A_182 : memref<!tpu.dma_semaphore, #tpu.memory_space<semaphore_mem>>)
      %dma_wait3A_183 = arith.constant 0 : i32
      %dma_wait3A_184 = arith.constant 0 : i32
      %dma_wait3A_185 = arith.constant 0 : i32
      %dma_wait3A_186 = arith.constant 0 : i32
      %dma_wait3A_187 = tpu.memref_slice %arg9[%dma_wait3A_183, %dma_wait3A_185, %dma_wait3A_186] : memref<2x100x128xf32, #tpu.memory_space<vmem>> -> memref<1x100x128xf32, #tpu.memory_space<vmem>>
      %dma_wait3A_188 = tpu.memref_squeeze %dma_wait3A_187 : memref<1x100x128xf32, #tpu.memory_space<vmem>> -> memref<100x128xf32, #tpu.memory_space<vmem>>
      %dma_wait3A_189 = arith.constant 0 : i32
      %dma_wait3A_190 = tpu.memref_slice %arg7[%add3A_106, %dma_wait3A_189] : memref<50x100xi32, #tpu.memory_space<vmem>> -> memref<1x100xi32, #tpu.memory_space<vmem>>
      %dma_wait3A_191 = tpu.memref_squeeze %dma_wait3A_190 : memref<1x100xi32, #tpu.memory_space<vmem>> -> memref<100xi32, #tpu.memory_space<vmem>>
      %dma_wait3A_192 = arith.constant 0 : i32
      %dma_wait3A_193 = arith.constant 0 : i32
      %dma_wait3A_194 = tpu.memref_slice %arg2[%dma_wait3A_192, %dma_wait3A_193] : memref<10000x128xf32, #tpu.memory_space<hbm>> -> memref<10000x128xf32, #tpu.memory_space<hbm>>
      %dma_wait3A_195 = tpu.memref_slice %arg11[%dma_wait3A_184] : memref<2x!tpu.dma_semaphore, #tpu.memory_space<semaphore_mem>> -> memref<1x!tpu.dma_semaphore, #tpu.memory_space<semaphore_mem>>
      %dma_wait3A_196 = tpu.memref_squeeze %dma_wait3A_195 : memref<1x!tpu.dma_semaphore, #tpu.memory_space<semaphore_mem>> -> memref<!tpu.dma_semaphore, #tpu.memory_space<semaphore_mem>>
      tpu.wait_indirect_dma semaphore(%dma_wait3A_196 : memref<!tpu.dma_semaphore, #tpu.memory_space<semaphore_mem>>) src(%dma_wait3A_194 : memref<10000x128xf32, #tpu.memory_space<hbm>>) dst(%dma_wait3A_188 : memref<100x128xf32, #tpu.memory_space<vmem>>)
      %add3A_197 = arith.constant 2 : i32
      %add3A_198 = arith.addi %mul3A_28, %add3A_197 : i32
      %dma_start3A_199 = arith.constant 0 : i32
      %dma_start3A_200 = arith.constant 0 : i32
      %dma_start3A_201 = arith.constant 0 : i32
      %dma_start3A_202 = arith.constant 0 : i32
      %dma_start3A_203 = tpu.memref_slice %arg9[%dma_start3A_199, %dma_start3A_201, %dma_start3A_202] : memref<2x100x128xf32, #tpu.memory_space<vmem>> -> memref<1x100x128xf32, #tpu.memory_space<vmem>>
      %dma_start3A_204 = tpu.memref_squeeze %dma_start3A_203 : memref<1x100x128xf32, #tpu.memory_space<vmem>> -> memref<100x128xf32, #tpu.memory_space<vmem>>
      %dma_start3A_205 = arith.constant 0 : i32
      %dma_start3A_206 = tpu.memref_slice %arg8[%add3A_198, %dma_start3A_205] : memref<50x100xi32, #tpu.memory_space<vmem>> -> memref<1x100xi32, #tpu.memory_space<vmem>>
      %dma_start3A_207 = tpu.memref_squeeze %dma_start3A_206 : memref<1x100xi32, #tpu.memory_space<vmem>> -> memref<100xi32, #tpu.memory_space<vmem>>
      %dma_start3A_208 = arith.constant 0 : i32
      %dma_start3A_209 = arith.constant 0 : i32
      %dma_start3A_210 = tpu.memref_slice %arg10[%dma_start3A_208, %dma_start3A_209] : memref<10240x128xf32, #tpu.memory_space<vmem_shared>> -> memref<10240x128xf32, #tpu.memory_space<vmem_shared>>
      %dma_start3A_211 = tpu.memref_slice %arg12[%dma_start3A_200] : memref<2x!tpu.dma_semaphore, #tpu.memory_space<semaphore_mem>> -> memref<1x!tpu.dma_semaphore, #tpu.memory_space<semaphore_mem>>
      %dma_start3A_212 = tpu.memref_squeeze %dma_start3A_211 : memref<1x!tpu.dma_semaphore, #tpu.memory_space<semaphore_mem>> -> memref<!tpu.dma_semaphore, #tpu.memory_space<semaphore_mem>>
      tpu.enqueue_indirect_dma source(%dma_start3A_204 : memref<100x128xf32, #tpu.memory_space<vmem>>) target(%dma_start3A_210 : memref<10240x128xf32, #tpu.memory_space<vmem_shared>>) offsets(%dma_start3A_207 : memref<100xi32, #tpu.memory_space<vmem>>) semaphore(%dma_start3A_212 : memref<!tpu.dma_semaphore, #tpu.memory_space<semaphore_mem>>) {add = true}
      %dma_wait3A_213 = arith.constant 0 : i32
      %dma_wait3A_214 = arith.constant 0 : i32
      %dma_wait3A_215 = arith.constant 0 : i32
      %dma_wait3A_216 = arith.constant 0 : i32
      %dma_wait3A_217 = tpu.memref_slice %arg9[%dma_wait3A_213, %dma_wait3A_215, %dma_wait3A_216] : memref<2x100x128xf32, #tpu.memory_space<vmem>> -> memref<1x100x128xf32, #tpu.memory_space<vmem>>
      %dma_wait3A_218 = tpu.memref_squeeze %dma_wait3A_217 : memref<1x100x128xf32, #tpu.memory_space<vmem>> -> memref<100x128xf32, #tpu.memory_space<vmem>>
      %dma_wait3A_219 = arith.constant 0 : i32
      %dma_wait3A_220 = tpu.memref_slice %arg8[%add3A_198, %dma_wait3A_219] : memref<50x100xi32, #tpu.memory_space<vmem>> -> memref<1x100xi32, #tpu.memory_space<vmem>>
      %dma_wait3A_221 = tpu.memref_squeeze %dma_wait3A_220 : memref<1x100xi32, #tpu.memory_space<vmem>> -> memref<100xi32, #tpu.memory_space<vmem>>
      %dma_wait3A_222 = arith.constant 0 : i32
      %dma_wait3A_223 = arith.constant 0 : i32
      %dma_wait3A_224 = tpu.memref_slice %arg10[%dma_wait3A_222, %dma_wait3A_223] : memref<10240x128xf32, #tpu.memory_space<vmem_shared>> -> memref<10240x128xf32, #tpu.memory_space<vmem_shared>>
      %dma_wait3A_225 = tpu.memref_slice %arg12[%dma_wait3A_214] : memref<2x!tpu.dma_semaphore, #tpu.memory_space<semaphore_mem>> -> memref<1x!tpu.dma_semaphore, #tpu.memory_space<semaphore_mem>>
      %dma_wait3A_226 = tpu.memref_squeeze %dma_wait3A_225 : memref<1x!tpu.dma_semaphore, #tpu.memory_space<semaphore_mem>> -> memref<!tpu.dma_semaphore, #tpu.memory_space<semaphore_mem>>
      tpu.wait_indirect_dma semaphore(%dma_wait3A_226 : memref<!tpu.dma_semaphore, #tpu.memory_space<semaphore_mem>>) src(%dma_wait3A_218 : memref<100x128xf32, #tpu.memory_space<vmem>>) dst(%dma_wait3A_224 : memref<10240x128xf32, #tpu.memory_space<vmem_shared>>)
      %add3A_227 = arith.constant 3 : i32
      %add3A_228 = arith.addi %mul3A_28, %add3A_227 : i32
      %add3A_229 = arith.constant 1 : i32
      %add3A_230 = arith.addi %add3A_228, %add3A_229 : i32
      %dma_start3A_231 = arith.constant 0 : i32
      %dma_start3A_232 = arith.constant 0 : i32
      %dma_start3A_233 = arith.constant 0 : i32
      %dma_start3A_234 = arith.constant 0 : i32
      %dma_start3A_235 = tpu.memref_slice %arg9[%dma_start3A_231, %dma_start3A_233, %dma_start3A_234] : memref<2x100x128xf32, #tpu.memory_space<vmem>> -> memref<1x100x128xf32, #tpu.memory_space<vmem>>
      %dma_start3A_236 = tpu.memref_squeeze %dma_start3A_235 : memref<1x100x128xf32, #tpu.memory_space<vmem>> -> memref<100x128xf32, #tpu.memory_space<vmem>>
      %dma_start3A_237 = arith.constant 0 : i32
      %dma_start3A_238 = tpu.memref_slice %arg7[%add3A_230, %dma_start3A_237] : memref<50x100xi32, #tpu.memory_space<vmem>> -> memref<1x100xi32, #tpu.memory_space<vmem>>
      %dma_start3A_239 = tpu.memref_squeeze %dma_start3A_238 : memref<1x100xi32, #tpu.memory_space<vmem>> -> memref<100xi32, #tpu.memory_space<vmem>>
      %dma_start3A_240 = arith.constant 0 : i32
      %dma_start3A_241 = arith.constant 0 : i32
      %dma_start3A_242 = tpu.memref_slice %arg2[%dma_start3A_240, %dma_start3A_241] : memref<10000x128xf32, #tpu.memory_space<hbm>> -> memref<10000x128xf32, #tpu.memory_space<hbm>>
      %dma_start3A_243 = tpu.memref_slice %arg11[%dma_start3A_232] : memref<2x!tpu.dma_semaphore, #tpu.memory_space<semaphore_mem>> -> memref<1x!tpu.dma_semaphore, #tpu.memory_space<semaphore_mem>>
      %dma_start3A_244 = tpu.memref_squeeze %dma_start3A_243 : memref<1x!tpu.dma_semaphore, #tpu.memory_space<semaphore_mem>> -> memref<!tpu.dma_semaphore, #tpu.memory_space<semaphore_mem>>
      tpu.enqueue_indirect_dma source(%dma_start3A_242 : memref<10000x128xf32, #tpu.memory_space<hbm>>) target(%dma_start3A_236 : memref<100x128xf32, #tpu.memory_space<vmem>>) offsets(%dma_start3A_239 : memref<100xi32, #tpu.memory_space<vmem>>) semaphore(%dma_start3A_244 : memref<!tpu.dma_semaphore, #tpu.memory_space<semaphore_mem>>)
      %dma_wait3A_245 = arith.constant 1 : i32
      %dma_wait3A_246 = arith.constant 1 : i32
      %dma_wait3A_247 = arith.constant 0 : i32
      %dma_wait3A_248 = arith.constant 0 : i32
      %dma_wait3A_249 = tpu.memref_slice %arg9[%dma_wait3A_245, %dma_wait3A_247, %dma_wait3A_248] : memref<2x100x128xf32, #tpu.memory_space<vmem>> -> memref<1x100x128xf32, #tpu.memory_space<vmem>>
      %dma_wait3A_250 = tpu.memref_squeeze %dma_wait3A_249 : memref<1x100x128xf32, #tpu.memory_space<vmem>> -> memref<100x128xf32, #tpu.memory_space<vmem>>
      %dma_wait3A_251 = arith.constant 0 : i32
      %dma_wait3A_252 = tpu.memref_slice %arg7[%add3A_168, %dma_wait3A_251] : memref<50x100xi32, #tpu.memory_space<vmem>> -> memref<1x100xi32, #tpu.memory_space<vmem>>
      %dma_wait3A_253 = tpu.memref_squeeze %dma_wait3A_252 : memref<1x100xi32, #tpu.memory_space<vmem>> -> memref<100xi32, #tpu.memory_space<vmem>>
      %dma_wait3A_254 = arith.constant 0 : i32
      %dma_wait3A_255 = arith.constant 0 : i32
      %dma_wait3A_256 = tpu.memref_slice %arg2[%dma_wait3A_254, %dma_wait3A_255] : memref<10000x128xf32, #tpu.memory_space<hbm>> -> memref<10000x128xf32, #tpu.memory_space<hbm>>
      %dma_wait3A_257 = tpu.memref_slice %arg11[%dma_wait3A_246] : memref<2x!tpu.dma_semaphore, #tpu.memory_space<semaphore_mem>> -> memref<1x!tpu.dma_semaphore, #tpu.memory_space<semaphore_mem>>
      %dma_wait3A_258 = tpu.memref_squeeze %dma_wait3A_257 : memref<1x!tpu.dma_semaphore, #tpu.memory_space<semaphore_mem>> -> memref<!tpu.dma_semaphore, #tpu.memory_space<semaphore_mem>>
      tpu.wait_indirect_dma semaphore(%dma_wait3A_258 : memref<!tpu.dma_semaphore, #tpu.memory_space<semaphore_mem>>) src(%dma_wait3A_256 : memref<10000x128xf32, #tpu.memory_space<hbm>>) dst(%dma_wait3A_250 : memref<100x128xf32, #tpu.memory_space<vmem>>)
      %add3A_259 = arith.constant 3 : i32
      %add3A_260 = arith.addi %mul3A_28, %add3A_259 : i32
      %dma_start3A_261 = arith.constant 1 : i32
      %dma_start3A_262 = arith.constant 1 : i32
      %dma_start3A_263 = arith.constant 0 : i32
      %dma_start3A_264 = arith.constant 0 : i32
      %dma_start3A_265 = tpu.memref_slice %arg9[%dma_start3A_261, %dma_start3A_263, %dma_start3A_264] : memref<2x100x128xf32, #tpu.memory_space<vmem>> -> memref<1x100x128xf32, #tpu.memory_space<vmem>>
      %dma_start3A_266 = tpu.memref_squeeze %dma_start3A_265 : memref<1x100x128xf32, #tpu.memory_space<vmem>> -> memref<100x128xf32, #tpu.memory_space<vmem>>
      %dma_start3A_267 = arith.constant 0 : i32
      %dma_start3A_268 = tpu.memref_slice %arg8[%add3A_260, %dma_start3A_267] : memref<50x100xi32, #tpu.memory_space<vmem>> -> memref<1x100xi32, #tpu.memory_space<vmem>>
      %dma_start3A_269 = tpu.memref_squeeze %dma_start3A_268 : memref<1x100xi32, #tpu.memory_space<vmem>> -> memref<100xi32, #tpu.memory_space<vmem>>
      %dma_start3A_270 = arith.constant 0 : i32
      %dma_start3A_271 = arith.constant 0 : i32
      %dma_start3A_272 = tpu.memref_slice %arg10[%dma_start3A_270, %dma_start3A_271] : memref<10240x128xf32, #tpu.memory_space<vmem_shared>> -> memref<10240x128xf32, #tpu.memory_space<vmem_shared>>
      %dma_start3A_273 = tpu.memref_slice %arg12[%dma_start3A_262] : memref<2x!tpu.dma_semaphore, #tpu.memory_space<semaphore_mem>> -> memref<1x!tpu.dma_semaphore, #tpu.memory_space<semaphore_mem>>
      %dma_start3A_274 = tpu.memref_squeeze %dma_start3A_273 : memref<1x!tpu.dma_semaphore, #tpu.memory_space<semaphore_mem>> -> memref<!tpu.dma_semaphore, #tpu.memory_space<semaphore_mem>>
      tpu.enqueue_indirect_dma source(%dma_start3A_266 : memref<100x128xf32, #tpu.memory_space<vmem>>) target(%dma_start3A_272 : memref<10240x128xf32, #tpu.memory_space<vmem_shared>>) offsets(%dma_start3A_269 : memref<100xi32, #tpu.memory_space<vmem>>) semaphore(%dma_start3A_274 : memref<!tpu.dma_semaphore, #tpu.memory_space<semaphore_mem>>) {add = true}
      %dma_wait3A_275 = arith.constant 1 : i32
      %dma_wait3A_276 = arith.constant 1 : i32
      %dma_wait3A_277 = arith.constant 0 : i32
      %dma_wait3A_278 = arith.constant 0 : i32
      %dma_wait3A_279 = tpu.memref_slice %arg9[%dma_wait3A_275, %dma_wait3A_277, %dma_wait3A_278] : memref<2x100x128xf32, #tpu.memory_space<vmem>> -> memref<1x100x128xf32, #tpu.memory_space<vmem>>
      %dma_wait3A_280 = tpu.memref_squeeze %dma_wait3A_279 : memref<1x100x128xf32, #tpu.memory_space<vmem>> -> memref<100x128xf32, #tpu.memory_space<vmem>>
      %dma_wait3A_281 = arith.constant 0 : i32
      %dma_wait3A_282 = tpu.memref_slice %arg8[%add3A_260, %dma_wait3A_281] : memref<50x100xi32, #tpu.memory_space<vmem>> -> memref<1x100xi32, #tpu.memory_space<vmem>>
      %dma_wait3A_283 = tpu.memref_squeeze %dma_wait3A_282 : memref<1x100xi32, #tpu.memory_space<vmem>> -> memref<100xi32, #tpu.memory_space<vmem>>
      %dma_wait3A_284 = arith.constant 0 : i32
      %dma_wait3A_285 = arith.constant 0 : i32
      %dma_wait3A_286 = tpu.memref_slice %arg10[%dma_wait3A_284, %dma_wait3A_285] : memref<10240x128xf32, #tpu.memory_space<vmem_shared>> -> memref<10240x128xf32, #tpu.memory_space<vmem_shared>>
      %dma_wait3A_287 = tpu.memref_slice %arg12[%dma_wait3A_276] : memref<2x!tpu.dma_semaphore, #tpu.memory_space<semaphore_mem>> -> memref<1x!tpu.dma_semaphore, #tpu.memory_space<semaphore_mem>>
      %dma_wait3A_288 = tpu.memref_squeeze %dma_wait3A_287 : memref<1x!tpu.dma_semaphore, #tpu.memory_space<semaphore_mem>> -> memref<!tpu.dma_semaphore, #tpu.memory_space<semaphore_mem>>
      tpu.wait_indirect_dma semaphore(%dma_wait3A_288 : memref<!tpu.dma_semaphore, #tpu.memory_space<semaphore_mem>>) src(%dma_wait3A_280 : memref<100x128xf32, #tpu.memory_space<vmem>>) dst(%dma_wait3A_286 : memref<10240x128xf32, #tpu.memory_space<vmem_shared>>)
      %add3A_289 = arith.constant 4 : i32
      %add3A_290 = arith.addi %mul3A_28, %add3A_289 : i32
      %add3A_291 = arith.constant 1 : i32
      %add3A_292 = arith.addi %add3A_290, %add3A_291 : i32
      %dma_start3A_293 = arith.constant 1 : i32
      %dma_start3A_294 = arith.constant 1 : i32
      %dma_start3A_295 = arith.constant 0 : i32
      %dma_start3A_296 = arith.constant 0 : i32
      %dma_start3A_297 = tpu.memref_slice %arg9[%dma_start3A_293, %dma_start3A_295, %dma_start3A_296] : memref<2x100x128xf32, #tpu.memory_space<vmem>> -> memref<1x100x128xf32, #tpu.memory_space<vmem>>
      %dma_start3A_298 = tpu.memref_squeeze %dma_start3A_297 : memref<1x100x128xf32, #tpu.memory_space<vmem>> -> memref<100x128xf32, #tpu.memory_space<vmem>>
      %dma_start3A_299 = arith.constant 0 : i32
      %dma_start3A_300 = tpu.memref_slice %arg7[%add3A_292, %dma_start3A_299] : memref<50x100xi32, #tpu.memory_space<vmem>> -> memref<1x100xi32, #tpu.memory_space<vmem>>
      %dma_start3A_301 = tpu.memref_squeeze %dma_start3A_300 : memref<1x100xi32, #tpu.memory_space<vmem>> -> memref<100xi32, #tpu.memory_space<vmem>>
      %dma_start3A_302 = arith.constant 0 : i32
      %dma_start3A_303 = arith.constant 0 : i32
      %dma_start3A_304 = tpu.memref_slice %arg2[%dma_start3A_302, %dma_start3A_303] : memref<10000x128xf32, #tpu.memory_space<hbm>> -> memref<10000x128xf32, #tpu.memory_space<hbm>>
      %dma_start3A_305 = tpu.memref_slice %arg11[%dma_start3A_294] : memref<2x!tpu.dma_semaphore, #tpu.memory_space<semaphore_mem>> -> memref<1x!tpu.dma_semaphore, #tpu.memory_space<semaphore_mem>>
      %dma_start3A_306 = tpu.memref_squeeze %dma_start3A_305 : memref<1x!tpu.dma_semaphore, #tpu.memory_space<semaphore_mem>> -> memref<!tpu.dma_semaphore, #tpu.memory_space<semaphore_mem>>
      tpu.enqueue_indirect_dma source(%dma_start3A_304 : memref<10000x128xf32, #tpu.memory_space<hbm>>) target(%dma_start3A_298 : memref<100x128xf32, #tpu.memory_space<vmem>>) offsets(%dma_start3A_301 : memref<100xi32, #tpu.memory_space<vmem>>) semaphore(%dma_start3A_306 : memref<!tpu.dma_semaphore, #tpu.memory_space<semaphore_mem>>)
      %dma_wait3A_307 = arith.constant 0 : i32
      %dma_wait3A_308 = arith.constant 0 : i32
      %dma_wait3A_309 = arith.constant 0 : i32
      %dma_wait3A_310 = arith.constant 0 : i32
      %dma_wait3A_311 = tpu.memref_slice %arg9[%dma_wait3A_307, %dma_wait3A_309, %dma_wait3A_310] : memref<2x100x128xf32, #tpu.memory_space<vmem>> -> memref<1x100x128xf32, #tpu.memory_space<vmem>>
      %dma_wait3A_312 = tpu.memref_squeeze %dma_wait3A_311 : memref<1x100x128xf32, #tpu.memory_space<vmem>> -> memref<100x128xf32, #tpu.memory_space<vmem>>
      %dma_wait3A_313 = arith.constant 0 : i32
      %dma_wait3A_314 = tpu.memref_slice %arg7[%add3A_230, %dma_wait3A_313] : memref<50x100xi32, #tpu.memory_space<vmem>> -> memref<1x100xi32, #tpu.memory_space<vmem>>
      %dma_wait3A_315 = tpu.memref_squeeze %dma_wait3A_314 : memref<1x100xi32, #tpu.memory_space<vmem>> -> memref<100xi32, #tpu.memory_space<vmem>>
      %dma_wait3A_316 = arith.constant 0 : i32
      %dma_wait3A_317 = arith.constant 0 : i32
      %dma_wait3A_318 = tpu.memref_slice %arg2[%dma_wait3A_316, %dma_wait3A_317] : memref<10000x128xf32, #tpu.memory_space<hbm>> -> memref<10000x128xf32, #tpu.memory_space<hbm>>
      %dma_wait3A_319 = tpu.memref_slice %arg11[%dma_wait3A_308] : memref<2x!tpu.dma_semaphore, #tpu.memory_space<semaphore_mem>> -> memref<1x!tpu.dma_semaphore, #tpu.memory_space<semaphore_mem>>
      %dma_wait3A_320 = tpu.memref_squeeze %dma_wait3A_319 : memref<1x!tpu.dma_semaphore, #tpu.memory_space<semaphore_mem>> -> memref<!tpu.dma_semaphore, #tpu.memory_space<semaphore_mem>>
      tpu.wait_indirect_dma semaphore(%dma_wait3A_320 : memref<!tpu.dma_semaphore, #tpu.memory_space<semaphore_mem>>) src(%dma_wait3A_318 : memref<10000x128xf32, #tpu.memory_space<hbm>>) dst(%dma_wait3A_312 : memref<100x128xf32, #tpu.memory_space<vmem>>)
      %add3A_321 = arith.constant 4 : i32
      %add3A_322 = arith.addi %mul3A_28, %add3A_321 : i32
      %dma_start3A_323 = arith.constant 0 : i32
      %dma_start3A_324 = arith.constant 0 : i32
      %dma_start3A_325 = arith.constant 0 : i32
      %dma_start3A_326 = arith.constant 0 : i32
      %dma_start3A_327 = tpu.memref_slice %arg9[%dma_start3A_323, %dma_start3A_325, %dma_start3A_326] : memref<2x100x128xf32, #tpu.memory_space<vmem>> -> memref<1x100x128xf32, #tpu.memory_space<vmem>>
      %dma_start3A_328 = tpu.memref_squeeze %dma_start3A_327 : memref<1x100x128xf32, #tpu.memory_space<vmem>> -> memref<100x128xf32, #tpu.memory_space<vmem>>
      %dma_start3A_329 = arith.constant 0 : i32
      %dma_start3A_330 = tpu.memref_slice %arg8[%add3A_322, %dma_start3A_329] : memref<50x100xi32, #tpu.memory_space<vmem>> -> memref<1x100xi32, #tpu.memory_space<vmem>>
      %dma_start3A_331 = tpu.memref_squeeze %dma_start3A_330 : memref<1x100xi32, #tpu.memory_space<vmem>> -> memref<100xi32, #tpu.memory_space<vmem>>
      %dma_start3A_332 = arith.constant 0 : i32
      %dma_start3A_333 = arith.constant 0 : i32
      %dma_start3A_334 = tpu.memref_slice %arg10[%dma_start3A_332, %dma_start3A_333] : memref<10240x128xf32, #tpu.memory_space<vmem_shared>> -> memref<10240x128xf32, #tpu.memory_space<vmem_shared>>
      %dma_start3A_335 = tpu.memref_slice %arg12[%dma_start3A_324] : memref<2x!tpu.dma_semaphore, #tpu.memory_space<semaphore_mem>> -> memref<1x!tpu.dma_semaphore, #tpu.memory_space<semaphore_mem>>
      %dma_start3A_336 = tpu.memref_squeeze %dma_start3A_335 : memref<1x!tpu.dma_semaphore, #tpu.memory_space<semaphore_mem>> -> memref<!tpu.dma_semaphore, #tpu.memory_space<semaphore_mem>>
      tpu.enqueue_indirect_dma source(%dma_start3A_328 : memref<100x128xf32, #tpu.memory_space<vmem>>) target(%dma_start3A_334 : memref<10240x128xf32, #tpu.memory_space<vmem_shared>>) offsets(%dma_start3A_331 : memref<100xi32, #tpu.memory_space<vmem>>) semaphore(%dma_start3A_336 : memref<!tpu.dma_semaphore, #tpu.memory_space<semaphore_mem>>) {add = true}
      %dma_wait3A_337 = arith.constant 0 : i32
      %dma_wait3A_338 = arith.constant 0 : i32
      %dma_wait3A_339 = arith.constant 0 : i32
      %dma_wait3A_340 = arith.constant 0 : i32
      %dma_wait3A_341 = tpu.memref_slice %arg9[%dma_wait3A_337, %dma_wait3A_339, %dma_wait3A_340] : memref<2x100x128xf32, #tpu.memory_space<vmem>> -> memref<1x100x128xf32, #tpu.memory_space<vmem>>
      %dma_wait3A_342 = tpu.memref_squeeze %dma_wait3A_341 : memref<1x100x128xf32, #tpu.memory_space<vmem>> -> memref<100x128xf32, #tpu.memory_space<vmem>>
      %dma_wait3A_343 = arith.constant 0 : i32
      %dma_wait3A_344 = tpu.memref_slice %arg8[%add3A_322, %dma_wait3A_343] : memref<50x100xi32, #tpu.memory_space<vmem>> -> memref<1x100xi32, #tpu.memory_space<vmem>>
      %dma_wait3A_345 = tpu.memref_squeeze %dma_wait3A_344 : memref<1x100xi32, #tpu.memory_space<vmem>> -> memref<100xi32, #tpu.memory_space<vmem>>
      %dma_wait3A_346 = arith.constant 0 : i32
      %dma_wait3A_347 = arith.constant 0 : i32
      %dma_wait3A_348 = tpu.memref_slice %arg10[%dma_wait3A_346, %dma_wait3A_347] : memref<10240x128xf32, #tpu.memory_space<vmem_shared>> -> memref<10240x128xf32, #tpu.memory_space<vmem_shared>>
      %dma_wait3A_349 = tpu.memref_slice %arg12[%dma_wait3A_338] : memref<2x!tpu.dma_semaphore, #tpu.memory_space<semaphore_mem>> -> memref<1x!tpu.dma_semaphore, #tpu.memory_space<semaphore_mem>>
      %dma_wait3A_350 = tpu.memref_squeeze %dma_wait3A_349 : memref<1x!tpu.dma_semaphore, #tpu.memory_space<semaphore_mem>> -> memref<!tpu.dma_semaphore, #tpu.memory_space<semaphore_mem>>
      tpu.wait_indirect_dma semaphore(%dma_wait3A_350 : memref<!tpu.dma_semaphore, #tpu.memory_space<semaphore_mem>>) src(%dma_wait3A_342 : memref<100x128xf32, #tpu.memory_space<vmem>>) dst(%dma_wait3A_348 : memref<10240x128xf32, #tpu.memory_space<vmem_shared>>)
      %add3A_351 = arith.constant 5 : i32
      %add3A_352 = arith.addi %mul3A_28, %add3A_351 : i32
      %add3A_353 = arith.constant 1 : i32
      %add3A_354 = arith.addi %add3A_352, %add3A_353 : i32
      %dma_start3A_355 = arith.constant 0 : i32
      %dma_start3A_356 = arith.constant 0 : i32
      %dma_start3A_357 = arith.constant 0 : i32
      %dma_start3A_358 = arith.constant 0 : i32
      %dma_start3A_359 = tpu.memref_slice %arg9[%dma_start3A_355, %dma_start3A_357, %dma_start3A_358] : memref<2x100x128xf32, #tpu.memory_space<vmem>> -> memref<1x100x128xf32, #tpu.memory_space<vmem>>
      %dma_start3A_360 = tpu.memref_squeeze %dma_start3A_359 : memref<1x100x128xf32, #tpu.memory_space<vmem>> -> memref<100x128xf32, #tpu.memory_space<vmem>>
      %dma_start3A_361 = arith.constant 0 : i32
      %dma_start3A_362 = tpu.memref_slice %arg7[%add3A_354, %dma_start3A_361] : memref<50x100xi32, #tpu.memory_space<vmem>> -> memref<1x100xi32, #tpu.memory_space<vmem>>
      %dma_start3A_363 = tpu.memref_squeeze %dma_start3A_362 : memref<1x100xi32, #tpu.memory_space<vmem>> -> memref<100xi32, #tpu.memory_space<vmem>>
      %dma_start3A_364 = arith.constant 0 : i32
      %dma_start3A_365 = arith.constant 0 : i32
      %dma_start3A_366 = tpu.memref_slice %arg2[%dma_start3A_364, %dma_start3A_365] : memref<10000x128xf32, #tpu.memory_space<hbm>> -> memref<10000x128xf32, #tpu.memory_space<hbm>>
      %dma_start3A_367 = tpu.memref_slice %arg11[%dma_start3A_356] : memref<2x!tpu.dma_semaphore, #tpu.memory_space<semaphore_mem>> -> memref<1x!tpu.dma_semaphore, #tpu.memory_space<semaphore_mem>>
      %dma_start3A_368 = tpu.memref_squeeze %dma_start3A_367 : memref<1x!tpu.dma_semaphore, #tpu.memory_space<semaphore_mem>> -> memref<!tpu.dma_semaphore, #tpu.memory_space<semaphore_mem>>
      tpu.enqueue_indirect_dma source(%dma_start3A_366 : memref<10000x128xf32, #tpu.memory_space<hbm>>) target(%dma_start3A_360 : memref<100x128xf32, #tpu.memory_space<vmem>>) offsets(%dma_start3A_363 : memref<100xi32, #tpu.memory_space<vmem>>) semaphore(%dma_start3A_368 : memref<!tpu.dma_semaphore, #tpu.memory_space<semaphore_mem>>)
      %dma_wait3A_369 = arith.constant 1 : i32
      %dma_wait3A_370 = arith.constant 1 : i32
      %dma_wait3A_371 = arith.constant 0 : i32
      %dma_wait3A_372 = arith.constant 0 : i32
      %dma_wait3A_373 = tpu.memref_slice %arg9[%dma_wait3A_369, %dma_wait3A_371, %dma_wait3A_372] : memref<2x100x128xf32, #tpu.memory_space<vmem>> -> memref<1x100x128xf32, #tpu.memory_space<vmem>>
      %dma_wait3A_374 = tpu.memref_squeeze %dma_wait3A_373 : memref<1x100x128xf32, #tpu.memory_space<vmem>> -> memref<100x128xf32, #tpu.memory_space<vmem>>
      %dma_wait3A_375 = arith.constant 0 : i32
      %dma_wait3A_376 = tpu.memref_slice %arg7[%add3A_292, %dma_wait3A_375] : memref<50x100xi32, #tpu.memory_space<vmem>> -> memref<1x100xi32, #tpu.memory_space<vmem>>
      %dma_wait3A_377 = tpu.memref_squeeze %dma_wait3A_376 : memref<1x100xi32, #tpu.memory_space<vmem>> -> memref<100xi32, #tpu.memory_space<vmem>>
      %dma_wait3A_378 = arith.constant 0 : i32
      %dma_wait3A_379 = arith.constant 0 : i32
      %dma_wait3A_380 = tpu.memref_slice %arg2[%dma_wait3A_378, %dma_wait3A_379] : memref<10000x128xf32, #tpu.memory_space<hbm>> -> memref<10000x128xf32, #tpu.memory_space<hbm>>
      %dma_wait3A_381 = tpu.memref_slice %arg11[%dma_wait3A_370] : memref<2x!tpu.dma_semaphore, #tpu.memory_space<semaphore_mem>> -> memref<1x!tpu.dma_semaphore, #tpu.memory_space<semaphore_mem>>
      %dma_wait3A_382 = tpu.memref_squeeze %dma_wait3A_381 : memref<1x!tpu.dma_semaphore, #tpu.memory_space<semaphore_mem>> -> memref<!tpu.dma_semaphore, #tpu.memory_space<semaphore_mem>>
      tpu.wait_indirect_dma semaphore(%dma_wait3A_382 : memref<!tpu.dma_semaphore, #tpu.memory_space<semaphore_mem>>) src(%dma_wait3A_380 : memref<10000x128xf32, #tpu.memory_space<hbm>>) dst(%dma_wait3A_374 : memref<100x128xf32, #tpu.memory_space<vmem>>)
      %add3A_383 = arith.constant 5 : i32
      %add3A_384 = arith.addi %mul3A_28, %add3A_383 : i32
      %dma_start3A_385 = arith.constant 1 : i32
      %dma_start3A_386 = arith.constant 1 : i32
      %dma_start3A_387 = arith.constant 0 : i32
      %dma_start3A_388 = arith.constant 0 : i32
      %dma_start3A_389 = tpu.memref_slice %arg9[%dma_start3A_385, %dma_start3A_387, %dma_start3A_388] : memref<2x100x128xf32, #tpu.memory_space<vmem>> -> memref<1x100x128xf32, #tpu.memory_space<vmem>>
      %dma_start3A_390 = tpu.memref_squeeze %dma_start3A_389 : memref<1x100x128xf32, #tpu.memory_space<vmem>> -> memref<100x128xf32, #tpu.memory_space<vmem>>
      %dma_start3A_391 = arith.constant 0 : i32
      %dma_start3A_392 = tpu.memref_slice %arg8[%add3A_384, %dma_start3A_391] : memref<50x100xi32, #tpu.memory_space<vmem>> -> memref<1x100xi32, #tpu.memory_space<vmem>>
      %dma_start3A_393 = tpu.memref_squeeze %dma_start3A_392 : memref<1x100xi32, #tpu.memory_space<vmem>> -> memref<100xi32, #tpu.memory_space<vmem>>
      %dma_start3A_394 = arith.constant 0 : i32
      %dma_start3A_395 = arith.constant 0 : i32
      %dma_start3A_396 = tpu.memref_slice %arg10[%dma_start3A_394, %dma_start3A_395] : memref<10240x128xf32, #tpu.memory_space<vmem_shared>> -> memref<10240x128xf32, #tpu.memory_space<vmem_shared>>
      %dma_start3A_397 = tpu.memref_slice %arg12[%dma_start3A_386] : memref<2x!tpu.dma_semaphore, #tpu.memory_space<semaphore_mem>> -> memref<1x!tpu.dma_semaphore, #tpu.memory_space<semaphore_mem>>
      %dma_start3A_398 = tpu.memref_squeeze %dma_start3A_397 : memref<1x!tpu.dma_semaphore, #tpu.memory_space<semaphore_mem>> -> memref<!tpu.dma_semaphore, #tpu.memory_space<semaphore_mem>>
      tpu.enqueue_indirect_dma source(%dma_start3A_390 : memref<100x128xf32, #tpu.memory_space<vmem>>) target(%dma_start3A_396 : memref<10240x128xf32, #tpu.memory_space<vmem_shared>>) offsets(%dma_start3A_393 : memref<100xi32, #tpu.memory_space<vmem>>) semaphore(%dma_start3A_398 : memref<!tpu.dma_semaphore, #tpu.memory_space<semaphore_mem>>) {add = true}
      %dma_wait3A_399 = arith.constant 1 : i32
      %dma_wait3A_400 = arith.constant 1 : i32
      %dma_wait3A_401 = arith.constant 0 : i32
      %dma_wait3A_402 = arith.constant 0 : i32
      %dma_wait3A_403 = tpu.memref_slice %arg9[%dma_wait3A_399, %dma_wait3A_401, %dma_wait3A_402] : memref<2x100x128xf32, #tpu.memory_space<vmem>> -> memref<1x100x128xf32, #tpu.memory_space<vmem>>
      %dma_wait3A_404 = tpu.memref_squeeze %dma_wait3A_403 : memref<1x100x128xf32, #tpu.memory_space<vmem>> -> memref<100x128xf32, #tpu.memory_space<vmem>>
      %dma_wait3A_405 = arith.constant 0 : i32
      %dma_wait3A_406 = tpu.memref_slice %arg8[%add3A_384, %dma_wait3A_405] : memref<50x100xi32, #tpu.memory_space<vmem>> -> memref<1x100xi32, #tpu.memory_space<vmem>>
      %dma_wait3A_407 = tpu.memref_squeeze %dma_wait3A_406 : memref<1x100xi32, #tpu.memory_space<vmem>> -> memref<100xi32, #tpu.memory_space<vmem>>
      %dma_wait3A_408 = arith.constant 0 : i32
      %dma_wait3A_409 = arith.constant 0 : i32
      %dma_wait3A_410 = tpu.memref_slice %arg10[%dma_wait3A_408, %dma_wait3A_409] : memref<10240x128xf32, #tpu.memory_space<vmem_shared>> -> memref<10240x128xf32, #tpu.memory_space<vmem_shared>>
      %dma_wait3A_411 = tpu.memref_slice %arg12[%dma_wait3A_400] : memref<2x!tpu.dma_semaphore, #tpu.memory_space<semaphore_mem>> -> memref<1x!tpu.dma_semaphore, #tpu.memory_space<semaphore_mem>>
      %dma_wait3A_412 = tpu.memref_squeeze %dma_wait3A_411 : memref<1x!tpu.dma_semaphore, #tpu.memory_space<semaphore_mem>> -> memref<!tpu.dma_semaphore, #tpu.memory_space<semaphore_mem>>
      tpu.wait_indirect_dma semaphore(%dma_wait3A_412 : memref<!tpu.dma_semaphore, #tpu.memory_space<semaphore_mem>>) src(%dma_wait3A_404 : memref<100x128xf32, #tpu.memory_space<vmem>>) dst(%dma_wait3A_410 : memref<10240x128xf32, #tpu.memory_space<vmem_shared>>)
      %add3A_413 = arith.constant 6 : i32
      %add3A_414 = arith.addi %mul3A_28, %add3A_413 : i32
      %add3A_415 = arith.constant 1 : i32
      %add3A_416 = arith.addi %add3A_414, %add3A_415 : i32
      %dma_start3A_417 = arith.constant 1 : i32
      %dma_start3A_418 = arith.constant 1 : i32
      %dma_start3A_419 = arith.constant 0 : i32
      %dma_start3A_420 = arith.constant 0 : i32
      %dma_start3A_421 = tpu.memref_slice %arg9[%dma_start3A_417, %dma_start3A_419, %dma_start3A_420] : memref<2x100x128xf32, #tpu.memory_space<vmem>> -> memref<1x100x128xf32, #tpu.memory_space<vmem>>
      %dma_start3A_422 = tpu.memref_squeeze %dma_start3A_421 : memref<1x100x128xf32, #tpu.memory_space<vmem>> -> memref<100x128xf32, #tpu.memory_space<vmem>>
      %dma_start3A_423 = arith.constant 0 : i32
      %dma_start3A_424 = tpu.memref_slice %arg7[%add3A_416, %dma_start3A_423] : memref<50x100xi32, #tpu.memory_space<vmem>> -> memref<1x100xi32, #tpu.memory_space<vmem>>
      %dma_start3A_425 = tpu.memref_squeeze %dma_start3A_424 : memref<1x100xi32, #tpu.memory_space<vmem>> -> memref<100xi32, #tpu.memory_space<vmem>>
      %dma_start3A_426 = arith.constant 0 : i32
      %dma_start3A_427 = arith.constant 0 : i32
      %dma_start3A_428 = tpu.memref_slice %arg2[%dma_start3A_426, %dma_start3A_427] : memref<10000x128xf32, #tpu.memory_space<hbm>> -> memref<10000x128xf32, #tpu.memory_space<hbm>>
      %dma_start3A_429 = tpu.memref_slice %arg11[%dma_start3A_418] : memref<2x!tpu.dma_semaphore, #tpu.memory_space<semaphore_mem>> -> memref<1x!tpu.dma_semaphore, #tpu.memory_space<semaphore_mem>>
      %dma_start3A_430 = tpu.memref_squeeze %dma_start3A_429 : memref<1x!tpu.dma_semaphore, #tpu.memory_space<semaphore_mem>> -> memref<!tpu.dma_semaphore, #tpu.memory_space<semaphore_mem>>
      tpu.enqueue_indirect_dma source(%dma_start3A_428 : memref<10000x128xf32, #tpu.memory_space<hbm>>) target(%dma_start3A_422 : memref<100x128xf32, #tpu.memory_space<vmem>>) offsets(%dma_start3A_425 : memref<100xi32, #tpu.memory_space<vmem>>) semaphore(%dma_start3A_430 : memref<!tpu.dma_semaphore, #tpu.memory_space<semaphore_mem>>)
      %dma_wait3A_431 = arith.constant 0 : i32
      %dma_wait3A_432 = arith.constant 0 : i32
      %dma_wait3A_433 = arith.constant 0 : i32
      %dma_wait3A_434 = arith.constant 0 : i32
      %dma_wait3A_435 = tpu.memref_slice %arg9[%dma_wait3A_431, %dma_wait3A_433, %dma_wait3A_434] : memref<2x100x128xf32, #tpu.memory_space<vmem>> -> memref<1x100x128xf32, #tpu.memory_space<vmem>>
      %dma_wait3A_436 = tpu.memref_squeeze %dma_wait3A_435 : memref<1x100x128xf32, #tpu.memory_space<vmem>> -> memref<100x128xf32, #tpu.memory_space<vmem>>
      %dma_wait3A_437 = arith.constant 0 : i32
      %dma_wait3A_438 = tpu.memref_slice %arg7[%add3A_354, %dma_wait3A_437] : memref<50x100xi32, #tpu.memory_space<vmem>> -> memref<1x100xi32, #tpu.memory_space<vmem>>
      %dma_wait3A_439 = tpu.memref_squeeze %dma_wait3A_438 : memref<1x100xi32, #tpu.memory_space<vmem>> -> memref<100xi32, #tpu.memory_space<vmem>>
      %dma_wait3A_440 = arith.constant 0 : i32
      %dma_wait3A_441 = arith.constant 0 : i32
      %dma_wait3A_442 = tpu.memref_slice %arg2[%dma_wait3A_440, %dma_wait3A_441] : memref<10000x128xf32, #tpu.memory_space<hbm>> -> memref<10000x128xf32, #tpu.memory_space<hbm>>
      %dma_wait3A_443 = tpu.memref_slice %arg11[%dma_wait3A_432] : memref<2x!tpu.dma_semaphore, #tpu.memory_space<semaphore_mem>> -> memref<1x!tpu.dma_semaphore, #tpu.memory_space<semaphore_mem>>
      %dma_wait3A_444 = tpu.memref_squeeze %dma_wait3A_443 : memref<1x!tpu.dma_semaphore, #tpu.memory_space<semaphore_mem>> -> memref<!tpu.dma_semaphore, #tpu.memory_space<semaphore_mem>>
      tpu.wait_indirect_dma semaphore(%dma_wait3A_444 : memref<!tpu.dma_semaphore, #tpu.memory_space<semaphore_mem>>) src(%dma_wait3A_442 : memref<10000x128xf32, #tpu.memory_space<hbm>>) dst(%dma_wait3A_436 : memref<100x128xf32, #tpu.memory_space<vmem>>)
      %add3A_445 = arith.constant 6 : i32
      %add3A_446 = arith.addi %mul3A_28, %add3A_445 : i32
      %dma_start3A_447 = arith.constant 0 : i32
      %dma_start3A_448 = arith.constant 0 : i32
      %dma_start3A_449 = arith.constant 0 : i32
      %dma_start3A_450 = arith.constant 0 : i32
      %dma_start3A_451 = tpu.memref_slice %arg9[%dma_start3A_447, %dma_start3A_449, %dma_start3A_450] : memref<2x100x128xf32, #tpu.memory_space<vmem>> -> memref<1x100x128xf32, #tpu.memory_space<vmem>>
      %dma_start3A_452 = tpu.memref_squeeze %dma_start3A_451 : memref<1x100x128xf32, #tpu.memory_space<vmem>> -> memref<100x128xf32, #tpu.memory_space<vmem>>
      %dma_start3A_453 = arith.constant 0 : i32
      %dma_start3A_454 = tpu.memref_slice %arg8[%add3A_446, %dma_start3A_453] : memref<50x100xi32, #tpu.memory_space<vmem>> -> memref<1x100xi32, #tpu.memory_space<vmem>>
      %dma_start3A_455 = tpu.memref_squeeze %dma_start3A_454 : memref<1x100xi32, #tpu.memory_space<vmem>> -> memref<100xi32, #tpu.memory_space<vmem>>
      %dma_start3A_456 = arith.constant 0 : i32
      %dma_start3A_457 = arith.constant 0 : i32
      %dma_start3A_458 = tpu.memref_slice %arg10[%dma_start3A_456, %dma_start3A_457] : memref<10240x128xf32, #tpu.memory_space<vmem_shared>> -> memref<10240x128xf32, #tpu.memory_space<vmem_shared>>
      %dma_start3A_459 = tpu.memref_slice %arg12[%dma_start3A_448] : memref<2x!tpu.dma_semaphore, #tpu.memory_space<semaphore_mem>> -> memref<1x!tpu.dma_semaphore, #tpu.memory_space<semaphore_mem>>
      %dma_start3A_460 = tpu.memref_squeeze %dma_start3A_459 : memref<1x!tpu.dma_semaphore, #tpu.memory_space<semaphore_mem>> -> memref<!tpu.dma_semaphore, #tpu.memory_space<semaphore_mem>>
      tpu.enqueue_indirect_dma source(%dma_start3A_452 : memref<100x128xf32, #tpu.memory_space<vmem>>) target(%dma_start3A_458 : memref<10240x128xf32, #tpu.memory_space<vmem_shared>>) offsets(%dma_start3A_455 : memref<100xi32, #tpu.memory_space<vmem>>) semaphore(%dma_start3A_460 : memref<!tpu.dma_semaphore, #tpu.memory_space<semaphore_mem>>) {add = true}
      %dma_wait3A_461 = arith.constant 0 : i32
      %dma_wait3A_462 = arith.constant 0 : i32
      %dma_wait3A_463 = arith.constant 0 : i32
      %dma_wait3A_464 = arith.constant 0 : i32
      %dma_wait3A_465 = tpu.memref_slice %arg9[%dma_wait3A_461, %dma_wait3A_463, %dma_wait3A_464] : memref<2x100x128xf32, #tpu.memory_space<vmem>> -> memref<1x100x128xf32, #tpu.memory_space<vmem>>
      %dma_wait3A_466 = tpu.memref_squeeze %dma_wait3A_465 : memref<1x100x128xf32, #tpu.memory_space<vmem>> -> memref<100x128xf32, #tpu.memory_space<vmem>>
      %dma_wait3A_467 = arith.constant 0 : i32
      %dma_wait3A_468 = tpu.memref_slice %arg8[%add3A_446, %dma_wait3A_467] : memref<50x100xi32, #tpu.memory_space<vmem>> -> memref<1x100xi32, #tpu.memory_space<vmem>>
      %dma_wait3A_469 = tpu.memref_squeeze %dma_wait3A_468 : memref<1x100xi32, #tpu.memory_space<vmem>> -> memref<100xi32, #tpu.memory_space<vmem>>
      %dma_wait3A_470 = arith.constant 0 : i32
      %dma_wait3A_471 = arith.constant 0 : i32
      %dma_wait3A_472 = tpu.memref_slice %arg10[%dma_wait3A_470, %dma_wait3A_471] : memref<10240x128xf32, #tpu.memory_space<vmem_shared>> -> memref<10240x128xf32, #tpu.memory_space<vmem_shared>>
      %dma_wait3A_473 = tpu.memref_slice %arg12[%dma_wait3A_462] : memref<2x!tpu.dma_semaphore, #tpu.memory_space<semaphore_mem>> -> memref<1x!tpu.dma_semaphore, #tpu.memory_space<semaphore_mem>>
      %dma_wait3A_474 = tpu.memref_squeeze %dma_wait3A_473 : memref<1x!tpu.dma_semaphore, #tpu.memory_space<semaphore_mem>> -> memref<!tpu.dma_semaphore, #tpu.memory_space<semaphore_mem>>
      tpu.wait_indirect_dma semaphore(%dma_wait3A_474 : memref<!tpu.dma_semaphore, #tpu.memory_space<semaphore_mem>>) src(%dma_wait3A_466 : memref<100x128xf32, #tpu.memory_space<vmem>>) dst(%dma_wait3A_472 : memref<10240x128xf32, #tpu.memory_space<vmem_shared>>)
      %add3A_475 = arith.constant 7 : i32
      %add3A_476 = arith.addi %mul3A_28, %add3A_475 : i32
      %add3A_477 = arith.constant 1 : i32
      %add3A_478 = arith.addi %add3A_476, %add3A_477 : i32
      %dma_start3A_479 = arith.constant 0 : i32
      %dma_start3A_480 = arith.constant 0 : i32
      %dma_start3A_481 = arith.constant 0 : i32
      %dma_start3A_482 = arith.constant 0 : i32
      %dma_start3A_483 = tpu.memref_slice %arg9[%dma_start3A_479, %dma_start3A_481, %dma_start3A_482] : memref<2x100x128xf32, #tpu.memory_space<vmem>> -> memref<1x100x128xf32, #tpu.memory_space<vmem>>
      %dma_start3A_484 = tpu.memref_squeeze %dma_start3A_483 : memref<1x100x128xf32, #tpu.memory_space<vmem>> -> memref<100x128xf32, #tpu.memory_space<vmem>>
      %dma_start3A_485 = arith.constant 0 : i32
      %dma_start3A_486 = tpu.memref_slice %arg7[%add3A_478, %dma_start3A_485] : memref<50x100xi32, #tpu.memory_space<vmem>> -> memref<1x100xi32, #tpu.memory_space<vmem>>
      %dma_start3A_487 = tpu.memref_squeeze %dma_start3A_486 : memref<1x100xi32, #tpu.memory_space<vmem>> -> memref<100xi32, #tpu.memory_space<vmem>>
      %dma_start3A_488 = arith.constant 0 : i32
      %dma_start3A_489 = arith.constant 0 : i32
      %dma_start3A_490 = tpu.memref_slice %arg2[%dma_start3A_488, %dma_start3A_489] : memref<10000x128xf32, #tpu.memory_space<hbm>> -> memref<10000x128xf32, #tpu.memory_space<hbm>>
      %dma_start3A_491 = tpu.memref_slice %arg11[%dma_start3A_480] : memref<2x!tpu.dma_semaphore, #tpu.memory_space<semaphore_mem>> -> memref<1x!tpu.dma_semaphore, #tpu.memory_space<semaphore_mem>>
      %dma_start3A_492 = tpu.memref_squeeze %dma_start3A_491 : memref<1x!tpu.dma_semaphore, #tpu.memory_space<semaphore_mem>> -> memref<!tpu.dma_semaphore, #tpu.memory_space<semaphore_mem>>
      tpu.enqueue_indirect_dma source(%dma_start3A_490 : memref<10000x128xf32, #tpu.memory_space<hbm>>) target(%dma_start3A_484 : memref<100x128xf32, #tpu.memory_space<vmem>>) offsets(%dma_start3A_487 : memref<100xi32, #tpu.memory_space<vmem>>) semaphore(%dma_start3A_492 : memref<!tpu.dma_semaphore, #tpu.memory_space<semaphore_mem>>)
      %dma_wait3A_493 = arith.constant 1 : i32
      %dma_wait3A_494 = arith.constant 1 : i32
      %dma_wait3A_495 = arith.constant 0 : i32
      %dma_wait3A_496 = arith.constant 0 : i32
      %dma_wait3A_497 = tpu.memref_slice %arg9[%dma_wait3A_493, %dma_wait3A_495, %dma_wait3A_496] : memref<2x100x128xf32, #tpu.memory_space<vmem>> -> memref<1x100x128xf32, #tpu.memory_space<vmem>>
      %dma_wait3A_498 = tpu.memref_squeeze %dma_wait3A_497 : memref<1x100x128xf32, #tpu.memory_space<vmem>> -> memref<100x128xf32, #tpu.memory_space<vmem>>
      %dma_wait3A_499 = arith.constant 0 : i32
      %dma_wait3A_500 = tpu.memref_slice %arg7[%add3A_416, %dma_wait3A_499] : memref<50x100xi32, #tpu.memory_space<vmem>> -> memref<1x100xi32, #tpu.memory_space<vmem>>
      %dma_wait3A_501 = tpu.memref_squeeze %dma_wait3A_500 : memref<1x100xi32, #tpu.memory_space<vmem>> -> memref<100xi32, #tpu.memory_space<vmem>>
      %dma_wait3A_502 = arith.constant 0 : i32
      %dma_wait3A_503 = arith.constant 0 : i32
      %dma_wait3A_504 = tpu.memref_slice %arg2[%dma_wait3A_502, %dma_wait3A_503] : memref<10000x128xf32, #tpu.memory_space<hbm>> -> memref<10000x128xf32, #tpu.memory_space<hbm>>
      %dma_wait3A_505 = tpu.memref_slice %arg11[%dma_wait3A_494] : memref<2x!tpu.dma_semaphore, #tpu.memory_space<semaphore_mem>> -> memref<1x!tpu.dma_semaphore, #tpu.memory_space<semaphore_mem>>
      %dma_wait3A_506 = tpu.memref_squeeze %dma_wait3A_505 : memref<1x!tpu.dma_semaphore, #tpu.memory_space<semaphore_mem>> -> memref<!tpu.dma_semaphore, #tpu.memory_space<semaphore_mem>>
      tpu.wait_indirect_dma semaphore(%dma_wait3A_506 : memref<!tpu.dma_semaphore, #tpu.memory_space<semaphore_mem>>) src(%dma_wait3A_504 : memref<10000x128xf32, #tpu.memory_space<hbm>>) dst(%dma_wait3A_498 : memref<100x128xf32, #tpu.memory_space<vmem>>)
      %add3A_507 = arith.constant 7 : i32
      %add3A_508 = arith.addi %mul3A_28, %add3A_507 : i32
      %dma_start3A_509 = arith.constant 1 : i32
      %dma_start3A_510 = arith.constant 1 : i32
      %dma_start3A_511 = arith.constant 0 : i32
      %dma_start3A_512 = arith.constant 0 : i32
      %dma_start3A_513 = tpu.memref_slice %arg9[%dma_start3A_509, %dma_start3A_511, %dma_start3A_512] : memref<2x100x128xf32, #tpu.memory_space<vmem>> -> memref<1x100x128xf32, #tpu.memory_space<vmem>>
      %dma_start3A_514 = tpu.memref_squeeze %dma_start3A_513 : memref<1x100x128xf32, #tpu.memory_space<vmem>> -> memref<100x128xf32, #tpu.memory_space<vmem>>
      %dma_start3A_515 = arith.constant 0 : i32
      %dma_start3A_516 = tpu.memref_slice %arg8[%add3A_508, %dma_start3A_515] : memref<50x100xi32, #tpu.memory_space<vmem>> -> memref<1x100xi32, #tpu.memory_space<vmem>>
      %dma_start3A_517 = tpu.memref_squeeze %dma_start3A_516 : memref<1x100xi32, #tpu.memory_space<vmem>> -> memref<100xi32, #tpu.memory_space<vmem>>
      %dma_start3A_518 = arith.constant 0 : i32
      %dma_start3A_519 = arith.constant 0 : i32
      %dma_start3A_520 = tpu.memref_slice %arg10[%dma_start3A_518, %dma_start3A_519] : memref<10240x128xf32, #tpu.memory_space<vmem_shared>> -> memref<10240x128xf32, #tpu.memory_space<vmem_shared>>
      %dma_start3A_521 = tpu.memref_slice %arg12[%dma_start3A_510] : memref<2x!tpu.dma_semaphore, #tpu.memory_space<semaphore_mem>> -> memref<1x!tpu.dma_semaphore, #tpu.memory_space<semaphore_mem>>
      %dma_start3A_522 = tpu.memref_squeeze %dma_start3A_521 : memref<1x!tpu.dma_semaphore, #tpu.memory_space<semaphore_mem>> -> memref<!tpu.dma_semaphore, #tpu.memory_space<semaphore_mem>>
      tpu.enqueue_indirect_dma source(%dma_start3A_514 : memref<100x128xf32, #tpu.memory_space<vmem>>) target(%dma_start3A_520 : memref<10240x128xf32, #tpu.memory_space<vmem_shared>>) offsets(%dma_start3A_517 : memref<100xi32, #tpu.memory_space<vmem>>) semaphore(%dma_start3A_522 : memref<!tpu.dma_semaphore, #tpu.memory_space<semaphore_mem>>) {add = true}
      %dma_wait3A_523 = arith.constant 1 : i32
      %dma_wait3A_524 = arith.constant 1 : i32
      %dma_wait3A_525 = arith.constant 0 : i32
      %dma_wait3A_526 = arith.constant 0 : i32
      %dma_wait3A_527 = tpu.memref_slice %arg9[%dma_wait3A_523, %dma_wait3A_525, %dma_wait3A_526] : memref<2x100x128xf32, #tpu.memory_space<vmem>> -> memref<1x100x128xf32, #tpu.memory_space<vmem>>
      %dma_wait3A_528 = tpu.memref_squeeze %dma_wait3A_527 : memref<1x100x128xf32, #tpu.memory_space<vmem>> -> memref<100x128xf32, #tpu.memory_space<vmem>>
      %dma_wait3A_529 = arith.constant 0 : i32
      %dma_wait3A_530 = tpu.memref_slice %arg8[%add3A_508, %dma_wait3A_529] : memref<50x100xi32, #tpu.memory_space<vmem>> -> memref<1x100xi32, #tpu.memory_space<vmem>>
      %dma_wait3A_531 = tpu.memref_squeeze %dma_wait3A_530 : memref<1x100xi32, #tpu.memory_space<vmem>> -> memref<100xi32, #tpu.memory_space<vmem>>
      %dma_wait3A_532 = arith.constant 0 : i32
      %dma_wait3A_533 = arith.constant 0 : i32
      %dma_wait3A_534 = tpu.memref_slice %arg10[%dma_wait3A_532, %dma_wait3A_533] : memref<10240x128xf32, #tpu.memory_space<vmem_shared>> -> memref<10240x128xf32, #tpu.memory_space<vmem_shared>>
      %dma_wait3A_535 = tpu.memref_slice %arg12[%dma_wait3A_524] : memref<2x!tpu.dma_semaphore, #tpu.memory_space<semaphore_mem>> -> memref<1x!tpu.dma_semaphore, #tpu.memory_space<semaphore_mem>>
      %dma_wait3A_536 = tpu.memref_squeeze %dma_wait3A_535 : memref<1x!tpu.dma_semaphore, #tpu.memory_space<semaphore_mem>> -> memref<!tpu.dma_semaphore, #tpu.memory_space<semaphore_mem>>
      tpu.wait_indirect_dma semaphore(%dma_wait3A_536 : memref<!tpu.dma_semaphore, #tpu.memory_space<semaphore_mem>>) src(%dma_wait3A_528 : memref<100x128xf32, #tpu.memory_space<vmem>>) dst(%dma_wait3A_534 : memref<10240x128xf32, #tpu.memory_space<vmem_shared>>)
      %add3A_537 = arith.constant 8 : i32
      %add3A_538 = arith.addi %mul3A_28, %add3A_537 : i32
      %add3A_539 = arith.constant 1 : i32
      %add3A_540 = arith.addi %add3A_538, %add3A_539 : i32
      %dma_start3A_541 = arith.constant 1 : i32
      %dma_start3A_542 = arith.constant 1 : i32
      %dma_start3A_543 = arith.constant 0 : i32
      %dma_start3A_544 = arith.constant 0 : i32
      %dma_start3A_545 = tpu.memref_slice %arg9[%dma_start3A_541, %dma_start3A_543, %dma_start3A_544] : memref<2x100x128xf32, #tpu.memory_space<vmem>> -> memref<1x100x128xf32, #tpu.memory_space<vmem>>
      %dma_start3A_546 = tpu.memref_squeeze %dma_start3A_545 : memref<1x100x128xf32, #tpu.memory_space<vmem>> -> memref<100x128xf32, #tpu.memory_space<vmem>>
      %dma_start3A_547 = arith.constant 0 : i32
      %dma_start3A_548 = tpu.memref_slice %arg7[%add3A_540, %dma_start3A_547] : memref<50x100xi32, #tpu.memory_space<vmem>> -> memref<1x100xi32, #tpu.memory_space<vmem>>
      %dma_start3A_549 = tpu.memref_squeeze %dma_start3A_548 : memref<1x100xi32, #tpu.memory_space<vmem>> -> memref<100xi32, #tpu.memory_space<vmem>>
      %dma_start3A_550 = arith.constant 0 : i32
      %dma_start3A_551 = arith.constant 0 : i32
      %dma_start3A_552 = tpu.memref_slice %arg2[%dma_start3A_550, %dma_start3A_551] : memref<10000x128xf32, #tpu.memory_space<hbm>> -> memref<10000x128xf32, #tpu.memory_space<hbm>>
      %dma_start3A_553 = tpu.memref_slice %arg11[%dma_start3A_542] : memref<2x!tpu.dma_semaphore, #tpu.memory_space<semaphore_mem>> -> memref<1x!tpu.dma_semaphore, #tpu.memory_space<semaphore_mem>>
      %dma_start3A_554 = tpu.memref_squeeze %dma_start3A_553 : memref<1x!tpu.dma_semaphore, #tpu.memory_space<semaphore_mem>> -> memref<!tpu.dma_semaphore, #tpu.memory_space<semaphore_mem>>
      tpu.enqueue_indirect_dma source(%dma_start3A_552 : memref<10000x128xf32, #tpu.memory_space<hbm>>) target(%dma_start3A_546 : memref<100x128xf32, #tpu.memory_space<vmem>>) offsets(%dma_start3A_549 : memref<100xi32, #tpu.memory_space<vmem>>) semaphore(%dma_start3A_554 : memref<!tpu.dma_semaphore, #tpu.memory_space<semaphore_mem>>)
      %dma_wait3A_555 = arith.constant 0 : i32
      %dma_wait3A_556 = arith.constant 0 : i32
      %dma_wait3A_557 = arith.constant 0 : i32
      %dma_wait3A_558 = arith.constant 0 : i32
      %dma_wait3A_559 = tpu.memref_slice %arg9[%dma_wait3A_555, %dma_wait3A_557, %dma_wait3A_558] : memref<2x100x128xf32, #tpu.memory_space<vmem>> -> memref<1x100x128xf32, #tpu.memory_space<vmem>>
      %dma_wait3A_560 = tpu.memref_squeeze %dma_wait3A_559 : memref<1x100x128xf32, #tpu.memory_space<vmem>> -> memref<100x128xf32, #tpu.memory_space<vmem>>
      %dma_wait3A_561 = arith.constant 0 : i32
      %dma_wait3A_562 = tpu.memref_slice %arg7[%add3A_478, %dma_wait3A_561] : memref<50x100xi32, #tpu.memory_space<vmem>> -> memref<1x100xi32, #tpu.memory_space<vmem>>
      %dma_wait3A_563 = tpu.memref_squeeze %dma_wait3A_562 : memref<1x100xi32, #tpu.memory_space<vmem>> -> memref<100xi32, #tpu.memory_space<vmem>>
      %dma_wait3A_564 = arith.constant 0 : i32
      %dma_wait3A_565 = arith.constant 0 : i32
      %dma_wait3A_566 = tpu.memref_slice %arg2[%dma_wait3A_564, %dma_wait3A_565] : memref<10000x128xf32, #tpu.memory_space<hbm>> -> memref<10000x128xf32, #tpu.memory_space<hbm>>
      %dma_wait3A_567 = tpu.memref_slice %arg11[%dma_wait3A_556] : memref<2x!tpu.dma_semaphore, #tpu.memory_space<semaphore_mem>> -> memref<1x!tpu.dma_semaphore, #tpu.memory_space<semaphore_mem>>
      %dma_wait3A_568 = tpu.memref_squeeze %dma_wait3A_567 : memref<1x!tpu.dma_semaphore, #tpu.memory_space<semaphore_mem>> -> memref<!tpu.dma_semaphore, #tpu.memory_space<semaphore_mem>>
      tpu.wait_indirect_dma semaphore(%dma_wait3A_568 : memref<!tpu.dma_semaphore, #tpu.memory_space<semaphore_mem>>) src(%dma_wait3A_566 : memref<10000x128xf32, #tpu.memory_space<hbm>>) dst(%dma_wait3A_560 : memref<100x128xf32, #tpu.memory_space<vmem>>)
      %add3A_569 = arith.constant 8 : i32
      %add3A_570 = arith.addi %mul3A_28, %add3A_569 : i32
      %dma_start3A_571 = arith.constant 0 : i32
      %dma_start3A_572 = arith.constant 0 : i32
      %dma_start3A_573 = arith.constant 0 : i32
      %dma_start3A_574 = arith.constant 0 : i32
      %dma_start3A_575 = tpu.memref_slice %arg9[%dma_start3A_571, %dma_start3A_573, %dma_start3A_574] : memref<2x100x128xf32, #tpu.memory_space<vmem>> -> memref<1x100x128xf32, #tpu.memory_space<vmem>>
      %dma_start3A_576 = tpu.memref_squeeze %dma_start3A_575 : memref<1x100x128xf32, #tpu.memory_space<vmem>> -> memref<100x128xf32, #tpu.memory_space<vmem>>
      %dma_start3A_577 = arith.constant 0 : i32
      %dma_start3A_578 = tpu.memref_slice %arg8[%add3A_570, %dma_start3A_577] : memref<50x100xi32, #tpu.memory_space<vmem>> -> memref<1x100xi32, #tpu.memory_space<vmem>>
      %dma_start3A_579 = tpu.memref_squeeze %dma_start3A_578 : memref<1x100xi32, #tpu.memory_space<vmem>> -> memref<100xi32, #tpu.memory_space<vmem>>
      %dma_start3A_580 = arith.constant 0 : i32
      %dma_start3A_581 = arith.constant 0 : i32
      %dma_start3A_582 = tpu.memref_slice %arg10[%dma_start3A_580, %dma_start3A_581] : memref<10240x128xf32, #tpu.memory_space<vmem_shared>> -> memref<10240x128xf32, #tpu.memory_space<vmem_shared>>
      %dma_start3A_583 = tpu.memref_slice %arg12[%dma_start3A_572] : memref<2x!tpu.dma_semaphore, #tpu.memory_space<semaphore_mem>> -> memref<1x!tpu.dma_semaphore, #tpu.memory_space<semaphore_mem>>
      %dma_start3A_584 = tpu.memref_squeeze %dma_start3A_583 : memref<1x!tpu.dma_semaphore, #tpu.memory_space<semaphore_mem>> -> memref<!tpu.dma_semaphore, #tpu.memory_space<semaphore_mem>>
      tpu.enqueue_indirect_dma source(%dma_start3A_576 : memref<100x128xf32, #tpu.memory_space<vmem>>) target(%dma_start3A_582 : memref<10240x128xf32, #tpu.memory_space<vmem_shared>>) offsets(%dma_start3A_579 : memref<100xi32, #tpu.memory_space<vmem>>) semaphore(%dma_start3A_584 : memref<!tpu.dma_semaphore, #tpu.memory_space<semaphore_mem>>) {add = true}
      %dma_wait3A_585 = arith.constant 1 : i32
      %dma_wait3A_586 = arith.constant 1 : i32
      %dma_wait3A_587 = arith.constant 0 : i32
      %dma_wait3A_588 = arith.constant 0 : i32
      %dma_wait3A_589 = tpu.memref_slice %arg9[%dma_wait3A_585, %dma_wait3A_587, %dma_wait3A_588] : memref<2x100x128xf32, #tpu.memory_space<vmem>> -> memref<1x100x128xf32, #tpu.memory_space<vmem>>
      %dma_wait3A_590 = tpu.memref_squeeze %dma_wait3A_589 : memref<1x100x128xf32, #tpu.memory_space<vmem>> -> memref<100x128xf32, #tpu.memory_space<vmem>>
      %dma_wait3A_591 = arith.constant 0 : i32
      %dma_wait3A_592 = tpu.memref_slice %arg7[%add3A_540, %dma_wait3A_591] : memref<50x100xi32, #tpu.memory_space<vmem>> -> memref<1x100xi32, #tpu.memory_space<vmem>>
      %dma_wait3A_593 = tpu.memref_squeeze %dma_wait3A_592 : memref<1x100xi32, #tpu.memory_space<vmem>> -> memref<100xi32, #tpu.memory_space<vmem>>
      %dma_wait3A_594 = arith.constant 0 : i32
      %dma_wait3A_595 = arith.constant 0 : i32
      %dma_wait3A_596 = tpu.memref_slice %arg2[%dma_wait3A_594, %dma_wait3A_595] : memref<10000x128xf32, #tpu.memory_space<hbm>> -> memref<10000x128xf32, #tpu.memory_space<hbm>>
      %dma_wait3A_597 = tpu.memref_slice %arg11[%dma_wait3A_586] : memref<2x!tpu.dma_semaphore, #tpu.memory_space<semaphore_mem>> -> memref<1x!tpu.dma_semaphore, #tpu.memory_space<semaphore_mem>>
      %dma_wait3A_598 = tpu.memref_squeeze %dma_wait3A_597 : memref<1x!tpu.dma_semaphore, #tpu.memory_space<semaphore_mem>> -> memref<!tpu.dma_semaphore, #tpu.memory_space<semaphore_mem>>
      tpu.wait_indirect_dma semaphore(%dma_wait3A_598 : memref<!tpu.dma_semaphore, #tpu.memory_space<semaphore_mem>>) src(%dma_wait3A_596 : memref<10000x128xf32, #tpu.memory_space<hbm>>) dst(%dma_wait3A_590 : memref<100x128xf32, #tpu.memory_space<vmem>>)
      %add3A_599 = arith.constant 9 : i32
      %add3A_600 = arith.addi %mul3A_28, %add3A_599 : i32
      %dma_start3A_601 = arith.constant 1 : i32
      %dma_start3A_602 = arith.constant 1 : i32
      %dma_start3A_603 = arith.constant 0 : i32
      %dma_start3A_604 = arith.constant 0 : i32
      %dma_start3A_605 = tpu.memref_slice %arg9[%dma_start3A_601, %dma_start3A_603, %dma_start3A_604] : memref<2x100x128xf32, #tpu.memory_space<vmem>> -> memref<1x100x128xf32, #tpu.memory_space<vmem>>
      %dma_start3A_606 = tpu.memref_squeeze %dma_start3A_605 : memref<1x100x128xf32, #tpu.memory_space<vmem>> -> memref<100x128xf32, #tpu.memory_space<vmem>>
      %dma_start3A_607 = arith.constant 0 : i32
      %dma_start3A_608 = tpu.memref_slice %arg8[%add3A_600, %dma_start3A_607] : memref<50x100xi32, #tpu.memory_space<vmem>> -> memref<1x100xi32, #tpu.memory_space<vmem>>
      %dma_start3A_609 = tpu.memref_squeeze %dma_start3A_608 : memref<1x100xi32, #tpu.memory_space<vmem>> -> memref<100xi32, #tpu.memory_space<vmem>>
      %dma_start3A_610 = arith.constant 0 : i32
      %dma_start3A_611 = arith.constant 0 : i32
      %dma_start3A_612 = tpu.memref_slice %arg10[%dma_start3A_610, %dma_start3A_611] : memref<10240x128xf32, #tpu.memory_space<vmem_shared>> -> memref<10240x128xf32, #tpu.memory_space<vmem_shared>>
      %dma_start3A_613 = tpu.memref_slice %arg12[%dma_start3A_602] : memref<2x!tpu.dma_semaphore, #tpu.memory_space<semaphore_mem>> -> memref<1x!tpu.dma_semaphore, #tpu.memory_space<semaphore_mem>>
      %dma_start3A_614 = tpu.memref_squeeze %dma_start3A_613 : memref<1x!tpu.dma_semaphore, #tpu.memory_space<semaphore_mem>> -> memref<!tpu.dma_semaphore, #tpu.memory_space<semaphore_mem>>
      tpu.enqueue_indirect_dma source(%dma_start3A_606 : memref<100x128xf32, #tpu.memory_space<vmem>>) target(%dma_start3A_612 : memref<10240x128xf32, #tpu.memory_space<vmem_shared>>) offsets(%dma_start3A_609 : memref<100xi32, #tpu.memory_space<vmem>>) semaphore(%dma_start3A_614 : memref<!tpu.dma_semaphore, #tpu.memory_space<semaphore_mem>>) {add = true}
      %dma_wait3A_615 = arith.constant 0 : i32
      %dma_wait3A_616 = arith.constant 0 : i32
      %dma_wait3A_617 = arith.constant 0 : i32
      %dma_wait3A_618 = arith.constant 0 : i32
      %dma_wait3A_619 = tpu.memref_slice %arg9[%dma_wait3A_615, %dma_wait3A_617, %dma_wait3A_618] : memref<2x100x128xf32, #tpu.memory_space<vmem>> -> memref<1x100x128xf32, #tpu.memory_space<vmem>>
      %dma_wait3A_620 = tpu.memref_squeeze %dma_wait3A_619 : memref<1x100x128xf32, #tpu.memory_space<vmem>> -> memref<100x128xf32, #tpu.memory_space<vmem>>
      %dma_wait3A_621 = arith.constant 0 : i32
      %dma_wait3A_622 = tpu.memref_slice %arg8[%add3A_570, %dma_wait3A_621] : memref<50x100xi32, #tpu.memory_space<vmem>> -> memref<1x100xi32, #tpu.memory_space<vmem>>
      %dma_wait3A_623 = tpu.memref_squeeze %dma_wait3A_622 : memref<1x100xi32, #tpu.memory_space<vmem>> -> memref<100xi32, #tpu.memory_space<vmem>>
      %dma_wait3A_624 = arith.constant 0 : i32
      %dma_wait3A_625 = arith.constant 0 : i32
      %dma_wait3A_626 = tpu.memref_slice %arg10[%dma_wait3A_624, %dma_wait3A_625] : memref<10240x128xf32, #tpu.memory_space<vmem_shared>> -> memref<10240x128xf32, #tpu.memory_space<vmem_shared>>
      %dma_wait3A_627 = tpu.memref_slice %arg12[%dma_wait3A_616] : memref<2x!tpu.dma_semaphore, #tpu.memory_space<semaphore_mem>> -> memref<1x!tpu.dma_semaphore, #tpu.memory_space<semaphore_mem>>
      %dma_wait3A_628 = tpu.memref_squeeze %dma_wait3A_627 : memref<1x!tpu.dma_semaphore, #tpu.memory_space<semaphore_mem>> -> memref<!tpu.dma_semaphore, #tpu.memory_space<semaphore_mem>>
      tpu.wait_indirect_dma semaphore(%dma_wait3A_628 : memref<!tpu.dma_semaphore, #tpu.memory_space<semaphore_mem>>) src(%dma_wait3A_620 : memref<100x128xf32, #tpu.memory_space<vmem>>) dst(%dma_wait3A_626 : memref<10240x128xf32, #tpu.memory_space<vmem_shared>>)
      %dma_wait3A_629 = arith.constant 1 : i32
      %dma_wait3A_630 = arith.constant 1 : i32
      %dma_wait3A_631 = arith.constant 0 : i32
      %dma_wait3A_632 = arith.constant 0 : i32
      %dma_wait3A_633 = tpu.memref_slice %arg9[%dma_wait3A_629, %dma_wait3A_631, %dma_wait3A_632] : memref<2x100x128xf32, #tpu.memory_space<vmem>> -> memref<1x100x128xf32, #tpu.memory_space<vmem>>
      %dma_wait3A_634 = tpu.memref_squeeze %dma_wait3A_633 : memref<1x100x128xf32, #tpu.memory_space<vmem>> -> memref<100x128xf32, #tpu.memory_space<vmem>>
      %dma_wait3A_635 = arith.constant 0 : i32
      %dma_wait3A_636 = tpu.memref_slice %arg8[%add3A_600, %dma_wait3A_635] : memref<50x100xi32, #tpu.memory_space<vmem>> -> memref<1x100xi32, #tpu.memory_space<vmem>>
      %dma_wait3A_637 = tpu.memref_squeeze %dma_wait3A_636 : memref<1x100xi32, #tpu.memory_space<vmem>> -> memref<100xi32, #tpu.memory_space<vmem>>
      %dma_wait3A_638 = arith.constant 0 : i32
      %dma_wait3A_639 = arith.constant 0 : i32
      %dma_wait3A_640 = tpu.memref_slice %arg10[%dma_wait3A_638, %dma_wait3A_639] : memref<10240x128xf32, #tpu.memory_space<vmem_shared>> -> memref<10240x128xf32, #tpu.memory_space<vmem_shared>>
      %dma_wait3A_641 = tpu.memref_slice %arg12[%dma_wait3A_630] : memref<2x!tpu.dma_semaphore, #tpu.memory_space<semaphore_mem>> -> memref<1x!tpu.dma_semaphore, #tpu.memory_space<semaphore_mem>>
      %dma_wait3A_642 = tpu.memref_squeeze %dma_wait3A_641 : memref<1x!tpu.dma_semaphore, #tpu.memory_space<semaphore_mem>> -> memref<!tpu.dma_semaphore, #tpu.memory_space<semaphore_mem>>
      tpu.wait_indirect_dma semaphore(%dma_wait3A_642 : memref<!tpu.dma_semaphore, #tpu.memory_space<semaphore_mem>>) src(%dma_wait3A_634 : memref<100x128xf32, #tpu.memory_space<vmem>>) dst(%dma_wait3A_640 : memref<10240x128xf32, #tpu.memory_space<vmem_shared>>)
    }
    %scan3A_9 = arith.constant 5 : i32
    %run_scoped3A_10 = arith.constant 1 : i32
    "tpu.region"() ({
      %run_scoped3A_22 = tpu.sem_alloc : memref<!tpu.dma_semaphore, #tpu.memory_space<semaphore_mem>>
      %dma_start3A = arith.constant 0 : i32
      %dma_start3A_23 = arith.constant 0 : i32
      %dma_start3A_24 = arith.constant 0 : i32
      %dma_start3A_25 = tpu.memref_slice %arg3[%add3A, %dma_start3A, %dma_start3A_23, %dma_start3A_24] : memref<32x2x50x100xi32, #tpu.memory_space<hbm>> -> memref<1x2x50x100xi32, #tpu.memory_space<hbm>>
      %dma_start3A_26 = tpu.memref_squeeze %dma_start3A_25 : memref<1x2x50x100xi32, #tpu.memory_space<hbm>> -> memref<2x50x100xi32, #tpu.memory_space<hbm>>
      %dma_start3A_27 = arith.constant 0 : i32
      %dma_start3A_28 = arith.constant 0 : i32
      %dma_start3A_29 = tpu.memref_slice %dma_start3A_26[%run_scoped3A_10, %dma_start3A_27, %dma_start3A_28] : memref<2x50x100xi32, #tpu.memory_space<hbm>> -> memref<1x50x100xi32, #tpu.memory_space<hbm>>
      %dma_start3A_30 = tpu.memref_squeeze %dma_start3A_29 : memref<1x50x100xi32, #tpu.memory_space<hbm>> -> memref<50x100xi32, #tpu.memory_space<hbm>>
      %dma_start3A_31 = arith.constant 0 : i32
      %dma_start3A_32 = arith.constant 0 : i32
      %dma_start3A_33 = arith.constant 0 : i32
      %dma_start3A_34 = tpu.memref_slice %arg3[%add3A, %dma_start3A_31, %dma_start3A_32, %dma_start3A_33] : memref<32x2x50x100xi32, #tpu.memory_space<hbm>> -> memref<1x2x50x100xi32, #tpu.memory_space<hbm>>
      %dma_start3A_35 = tpu.memref_squeeze %dma_start3A_34 : memref<1x2x50x100xi32, #tpu.memory_space<hbm>> -> memref<2x50x100xi32, #tpu.memory_space<hbm>>
      %dma_start3A_36 = arith.constant 0 : i32
      %dma_start3A_37 = arith.constant 0 : i32
      %dma_start3A_38 = tpu.memref_slice %dma_start3A_35[%run_scoped3A_10, %dma_start3A_36, %dma_start3A_37] : memref<2x50x100xi32, #tpu.memory_space<hbm>> -> memref<1x50x100xi32, #tpu.memory_space<hbm>>
      %dma_start3A_39 = tpu.memref_squeeze %dma_start3A_38 : memref<1x50x100xi32, #tpu.memory_space<hbm>> -> memref<50x100xi32, #tpu.memory_space<hbm>>
      tpu.enqueue_dma source(%dma_start3A_39 : memref<50x100xi32, #tpu.memory_space<hbm>>) target(%arg7 : memref<50x100xi32, #tpu.memory_space<vmem>>) target_semaphore(%run_scoped3A_22 : memref<!tpu.dma_semaphore, #tpu.memory_space<semaphore_mem>>)
      %dma_wait3A = arith.constant 0 : i32
      %dma_wait3A_40 = arith.constant 0 : i32
      %dma_wait3A_41 = arith.constant 0 : i32
      %dma_wait3A_42 = tpu.memref_slice %arg3[%add3A, %dma_wait3A, %dma_wait3A_40, %dma_wait3A_41] : memref<32x2x50x100xi32, #tpu.memory_space<hbm>> -> memref<1x2x50x100xi32, #tpu.memory_space<hbm>>
      %dma_wait3A_43 = tpu.memref_squeeze %dma_wait3A_42 : memref<1x2x50x100xi32, #tpu.memory_space<hbm>> -> memref<2x50x100xi32, #tpu.memory_space<hbm>>
      %dma_wait3A_44 = arith.constant 0 : i32
      %dma_wait3A_45 = arith.constant 0 : i32
      %dma_wait3A_46 = tpu.memref_slice %dma_wait3A_43[%run_scoped3A_10, %dma_wait3A_44, %dma_wait3A_45] : memref<2x50x100xi32, #tpu.memory_space<hbm>> -> memref<1x50x100xi32, #tpu.memory_space<hbm>>
      %dma_wait3A_47 = tpu.memref_squeeze %dma_wait3A_46 : memref<1x50x100xi32, #tpu.memory_space<hbm>> -> memref<50x100xi32, #tpu.memory_space<hbm>>
      %dma_wait3A_48 = arith.constant 0 : i32
      %dma_wait3A_49 = arith.constant 0 : i32
      %dma_wait3A_50 = arith.constant 0 : i32
      %dma_wait3A_51 = tpu.memref_slice %arg3[%add3A, %dma_wait3A_48, %dma_wait3A_49, %dma_wait3A_50] : memref<32x2x50x100xi32, #tpu.memory_space<hbm>> -> memref<1x2x50x100xi32, #tpu.memory_space<hbm>>
      %dma_wait3A_52 = tpu.memref_squeeze %dma_wait3A_51 : memref<1x2x50x100xi32, #tpu.memory_space<hbm>> -> memref<2x50x100xi32, #tpu.memory_space<hbm>>
      %dma_wait3A_53 = arith.constant 0 : i32
      %dma_wait3A_54 = arith.constant 0 : i32
      %dma_wait3A_55 = tpu.memref_slice %dma_wait3A_52[%run_scoped3A_10, %dma_wait3A_53, %dma_wait3A_54] : memref<2x50x100xi32, #tpu.memory_space<hbm>> -> memref<1x50x100xi32, #tpu.memory_space<hbm>>
      %dma_wait3A_56 = tpu.memref_squeeze %dma_wait3A_55 : memref<1x50x100xi32, #tpu.memory_space<hbm>> -> memref<50x100xi32, #tpu.memory_space<hbm>>
      tpu.wait_dma2 semaphore(%run_scoped3A_22 : memref<!tpu.dma_semaphore, #tpu.memory_space<semaphore_mem>>) src(%dma_wait3A_56 : memref<50x100xi32, #tpu.memory_space<hbm>>) dst(%arg7 : memref<50x100xi32, #tpu.memory_space<vmem>>)
      tpu.yield
    }) : () -> ()
    %run_scoped3A_11 = arith.constant 1 : i32
    "tpu.region"() ({
      %run_scoped3A_22 = tpu.sem_alloc : memref<!tpu.dma_semaphore, #tpu.memory_space<semaphore_mem>>
      %dma_start3A = arith.constant 0 : i32
      %dma_start3A_23 = arith.constant 0 : i32
      %dma_start3A_24 = arith.constant 0 : i32
      %dma_start3A_25 = tpu.memref_slice %arg4[%add3A, %dma_start3A, %dma_start3A_23, %dma_start3A_24] : memref<32x2x50x100xi32, #tpu.memory_space<hbm>> -> memref<1x2x50x100xi32, #tpu.memory_space<hbm>>
      %dma_start3A_26 = tpu.memref_squeeze %dma_start3A_25 : memref<1x2x50x100xi32, #tpu.memory_space<hbm>> -> memref<2x50x100xi32, #tpu.memory_space<hbm>>
      %dma_start3A_27 = arith.constant 0 : i32
      %dma_start3A_28 = arith.constant 0 : i32
      %dma_start3A_29 = tpu.memref_slice %dma_start3A_26[%run_scoped3A_11, %dma_start3A_27, %dma_start3A_28] : memref<2x50x100xi32, #tpu.memory_space<hbm>> -> memref<1x50x100xi32, #tpu.memory_space<hbm>>
      %dma_start3A_30 = tpu.memref_squeeze %dma_start3A_29 : memref<1x50x100xi32, #tpu.memory_space<hbm>> -> memref<50x100xi32, #tpu.memory_space<hbm>>
      %dma_start3A_31 = arith.constant 0 : i32
      %dma_start3A_32 = arith.constant 0 : i32
      %dma_start3A_33 = arith.constant 0 : i32
      %dma_start3A_34 = tpu.memref_slice %arg4[%add3A, %dma_start3A_31, %dma_start3A_32, %dma_start3A_33] : memref<32x2x50x100xi32, #tpu.memory_space<hbm>> -> memref<1x2x50x100xi32, #tpu.memory_space<hbm>>
      %dma_start3A_35 = tpu.memref_squeeze %dma_start3A_34 : memref<1x2x50x100xi32, #tpu.memory_space<hbm>> -> memref<2x50x100xi32, #tpu.memory_space<hbm>>
      %dma_start3A_36 = arith.constant 0 : i32
      %dma_start3A_37 = arith.constant 0 : i32
      %dma_start3A_38 = tpu.memref_slice %dma_start3A_35[%run_scoped3A_11, %dma_start3A_36, %dma_start3A_37] : memref<2x50x100xi32, #tpu.memory_space<hbm>> -> memref<1x50x100xi32, #tpu.memory_space<hbm>>
      %dma_start3A_39 = tpu.memref_squeeze %dma_start3A_38 : memref<1x50x100xi32, #tpu.memory_space<hbm>> -> memref<50x100xi32, #tpu.memory_space<hbm>>
      tpu.enqueue_dma source(%dma_start3A_39 : memref<50x100xi32, #tpu.memory_space<hbm>>) target(%arg8 : memref<50x100xi32, #tpu.memory_space<vmem>>) target_semaphore(%run_scoped3A_22 : memref<!tpu.dma_semaphore, #tpu.memory_space<semaphore_mem>>)
      %dma_wait3A = arith.constant 0 : i32
      %dma_wait3A_40 = arith.constant 0 : i32
      %dma_wait3A_41 = arith.constant 0 : i32
      %dma_wait3A_42 = tpu.memref_slice %arg4[%add3A, %dma_wait3A, %dma_wait3A_40, %dma_wait3A_41] : memref<32x2x50x100xi32, #tpu.memory_space<hbm>> -> memref<1x2x50x100xi32, #tpu.memory_space<hbm>>
      %dma_wait3A_43 = tpu.memref_squeeze %dma_wait3A_42 : memref<1x2x50x100xi32, #tpu.memory_space<hbm>> -> memref<2x50x100xi32, #tpu.memory_space<hbm>>
      %dma_wait3A_44 = arith.constant 0 : i32
      %dma_wait3A_45 = arith.constant 0 : i32
      %dma_wait3A_46 = tpu.memref_slice %dma_wait3A_43[%run_scoped3A_11, %dma_wait3A_44, %dma_wait3A_45] : memref<2x50x100xi32, #tpu.memory_space<hbm>> -> memref<1x50x100xi32, #tpu.memory_space<hbm>>
      %dma_wait3A_47 = tpu.memref_squeeze %dma_wait3A_46 : memref<1x50x100xi32, #tpu.memory_space<hbm>> -> memref<50x100xi32, #tpu.memory_space<hbm>>
      %dma_wait3A_48 = arith.constant 0 : i32
      %dma_wait3A_49 = arith.constant 0 : i32
      %dma_wait3A_50 = arith.constant 0 : i32
      %dma_wait3A_51 = tpu.memref_slice %arg4[%add3A, %dma_wait3A_48, %dma_wait3A_49, %dma_wait3A_50] : memref<32x2x50x100xi32, #tpu.memory_space<hbm>> -> memref<1x2x50x100xi32, #tpu.memory_space<hbm>>
      %dma_wait3A_52 = tpu.memref_squeeze %dma_wait3A_51 : memref<1x2x50x100xi32, #tpu.memory_space<hbm>> -> memref<2x50x100xi32, #tpu.memory_space<hbm>>
      %dma_wait3A_53 = arith.constant 0 : i32
      %dma_wait3A_54 = arith.constant 0 : i32
      %dma_wait3A_55 = tpu.memref_slice %dma_wait3A_52[%run_scoped3A_11, %dma_wait3A_53, %dma_wait3A_54] : memref<2x50x100xi32, #tpu.memory_space<hbm>> -> memref<1x50x100xi32, #tpu.memory_space<hbm>>
      %dma_wait3A_56 = tpu.memref_squeeze %dma_wait3A_55 : memref<1x50x100xi32, #tpu.memory_space<hbm>> -> memref<50x100xi32, #tpu.memory_space<hbm>>
      tpu.wait_dma2 semaphore(%run_scoped3A_22 : memref<!tpu.dma_semaphore, #tpu.memory_space<semaphore_mem>>) src(%dma_wait3A_56 : memref<50x100xi32, #tpu.memory_space<hbm>>) dst(%arg8 : memref<50x100xi32, #tpu.memory_space<vmem>>)
      tpu.yield
    }) : () -> ()
    %scan3A_12 = arith.constant 0 : i32
    %scan3A_13 = arith.constant 5 : i32
    %scan3A_14 = arith.addi %scan3A_12, %scan3A_13 : i32
    %scan3A_15 = arith.constant 1 : i32
    scf.for %scan3A_22 = %scan3A_12 to %scan3A_14 step %scan3A_15  : i32 {
      %mul3A_23 = arith.constant 1 : i32
      %mul3A_24 = arith.muli %scan3A_22, %mul3A_23 : i32
      %add3A_25 = arith.constant 0 : i32
      %add3A_26 = arith.addi %add3A_25, %mul3A_24 : i32
      %mul3A_27 = arith.constant 10 : i32
      %mul3A_28 = arith.muli %add3A_26, %mul3A_27 : i32
      %dma_start3A = arith.constant 0 : i32
      %dma_start3A_29 = arith.constant 0 : i32
      %dma_start3A_30 = arith.constant 0 : i32
      %dma_start3A_31 = arith.constant 0 : i32
      %dma_start3A_32 = tpu.memref_slice %arg9[%dma_start3A, %dma_start3A_30, %dma_start3A_31] : memref<2x100x128xf32, #tpu.memory_space<vmem>> -> memref<1x100x128xf32, #tpu.memory_space<vmem>>
      %dma_start3A_33 = tpu.memref_squeeze %dma_start3A_32 : memref<1x100x128xf32, #tpu.memory_space<vmem>> -> memref<100x128xf32, #tpu.memory_space<vmem>>
      %dma_start3A_34 = arith.constant 0 : i32
      %dma_start3A_35 = tpu.memref_slice %arg7[%mul3A_28, %dma_start3A_34] : memref<50x100xi32, #tpu.memory_space<vmem>> -> memref<1x100xi32, #tpu.memory_space<vmem>>
      %dma_start3A_36 = tpu.memref_squeeze %dma_start3A_35 : memref<1x100xi32, #tpu.memory_space<vmem>> -> memref<100xi32, #tpu.memory_space<vmem>>
      %dma_start3A_37 = arith.constant 0 : i32
      %dma_start3A_38 = arith.constant 0 : i32
      %dma_start3A_39 = tpu.memref_slice %arg2[%dma_start3A_37, %dma_start3A_38] : memref<10000x128xf32, #tpu.memory_space<hbm>> -> memref<10000x128xf32, #tpu.memory_space<hbm>>
      %dma_start3A_40 = tpu.memref_slice %arg11[%dma_start3A_29] : memref<2x!tpu.dma_semaphore, #tpu.memory_space<semaphore_mem>> -> memref<1x!tpu.dma_semaphore, #tpu.memory_space<semaphore_mem>>
      %dma_start3A_41 = tpu.memref_squeeze %dma_start3A_40 : memref<1x!tpu.dma_semaphore, #tpu.memory_space<semaphore_mem>> -> memref<!tpu.dma_semaphore, #tpu.memory_space<semaphore_mem>>
      tpu.enqueue_indirect_dma source(%dma_start3A_39 : memref<10000x128xf32, #tpu.memory_space<hbm>>) target(%dma_start3A_33 : memref<100x128xf32, #tpu.memory_space<vmem>>) offsets(%dma_start3A_36 : memref<100xi32, #tpu.memory_space<vmem>>) semaphore(%dma_start3A_41 : memref<!tpu.dma_semaphore, #tpu.memory_space<semaphore_mem>>)
      %add3A_42 = arith.constant 0 : i32
      %add3A_43 = arith.addi %mul3A_28, %add3A_42 : i32
      %add3A_44 = arith.constant 1 : i32
      %add3A_45 = arith.addi %add3A_43, %add3A_44 : i32
      %dma_start3A_46 = arith.constant 1 : i32
      %dma_start3A_47 = arith.constant 1 : i32
      %dma_start3A_48 = arith.constant 0 : i32
      %dma_start3A_49 = arith.constant 0 : i32
      %dma_start3A_50 = tpu.memref_slice %arg9[%dma_start3A_46, %dma_start3A_48, %dma_start3A_49] : memref<2x100x128xf32, #tpu.memory_space<vmem>> -> memref<1x100x128xf32, #tpu.memory_space<vmem>>
      %dma_start3A_51 = tpu.memref_squeeze %dma_start3A_50 : memref<1x100x128xf32, #tpu.memory_space<vmem>> -> memref<100x128xf32, #tpu.memory_space<vmem>>
      %dma_start3A_52 = arith.constant 0 : i32
      %dma_start3A_53 = tpu.memref_slice %arg7[%add3A_45, %dma_start3A_52] : memref<50x100xi32, #tpu.memory_space<vmem>> -> memref<1x100xi32, #tpu.memory_space<vmem>>
      %dma_start3A_54 = tpu.memref_squeeze %dma_start3A_53 : memref<1x100xi32, #tpu.memory_space<vmem>> -> memref<100xi32, #tpu.memory_space<vmem>>
      %dma_start3A_55 = arith.constant 0 : i32
      %dma_start3A_56 = arith.constant 0 : i32
      %dma_start3A_57 = tpu.memref_slice %arg2[%dma_start3A_55, %dma_start3A_56] : memref<10000x128xf32, #tpu.memory_space<hbm>> -> memref<10000x128xf32, #tpu.memory_space<hbm>>
      %dma_start3A_58 = tpu.memref_slice %arg11[%dma_start3A_47] : memref<2x!tpu.dma_semaphore, #tpu.memory_space<semaphore_mem>> -> memref<1x!tpu.dma_semaphore, #tpu.memory_space<semaphore_mem>>
      %dma_start3A_59 = tpu.memref_squeeze %dma_start3A_58 : memref<1x!tpu.dma_semaphore, #tpu.memory_space<semaphore_mem>> -> memref<!tpu.dma_semaphore, #tpu.memory_space<semaphore_mem>>
      tpu.enqueue_indirect_dma source(%dma_start3A_57 : memref<10000x128xf32, #tpu.memory_space<hbm>>) target(%dma_start3A_51 : memref<100x128xf32, #tpu.memory_space<vmem>>) offsets(%dma_start3A_54 : memref<100xi32, #tpu.memory_space<vmem>>) semaphore(%dma_start3A_59 : memref<!tpu.dma_semaphore, #tpu.memory_space<semaphore_mem>>)
      %dma_wait3A = arith.constant 0 : i32
      %dma_wait3A_60 = arith.constant 0 : i32
      %dma_wait3A_61 = arith.constant 0 : i32
      %dma_wait3A_62 = arith.constant 0 : i32
      %dma_wait3A_63 = tpu.memref_slice %arg9[%dma_wait3A, %dma_wait3A_61, %dma_wait3A_62] : memref<2x100x128xf32, #tpu.memory_space<vmem>> -> memref<1x100x128xf32, #tpu.memory_space<vmem>>
      %dma_wait3A_64 = tpu.memref_squeeze %dma_wait3A_63 : memref<1x100x128xf32, #tpu.memory_space<vmem>> -> memref<100x128xf32, #tpu.memory_space<vmem>>
      %dma_wait3A_65 = arith.constant 0 : i32
      %dma_wait3A_66 = tpu.memref_slice %arg7[%mul3A_28, %dma_wait3A_65] : memref<50x100xi32, #tpu.memory_space<vmem>> -> memref<1x100xi32, #tpu.memory_space<vmem>>
      %dma_wait3A_67 = tpu.memref_squeeze %dma_wait3A_66 : memref<1x100xi32, #tpu.memory_space<vmem>> -> memref<100xi32, #tpu.memory_space<vmem>>
      %dma_wait3A_68 = arith.constant 0 : i32
      %dma_wait3A_69 = arith.constant 0 : i32
      %dma_wait3A_70 = tpu.memref_slice %arg2[%dma_wait3A_68, %dma_wait3A_69] : memref<10000x128xf32, #tpu.memory_space<hbm>> -> memref<10000x128xf32, #tpu.memory_space<hbm>>
      %dma_wait3A_71 = tpu.memref_slice %arg11[%dma_wait3A_60] : memref<2x!tpu.dma_semaphore, #tpu.memory_space<semaphore_mem>> -> memref<1x!tpu.dma_semaphore, #tpu.memory_space<semaphore_mem>>
      %dma_wait3A_72 = tpu.memref_squeeze %dma_wait3A_71 : memref<1x!tpu.dma_semaphore, #tpu.memory_space<semaphore_mem>> -> memref<!tpu.dma_semaphore, #tpu.memory_space<semaphore_mem>>
      tpu.wait_indirect_dma semaphore(%dma_wait3A_72 : memref<!tpu.dma_semaphore, #tpu.memory_space<semaphore_mem>>) src(%dma_wait3A_70 : memref<10000x128xf32, #tpu.memory_space<hbm>>) dst(%dma_wait3A_64 : memref<100x128xf32, #tpu.memory_space<vmem>>)
      %add3A_73 = arith.constant 0 : i32
      %add3A_74 = arith.addi %mul3A_28, %add3A_73 : i32
      %dma_start3A_75 = arith.constant 0 : i32
      %dma_start3A_76 = arith.constant 0 : i32
      %dma_start3A_77 = arith.constant 0 : i32
      %dma_start3A_78 = arith.constant 0 : i32
      %dma_start3A_79 = tpu.memref_slice %arg9[%dma_start3A_75, %dma_start3A_77, %dma_start3A_78] : memref<2x100x128xf32, #tpu.memory_space<vmem>> -> memref<1x100x128xf32, #tpu.memory_space<vmem>>
      %dma_start3A_80 = tpu.memref_squeeze %dma_start3A_79 : memref<1x100x128xf32, #tpu.memory_space<vmem>> -> memref<100x128xf32, #tpu.memory_space<vmem>>
      %dma_start3A_81 = arith.constant 0 : i32
      %dma_start3A_82 = tpu.memref_slice %arg8[%add3A_74, %dma_start3A_81] : memref<50x100xi32, #tpu.memory_space<vmem>> -> memref<1x100xi32, #tpu.memory_space<vmem>>
      %dma_start3A_83 = tpu.memref_squeeze %dma_start3A_82 : memref<1x100xi32, #tpu.memory_space<vmem>> -> memref<100xi32, #tpu.memory_space<vmem>>
      %dma_start3A_84 = arith.constant 0 : i32
      %dma_start3A_85 = arith.constant 0 : i32
      %dma_start3A_86 = tpu.memref_slice %arg10[%dma_start3A_84, %dma_start3A_85] : memref<10240x128xf32, #tpu.memory_space<vmem_shared>> -> memref<10240x128xf32, #tpu.memory_space<vmem_shared>>
      %dma_start3A_87 = tpu.memref_slice %arg12[%dma_start3A_76] : memref<2x!tpu.dma_semaphore, #tpu.memory_space<semaphore_mem>> -> memref<1x!tpu.dma_semaphore, #tpu.memory_space<semaphore_mem>>
      %dma_start3A_88 = tpu.memref_squeeze %dma_start3A_87 : memref<1x!tpu.dma_semaphore, #tpu.memory_space<semaphore_mem>> -> memref<!tpu.dma_semaphore, #tpu.memory_space<semaphore_mem>>
      tpu.enqueue_indirect_dma source(%dma_start3A_80 : memref<100x128xf32, #tpu.memory_space<vmem>>) target(%dma_start3A_86 : memref<10240x128xf32, #tpu.memory_space<vmem_shared>>) offsets(%dma_start3A_83 : memref<100xi32, #tpu.memory_space<vmem>>) semaphore(%dma_start3A_88 : memref<!tpu.dma_semaphore, #tpu.memory_space<semaphore_mem>>) {add = true}
      %dma_wait3A_89 = arith.constant 0 : i32
      %dma_wait3A_90 = arith.constant 0 : i32
      %dma_wait3A_91 = arith.constant 0 : i32
      %dma_wait3A_92 = arith.constant 0 : i32
      %dma_wait3A_93 = tpu.memref_slice %arg9[%dma_wait3A_89, %dma_wait3A_91, %dma_wait3A_92] : memref<2x100x128xf32, #tpu.memory_space<vmem>> -> memref<1x100x128xf32, #tpu.memory_space<vmem>>
      %dma_wait3A_94 = tpu.memref_squeeze %dma_wait3A_93 : memref<1x100x128xf32, #tpu.memory_space<vmem>> -> memref<100x128xf32, #tpu.memory_space<vmem>>
      %dma_wait3A_95 = arith.constant 0 : i32
      %dma_wait3A_96 = tpu.memref_slice %arg8[%add3A_74, %dma_wait3A_95] : memref<50x100xi32, #tpu.memory_space<vmem>> -> memref<1x100xi32, #tpu.memory_space<vmem>>
      %dma_wait3A_97 = tpu.memref_squeeze %dma_wait3A_96 : memref<1x100xi32, #tpu.memory_space<vmem>> -> memref<100xi32, #tpu.memory_space<vmem>>
      %dma_wait3A_98 = arith.constant 0 : i32
      %dma_wait3A_99 = arith.constant 0 : i32
      %dma_wait3A_100 = tpu.memref_slice %arg10[%dma_wait3A_98, %dma_wait3A_99] : memref<10240x128xf32, #tpu.memory_space<vmem_shared>> -> memref<10240x128xf32, #tpu.memory_space<vmem_shared>>
      %dma_wait3A_101 = tpu.memref_slice %arg12[%dma_wait3A_90] : memref<2x!tpu.dma_semaphore, #tpu.memory_space<semaphore_mem>> -> memref<1x!tpu.dma_semaphore, #tpu.memory_space<semaphore_mem>>
      %dma_wait3A_102 = tpu.memref_squeeze %dma_wait3A_101 : memref<1x!tpu.dma_semaphore, #tpu.memory_space<semaphore_mem>> -> memref<!tpu.dma_semaphore, #tpu.memory_space<semaphore_mem>>
      tpu.wait_indirect_dma semaphore(%dma_wait3A_102 : memref<!tpu.dma_semaphore, #tpu.memory_space<semaphore_mem>>) src(%dma_wait3A_94 : memref<100x128xf32, #tpu.memory_space<vmem>>) dst(%dma_wait3A_100 : memref<10240x128xf32, #tpu.memory_space<vmem_shared>>)
      %add3A_103 = arith.constant 1 : i32
      %add3A_104 = arith.addi %mul3A_28, %add3A_103 : i32
      %add3A_105 = arith.constant 1 : i32
      %add3A_106 = arith.addi %add3A_104, %add3A_105 : i32
      %dma_start3A_107 = arith.constant 0 : i32
      %dma_start3A_108 = arith.constant 0 : i32
      %dma_start3A_109 = arith.constant 0 : i32
      %dma_start3A_110 = arith.constant 0 : i32
      %dma_start3A_111 = tpu.memref_slice %arg9[%dma_start3A_107, %dma_start3A_109, %dma_start3A_110] : memref<2x100x128xf32, #tpu.memory_space<vmem>> -> memref<1x100x128xf32, #tpu.memory_space<vmem>>
      %dma_start3A_112 = tpu.memref_squeeze %dma_start3A_111 : memref<1x100x128xf32, #tpu.memory_space<vmem>> -> memref<100x128xf32, #tpu.memory_space<vmem>>
      %dma_start3A_113 = arith.constant 0 : i32
      %dma_start3A_114 = tpu.memref_slice %arg7[%add3A_106, %dma_start3A_113] : memref<50x100xi32, #tpu.memory_space<vmem>> -> memref<1x100xi32, #tpu.memory_space<vmem>>
      %dma_start3A_115 = tpu.memref_squeeze %dma_start3A_114 : memref<1x100xi32, #tpu.memory_space<vmem>> -> memref<100xi32, #tpu.memory_space<vmem>>
      %dma_start3A_116 = arith.constant 0 : i32
      %dma_start3A_117 = arith.constant 0 : i32
      %dma_start3A_118 = tpu.memref_slice %arg2[%dma_start3A_116, %dma_start3A_117] : memref<10000x128xf32, #tpu.memory_space<hbm>> -> memref<10000x128xf32, #tpu.memory_space<hbm>>
      %dma_start3A_119 = tpu.memref_slice %arg11[%dma_start3A_108] : memref<2x!tpu.dma_semaphore, #tpu.memory_space<semaphore_mem>> -> memref<1x!tpu.dma_semaphore, #tpu.memory_space<semaphore_mem>>
      %dma_start3A_120 = tpu.memref_squeeze %dma_start3A_119 : memref<1x!tpu.dma_semaphore, #tpu.memory_space<semaphore_mem>> -> memref<!tpu.dma_semaphore, #tpu.memory_space<semaphore_mem>>
      tpu.enqueue_indirect_dma source(%dma_start3A_118 : memref<10000x128xf32, #tpu.memory_space<hbm>>) target(%dma_start3A_112 : memref<100x128xf32, #tpu.memory_space<vmem>>) offsets(%dma_start3A_115 : memref<100xi32, #tpu.memory_space<vmem>>) semaphore(%dma_start3A_120 : memref<!tpu.dma_semaphore, #tpu.memory_space<semaphore_mem>>)
      %dma_wait3A_121 = arith.constant 1 : i32
      %dma_wait3A_122 = arith.constant 1 : i32
      %dma_wait3A_123 = arith.constant 0 : i32
      %dma_wait3A_124 = arith.constant 0 : i32
      %dma_wait3A_125 = tpu.memref_slice %arg9[%dma_wait3A_121, %dma_wait3A_123, %dma_wait3A_124] : memref<2x100x128xf32, #tpu.memory_space<vmem>> -> memref<1x100x128xf32, #tpu.memory_space<vmem>>
      %dma_wait3A_126 = tpu.memref_squeeze %dma_wait3A_125 : memref<1x100x128xf32, #tpu.memory_space<vmem>> -> memref<100x128xf32, #tpu.memory_space<vmem>>
      %dma_wait3A_127 = arith.constant 0 : i32
      %dma_wait3A_128 = tpu.memref_slice %arg7[%add3A_45, %dma_wait3A_127] : memref<50x100xi32, #tpu.memory_space<vmem>> -> memref<1x100xi32, #tpu.memory_space<vmem>>
      %dma_wait3A_129 = tpu.memref_squeeze %dma_wait3A_128 : memref<1x100xi32, #tpu.memory_space<vmem>> -> memref<100xi32, #tpu.memory_space<vmem>>
      %dma_wait3A_130 = arith.constant 0 : i32
      %dma_wait3A_131 = arith.constant 0 : i32
      %dma_wait3A_132 = tpu.memref_slice %arg2[%dma_wait3A_130, %dma_wait3A_131] : memref<10000x128xf32, #tpu.memory_space<hbm>> -> memref<10000x128xf32, #tpu.memory_space<hbm>>
      %dma_wait3A_133 = tpu.memref_slice %arg11[%dma_wait3A_122] : memref<2x!tpu.dma_semaphore, #tpu.memory_space<semaphore_mem>> -> memref<1x!tpu.dma_semaphore, #tpu.memory_space<semaphore_mem>>
      %dma_wait3A_134 = tpu.memref_squeeze %dma_wait3A_133 : memref<1x!tpu.dma_semaphore, #tpu.memory_space<semaphore_mem>> -> memref<!tpu.dma_semaphore, #tpu.memory_space<semaphore_mem>>
      tpu.wait_indirect_dma semaphore(%dma_wait3A_134 : memref<!tpu.dma_semaphore, #tpu.memory_space<semaphore_mem>>) src(%dma_wait3A_132 : memref<10000x128xf32, #tpu.memory_space<hbm>>) dst(%dma_wait3A_126 : memref<100x128xf32, #tpu.memory_space<vmem>>)
      %add3A_135 = arith.constant 1 : i32
      %add3A_136 = arith.addi %mul3A_28, %add3A_135 : i32
      %dma_start3A_137 = arith.constant 1 : i32
      %dma_start3A_138 = arith.constant 1 : i32
      %dma_start3A_139 = arith.constant 0 : i32
      %dma_start3A_140 = arith.constant 0 : i32
      %dma_start3A_141 = tpu.memref_slice %arg9[%dma_start3A_137, %dma_start3A_139, %dma_start3A_140] : memref<2x100x128xf32, #tpu.memory_space<vmem>> -> memref<1x100x128xf32, #tpu.memory_space<vmem>>
      %dma_start3A_142 = tpu.memref_squeeze %dma_start3A_141 : memref<1x100x128xf32, #tpu.memory_space<vmem>> -> memref<100x128xf32, #tpu.memory_space<vmem>>
      %dma_start3A_143 = arith.constant 0 : i32
      %dma_start3A_144 = tpu.memref_slice %arg8[%add3A_136, %dma_start3A_143] : memref<50x100xi32, #tpu.memory_space<vmem>> -> memref<1x100xi32, #tpu.memory_space<vmem>>
      %dma_start3A_145 = tpu.memref_squeeze %dma_start3A_144 : memref<1x100xi32, #tpu.memory_space<vmem>> -> memref<100xi32, #tpu.memory_space<vmem>>
      %dma_start3A_146 = arith.constant 0 : i32
      %dma_start3A_147 = arith.constant 0 : i32
      %dma_start3A_148 = tpu.memref_slice %arg10[%dma_start3A_146, %dma_start3A_147] : memref<10240x128xf32, #tpu.memory_space<vmem_shared>> -> memref<10240x128xf32, #tpu.memory_space<vmem_shared>>
      %dma_start3A_149 = tpu.memref_slice %arg12[%dma_start3A_138] : memref<2x!tpu.dma_semaphore, #tpu.memory_space<semaphore_mem>> -> memref<1x!tpu.dma_semaphore, #tpu.memory_space<semaphore_mem>>
      %dma_start3A_150 = tpu.memref_squeeze %dma_start3A_149 : memref<1x!tpu.dma_semaphore, #tpu.memory_space<semaphore_mem>> -> memref<!tpu.dma_semaphore, #tpu.memory_space<semaphore_mem>>
      tpu.enqueue_indirect_dma source(%dma_start3A_142 : memref<100x128xf32, #tpu.memory_space<vmem>>) target(%dma_start3A_148 : memref<10240x128xf32, #tpu.memory_space<vmem_shared>>) offsets(%dma_start3A_145 : memref<100xi32, #tpu.memory_space<vmem>>) semaphore(%dma_start3A_150 : memref<!tpu.dma_semaphore, #tpu.memory_space<semaphore_mem>>) {add = true}
      %dma_wait3A_151 = arith.constant 1 : i32
      %dma_wait3A_152 = arith.constant 1 : i32
      %dma_wait3A_153 = arith.constant 0 : i32
      %dma_wait3A_154 = arith.constant 0 : i32
      %dma_wait3A_155 = tpu.memref_slice %arg9[%dma_wait3A_151, %dma_wait3A_153, %dma_wait3A_154] : memref<2x100x128xf32, #tpu.memory_space<vmem>> -> memref<1x100x128xf32, #tpu.memory_space<vmem>>
      %dma_wait3A_156 = tpu.memref_squeeze %dma_wait3A_155 : memref<1x100x128xf32, #tpu.memory_space<vmem>> -> memref<100x128xf32, #tpu.memory_space<vmem>>
      %dma_wait3A_157 = arith.constant 0 : i32
      %dma_wait3A_158 = tpu.memref_slice %arg8[%add3A_136, %dma_wait3A_157] : memref<50x100xi32, #tpu.memory_space<vmem>> -> memref<1x100xi32, #tpu.memory_space<vmem>>
      %dma_wait3A_159 = tpu.memref_squeeze %dma_wait3A_158 : memref<1x100xi32, #tpu.memory_space<vmem>> -> memref<100xi32, #tpu.memory_space<vmem>>
      %dma_wait3A_160 = arith.constant 0 : i32
      %dma_wait3A_161 = arith.constant 0 : i32
      %dma_wait3A_162 = tpu.memref_slice %arg10[%dma_wait3A_160, %dma_wait3A_161] : memref<10240x128xf32, #tpu.memory_space<vmem_shared>> -> memref<10240x128xf32, #tpu.memory_space<vmem_shared>>
      %dma_wait3A_163 = tpu.memref_slice %arg12[%dma_wait3A_152] : memref<2x!tpu.dma_semaphore, #tpu.memory_space<semaphore_mem>> -> memref<1x!tpu.dma_semaphore, #tpu.memory_space<semaphore_mem>>
      %dma_wait3A_164 = tpu.memref_squeeze %dma_wait3A_163 : memref<1x!tpu.dma_semaphore, #tpu.memory_space<semaphore_mem>> -> memref<!tpu.dma_semaphore, #tpu.memory_space<semaphore_mem>>
      tpu.wait_indirect_dma semaphore(%dma_wait3A_164 : memref<!tpu.dma_semaphore, #tpu.memory_space<semaphore_mem>>) src(%dma_wait3A_156 : memref<100x128xf32, #tpu.memory_space<vmem>>) dst(%dma_wait3A_162 : memref<10240x128xf32, #tpu.memory_space<vmem_shared>>)
      %add3A_165 = arith.constant 2 : i32
      %add3A_166 = arith.addi %mul3A_28, %add3A_165 : i32
      %add3A_167 = arith.constant 1 : i32
      %add3A_168 = arith.addi %add3A_166, %add3A_167 : i32
      %dma_start3A_169 = arith.constant 1 : i32
      %dma_start3A_170 = arith.constant 1 : i32
      %dma_start3A_171 = arith.constant 0 : i32
      %dma_start3A_172 = arith.constant 0 : i32
      %dma_start3A_173 = tpu.memref_slice %arg9[%dma_start3A_169, %dma_start3A_171, %dma_start3A_172] : memref<2x100x128xf32, #tpu.memory_space<vmem>> -> memref<1x100x128xf32, #tpu.memory_space<vmem>>
      %dma_start3A_174 = tpu.memref_squeeze %dma_start3A_173 : memref<1x100x128xf32, #tpu.memory_space<vmem>> -> memref<100x128xf32, #tpu.memory_space<vmem>>
      %dma_start3A_175 = arith.constant 0 : i32
      %dma_start3A_176 = tpu.memref_slice %arg7[%add3A_168, %dma_start3A_175] : memref<50x100xi32, #tpu.memory_space<vmem>> -> memref<1x100xi32, #tpu.memory_space<vmem>>
      %dma_start3A_177 = tpu.memref_squeeze %dma_start3A_176 : memref<1x100xi32, #tpu.memory_space<vmem>> -> memref<100xi32, #tpu.memory_space<vmem>>
      %dma_start3A_178 = arith.constant 0 : i32
      %dma_start3A_179 = arith.constant 0 : i32
      %dma_start3A_180 = tpu.memref_slice %arg2[%dma_start3A_178, %dma_start3A_179] : memref<10000x128xf32, #tpu.memory_space<hbm>> -> memref<10000x128xf32, #tpu.memory_space<hbm>>
      %dma_start3A_181 = tpu.memref_slice %arg11[%dma_start3A_170] : memref<2x!tpu.dma_semaphore, #tpu.memory_space<semaphore_mem>> -> memref<1x!tpu.dma_semaphore, #tpu.memory_space<semaphore_mem>>
      %dma_start3A_182 = tpu.memref_squeeze %dma_start3A_181 : memref<1x!tpu.dma_semaphore, #tpu.memory_space<semaphore_mem>> -> memref<!tpu.dma_semaphore, #tpu.memory_space<semaphore_mem>>
      tpu.enqueue_indirect_dma source(%dma_start3A_180 : memref<10000x128xf32, #tpu.memory_space<hbm>>) target(%dma_start3A_174 : memref<100x128xf32, #tpu.memory_space<vmem>>) offsets(%dma_start3A_177 : memref<100xi32, #tpu.memory_space<vmem>>) semaphore(%dma_start3A_182 : memref<!tpu.dma_semaphore, #tpu.memory_space<semaphore_mem>>)
      %dma_wait3A_183 = arith.constant 0 : i32
      %dma_wait3A_184 = arith.constant 0 : i32
      %dma_wait3A_185 = arith.constant 0 : i32
      %dma_wait3A_186 = arith.constant 0 : i32
      %dma_wait3A_187 = tpu.memref_slice %arg9[%dma_wait3A_183, %dma_wait3A_185, %dma_wait3A_186] : memref<2x100x128xf32, #tpu.memory_space<vmem>> -> memref<1x100x128xf32, #tpu.memory_space<vmem>>
      %dma_wait3A_188 = tpu.memref_squeeze %dma_wait3A_187 : memref<1x100x128xf32, #tpu.memory_space<vmem>> -> memref<100x128xf32, #tpu.memory_space<vmem>>
      %dma_wait3A_189 = arith.constant 0 : i32
      %dma_wait3A_190 = tpu.memref_slice %arg7[%add3A_106, %dma_wait3A_189] : memref<50x100xi32, #tpu.memory_space<vmem>> -> memref<1x100xi32, #tpu.memory_space<vmem>>
      %dma_wait3A_191 = tpu.memref_squeeze %dma_wait3A_190 : memref<1x100xi32, #tpu.memory_space<vmem>> -> memref<100xi32, #tpu.memory_space<vmem>>
      %dma_wait3A_192 = arith.constant 0 : i32
      %dma_wait3A_193 = arith.constant 0 : i32
      %dma_wait3A_194 = tpu.memref_slice %arg2[%dma_wait3A_192, %dma_wait3A_193] : memref<10000x128xf32, #tpu.memory_space<hbm>> -> memref<10000x128xf32, #tpu.memory_space<hbm>>
      %dma_wait3A_195 = tpu.memref_slice %arg11[%dma_wait3A_184] : memref<2x!tpu.dma_semaphore, #tpu.memory_space<semaphore_mem>> -> memref<1x!tpu.dma_semaphore, #tpu.memory_space<semaphore_mem>>
      %dma_wait3A_196 = tpu.memref_squeeze %dma_wait3A_195 : memref<1x!tpu.dma_semaphore, #tpu.memory_space<semaphore_mem>> -> memref<!tpu.dma_semaphore, #tpu.memory_space<semaphore_mem>>
      tpu.wait_indirect_dma semaphore(%dma_wait3A_196 : memref<!tpu.dma_semaphore, #tpu.memory_space<semaphore_mem>>) src(%dma_wait3A_194 : memref<10000x128xf32, #tpu.memory_space<hbm>>) dst(%dma_wait3A_188 : memref<100x128xf32, #tpu.memory_space<vmem>>)
      %add3A_197 = arith.constant 2 : i32
      %add3A_198 = arith.addi %mul3A_28, %add3A_197 : i32
      %dma_start3A_199 = arith.constant 0 : i32
      %dma_start3A_200 = arith.constant 0 : i32
      %dma_start3A_201 = arith.constant 0 : i32
      %dma_start3A_202 = arith.constant 0 : i32
      %dma_start3A_203 = tpu.memref_slice %arg9[%dma_start3A_199, %dma_start3A_201, %dma_start3A_202] : memref<2x100x128xf32, #tpu.memory_space<vmem>> -> memref<1x100x128xf32, #tpu.memory_space<vmem>>
      %dma_start3A_204 = tpu.memref_squeeze %dma_start3A_203 : memref<1x100x128xf32, #tpu.memory_space<vmem>> -> memref<100x128xf32, #tpu.memory_space<vmem>>
      %dma_start3A_205 = arith.constant 0 : i32
      %dma_start3A_206 = tpu.memref_slice %arg8[%add3A_198, %dma_start3A_205] : memref<50x100xi32, #tpu.memory_space<vmem>> -> memref<1x100xi32, #tpu.memory_space<vmem>>
      %dma_start3A_207 = tpu.memref_squeeze %dma_start3A_206 : memref<1x100xi32, #tpu.memory_space<vmem>> -> memref<100xi32, #tpu.memory_space<vmem>>
      %dma_start3A_208 = arith.constant 0 : i32
      %dma_start3A_209 = arith.constant 0 : i32
      %dma_start3A_210 = tpu.memref_slice %arg10[%dma_start3A_208, %dma_start3A_209] : memref<10240x128xf32, #tpu.memory_space<vmem_shared>> -> memref<10240x128xf32, #tpu.memory_space<vmem_shared>>
      %dma_start3A_211 = tpu.memref_slice %arg12[%dma_start3A_200] : memref<2x!tpu.dma_semaphore, #tpu.memory_space<semaphore_mem>> -> memref<1x!tpu.dma_semaphore, #tpu.memory_space<semaphore_mem>>
      %dma_start3A_212 = tpu.memref_squeeze %dma_start3A_211 : memref<1x!tpu.dma_semaphore, #tpu.memory_space<semaphore_mem>> -> memref<!tpu.dma_semaphore, #tpu.memory_space<semaphore_mem>>
      tpu.enqueue_indirect_dma source(%dma_start3A_204 : memref<100x128xf32, #tpu.memory_space<vmem>>) target(%dma_start3A_210 : memref<10240x128xf32, #tpu.memory_space<vmem_shared>>) offsets(%dma_start3A_207 : memref<100xi32, #tpu.memory_space<vmem>>) semaphore(%dma_start3A_212 : memref<!tpu.dma_semaphore, #tpu.memory_space<semaphore_mem>>) {add = true}
      %dma_wait3A_213 = arith.constant 0 : i32
      %dma_wait3A_214 = arith.constant 0 : i32
      %dma_wait3A_215 = arith.constant 0 : i32
      %dma_wait3A_216 = arith.constant 0 : i32
      %dma_wait3A_217 = tpu.memref_slice %arg9[%dma_wait3A_213, %dma_wait3A_215, %dma_wait3A_216] : memref<2x100x128xf32, #tpu.memory_space<vmem>> -> memref<1x100x128xf32, #tpu.memory_space<vmem>>
      %dma_wait3A_218 = tpu.memref_squeeze %dma_wait3A_217 : memref<1x100x128xf32, #tpu.memory_space<vmem>> -> memref<100x128xf32, #tpu.memory_space<vmem>>
      %dma_wait3A_219 = arith.constant 0 : i32
      %dma_wait3A_220 = tpu.memref_slice %arg8[%add3A_198, %dma_wait3A_219] : memref<50x100xi32, #tpu.memory_space<vmem>> -> memref<1x100xi32, #tpu.memory_space<vmem>>
      %dma_wait3A_221 = tpu.memref_squeeze %dma_wait3A_220 : memref<1x100xi32, #tpu.memory_space<vmem>> -> memref<100xi32, #tpu.memory_space<vmem>>
      %dma_wait3A_222 = arith.constant 0 : i32
      %dma_wait3A_223 = arith.constant 0 : i32
      %dma_wait3A_224 = tpu.memref_slice %arg10[%dma_wait3A_222, %dma_wait3A_223] : memref<10240x128xf32, #tpu.memory_space<vmem_shared>> -> memref<10240x128xf32, #tpu.memory_space<vmem_shared>>
      %dma_wait3A_225 = tpu.memref_slice %arg12[%dma_wait3A_214] : memref<2x!tpu.dma_semaphore, #tpu.memory_space<semaphore_mem>> -> memref<1x!tpu.dma_semaphore, #tpu.memory_space<semaphore_mem>>
      %dma_wait3A_226 = tpu.memref_squeeze %dma_wait3A_225 : memref<1x!tpu.dma_semaphore, #tpu.memory_space<semaphore_mem>> -> memref<!tpu.dma_semaphore, #tpu.memory_space<semaphore_mem>>
      tpu.wait_indirect_dma semaphore(%dma_wait3A_226 : memref<!tpu.dma_semaphore, #tpu.memory_space<semaphore_mem>>) src(%dma_wait3A_218 : memref<100x128xf32, #tpu.memory_space<vmem>>) dst(%dma_wait3A_224 : memref<10240x128xf32, #tpu.memory_space<vmem_shared>>)
      %add3A_227 = arith.constant 3 : i32
      %add3A_228 = arith.addi %mul3A_28, %add3A_227 : i32
      %add3A_229 = arith.constant 1 : i32
      %add3A_230 = arith.addi %add3A_228, %add3A_229 : i32
      %dma_start3A_231 = arith.constant 0 : i32
      %dma_start3A_232 = arith.constant 0 : i32
      %dma_start3A_233 = arith.constant 0 : i32
      %dma_start3A_234 = arith.constant 0 : i32
      %dma_start3A_235 = tpu.memref_slice %arg9[%dma_start3A_231, %dma_start3A_233, %dma_start3A_234] : memref<2x100x128xf32, #tpu.memory_space<vmem>> -> memref<1x100x128xf32, #tpu.memory_space<vmem>>
      %dma_start3A_236 = tpu.memref_squeeze %dma_start3A_235 : memref<1x100x128xf32, #tpu.memory_space<vmem>> -> memref<100x128xf32, #tpu.memory_space<vmem>>
      %dma_start3A_237 = arith.constant 0 : i32
      %dma_start3A_238 = tpu.memref_slice %arg7[%add3A_230, %dma_start3A_237] : memref<50x100xi32, #tpu.memory_space<vmem>> -> memref<1x100xi32, #tpu.memory_space<vmem>>
      %dma_start3A_239 = tpu.memref_squeeze %dma_start3A_238 : memref<1x100xi32, #tpu.memory_space<vmem>> -> memref<100xi32, #tpu.memory_space<vmem>>
      %dma_start3A_240 = arith.constant 0 : i32
      %dma_start3A_241 = arith.constant 0 : i32
      %dma_start3A_242 = tpu.memref_slice %arg2[%dma_start3A_240, %dma_start3A_241] : memref<10000x128xf32, #tpu.memory_space<hbm>> -> memref<10000x128xf32, #tpu.memory_space<hbm>>
      %dma_start3A_243 = tpu.memref_slice %arg11[%dma_start3A_232] : memref<2x!tpu.dma_semaphore, #tpu.memory_space<semaphore_mem>> -> memref<1x!tpu.dma_semaphore, #tpu.memory_space<semaphore_mem>>
      %dma_start3A_244 = tpu.memref_squeeze %dma_start3A_243 : memref<1x!tpu.dma_semaphore, #tpu.memory_space<semaphore_mem>> -> memref<!tpu.dma_semaphore, #tpu.memory_space<semaphore_mem>>
      tpu.enqueue_indirect_dma source(%dma_start3A_242 : memref<10000x128xf32, #tpu.memory_space<hbm>>) target(%dma_start3A_236 : memref<100x128xf32, #tpu.memory_space<vmem>>) offsets(%dma_start3A_239 : memref<100xi32, #tpu.memory_space<vmem>>) semaphore(%dma_start3A_244 : memref<!tpu.dma_semaphore, #tpu.memory_space<semaphore_mem>>)
      %dma_wait3A_245 = arith.constant 1 : i32
      %dma_wait3A_246 = arith.constant 1 : i32
      %dma_wait3A_247 = arith.constant 0 : i32
      %dma_wait3A_248 = arith.constant 0 : i32
      %dma_wait3A_249 = tpu.memref_slice %arg9[%dma_wait3A_245, %dma_wait3A_247, %dma_wait3A_248] : memref<2x100x128xf32, #tpu.memory_space<vmem>> -> memref<1x100x128xf32, #tpu.memory_space<vmem>>
      %dma_wait3A_250 = tpu.memref_squeeze %dma_wait3A_249 : memref<1x100x128xf32, #tpu.memory_space<vmem>> -> memref<100x128xf32, #tpu.memory_space<vmem>>
      %dma_wait3A_251 = arith.constant 0 : i32
      %dma_wait3A_252 = tpu.memref_slice %arg7[%add3A_168, %dma_wait3A_251] : memref<50x100xi32, #tpu.memory_space<vmem>> -> memref<1x100xi32, #tpu.memory_space<vmem>>
      %dma_wait3A_253 = tpu.memref_squeeze %dma_wait3A_252 : memref<1x100xi32, #tpu.memory_space<vmem>> -> memref<100xi32, #tpu.memory_space<vmem>>
      %dma_wait3A_254 = arith.constant 0 : i32
      %dma_wait3A_255 = arith.constant 0 : i32
      %dma_wait3A_256 = tpu.memref_slice %arg2[%dma_wait3A_254, %dma_wait3A_255] : memref<10000x128xf32, #tpu.memory_space<hbm>> -> memref<10000x128xf32, #tpu.memory_space<hbm>>
      %dma_wait3A_257 = tpu.memref_slice %arg11[%dma_wait3A_246] : memref<2x!tpu.dma_semaphore, #tpu.memory_space<semaphore_mem>> -> memref<1x!tpu.dma_semaphore, #tpu.memory_space<semaphore_mem>>
      %dma_wait3A_258 = tpu.memref_squeeze %dma_wait3A_257 : memref<1x!tpu.dma_semaphore, #tpu.memory_space<semaphore_mem>> -> memref<!tpu.dma_semaphore, #tpu.memory_space<semaphore_mem>>
      tpu.wait_indirect_dma semaphore(%dma_wait3A_258 : memref<!tpu.dma_semaphore, #tpu.memory_space<semaphore_mem>>) src(%dma_wait3A_256 : memref<10000x128xf32, #tpu.memory_space<hbm>>) dst(%dma_wait3A_250 : memref<100x128xf32, #tpu.memory_space<vmem>>)
      %add3A_259 = arith.constant 3 : i32
      %add3A_260 = arith.addi %mul3A_28, %add3A_259 : i32
      %dma_start3A_261 = arith.constant 1 : i32
      %dma_start3A_262 = arith.constant 1 : i32
      %dma_start3A_263 = arith.constant 0 : i32
      %dma_start3A_264 = arith.constant 0 : i32
      %dma_start3A_265 = tpu.memref_slice %arg9[%dma_start3A_261, %dma_start3A_263, %dma_start3A_264] : memref<2x100x128xf32, #tpu.memory_space<vmem>> -> memref<1x100x128xf32, #tpu.memory_space<vmem>>
      %dma_start3A_266 = tpu.memref_squeeze %dma_start3A_265 : memref<1x100x128xf32, #tpu.memory_space<vmem>> -> memref<100x128xf32, #tpu.memory_space<vmem>>
      %dma_start3A_267 = arith.constant 0 : i32
      %dma_start3A_268 = tpu.memref_slice %arg8[%add3A_260, %dma_start3A_267] : memref<50x100xi32, #tpu.memory_space<vmem>> -> memref<1x100xi32, #tpu.memory_space<vmem>>
      %dma_start3A_269 = tpu.memref_squeeze %dma_start3A_268 : memref<1x100xi32, #tpu.memory_space<vmem>> -> memref<100xi32, #tpu.memory_space<vmem>>
      %dma_start3A_270 = arith.constant 0 : i32
      %dma_start3A_271 = arith.constant 0 : i32
      %dma_start3A_272 = tpu.memref_slice %arg10[%dma_start3A_270, %dma_start3A_271] : memref<10240x128xf32, #tpu.memory_space<vmem_shared>> -> memref<10240x128xf32, #tpu.memory_space<vmem_shared>>
      %dma_start3A_273 = tpu.memref_slice %arg12[%dma_start3A_262] : memref<2x!tpu.dma_semaphore, #tpu.memory_space<semaphore_mem>> -> memref<1x!tpu.dma_semaphore, #tpu.memory_space<semaphore_mem>>
      %dma_start3A_274 = tpu.memref_squeeze %dma_start3A_273 : memref<1x!tpu.dma_semaphore, #tpu.memory_space<semaphore_mem>> -> memref<!tpu.dma_semaphore, #tpu.memory_space<semaphore_mem>>
      tpu.enqueue_indirect_dma source(%dma_start3A_266 : memref<100x128xf32, #tpu.memory_space<vmem>>) target(%dma_start3A_272 : memref<10240x128xf32, #tpu.memory_space<vmem_shared>>) offsets(%dma_start3A_269 : memref<100xi32, #tpu.memory_space<vmem>>) semaphore(%dma_start3A_274 : memref<!tpu.dma_semaphore, #tpu.memory_space<semaphore_mem>>) {add = true}
      %dma_wait3A_275 = arith.constant 1 : i32
      %dma_wait3A_276 = arith.constant 1 : i32
      %dma_wait3A_277 = arith.constant 0 : i32
      %dma_wait3A_278 = arith.constant 0 : i32
      %dma_wait3A_279 = tpu.memref_slice %arg9[%dma_wait3A_275, %dma_wait3A_277, %dma_wait3A_278] : memref<2x100x128xf32, #tpu.memory_space<vmem>> -> memref<1x100x128xf32, #tpu.memory_space<vmem>>
      %dma_wait3A_280 = tpu.memref_squeeze %dma_wait3A_279 : memref<1x100x128xf32, #tpu.memory_space<vmem>> -> memref<100x128xf32, #tpu.memory_space<vmem>>
      %dma_wait3A_281 = arith.constant 0 : i32
      %dma_wait3A_282 = tpu.memref_slice %arg8[%add3A_260, %dma_wait3A_281] : memref<50x100xi32, #tpu.memory_space<vmem>> -> memref<1x100xi32, #tpu.memory_space<vmem>>
      %dma_wait3A_283 = tpu.memref_squeeze %dma_wait3A_282 : memref<1x100xi32, #tpu.memory_space<vmem>> -> memref<100xi32, #tpu.memory_space<vmem>>
      %dma_wait3A_284 = arith.constant 0 : i32
      %dma_wait3A_285 = arith.constant 0 : i32
      %dma_wait3A_286 = tpu.memref_slice %arg10[%dma_wait3A_284, %dma_wait3A_285] : memref<10240x128xf32, #tpu.memory_space<vmem_shared>> -> memref<10240x128xf32, #tpu.memory_space<vmem_shared>>
      %dma_wait3A_287 = tpu.memref_slice %arg12[%dma_wait3A_276] : memref<2x!tpu.dma_semaphore, #tpu.memory_space<semaphore_mem>> -> memref<1x!tpu.dma_semaphore, #tpu.memory_space<semaphore_mem>>
      %dma_wait3A_288 = tpu.memref_squeeze %dma_wait3A_287 : memref<1x!tpu.dma_semaphore, #tpu.memory_space<semaphore_mem>> -> memref<!tpu.dma_semaphore, #tpu.memory_space<semaphore_mem>>
      tpu.wait_indirect_dma semaphore(%dma_wait3A_288 : memref<!tpu.dma_semaphore, #tpu.memory_space<semaphore_mem>>) src(%dma_wait3A_280 : memref<100x128xf32, #tpu.memory_space<vmem>>) dst(%dma_wait3A_286 : memref<10240x128xf32, #tpu.memory_space<vmem_shared>>)
      %add3A_289 = arith.constant 4 : i32
      %add3A_290 = arith.addi %mul3A_28, %add3A_289 : i32
      %add3A_291 = arith.constant 1 : i32
      %add3A_292 = arith.addi %add3A_290, %add3A_291 : i32
      %dma_start3A_293 = arith.constant 1 : i32
      %dma_start3A_294 = arith.constant 1 : i32
      %dma_start3A_295 = arith.constant 0 : i32
      %dma_start3A_296 = arith.constant 0 : i32
      %dma_start3A_297 = tpu.memref_slice %arg9[%dma_start3A_293, %dma_start3A_295, %dma_start3A_296] : memref<2x100x128xf32, #tpu.memory_space<vmem>> -> memref<1x100x128xf32, #tpu.memory_space<vmem>>
      %dma_start3A_298 = tpu.memref_squeeze %dma_start3A_297 : memref<1x100x128xf32, #tpu.memory_space<vmem>> -> memref<100x128xf32, #tpu.memory_space<vmem>>
      %dma_start3A_299 = arith.constant 0 : i32
      %dma_start3A_300 = tpu.memref_slice %arg7[%add3A_292, %dma_start3A_299] : memref<50x100xi32, #tpu.memory_space<vmem>> -> memref<1x100xi32, #tpu.memory_space<vmem>>
      %dma_start3A_301 = tpu.memref_squeeze %dma_start3A_300 : memref<1x100xi32, #tpu.memory_space<vmem>> -> memref<100xi32, #tpu.memory_space<vmem>>
      %dma_start3A_302 = arith.constant 0 : i32
      %dma_start3A_303 = arith.constant 0 : i32
      %dma_start3A_304 = tpu.memref_slice %arg2[%dma_start3A_302, %dma_start3A_303] : memref<10000x128xf32, #tpu.memory_space<hbm>> -> memref<10000x128xf32, #tpu.memory_space<hbm>>
      %dma_start3A_305 = tpu.memref_slice %arg11[%dma_start3A_294] : memref<2x!tpu.dma_semaphore, #tpu.memory_space<semaphore_mem>> -> memref<1x!tpu.dma_semaphore, #tpu.memory_space<semaphore_mem>>
      %dma_start3A_306 = tpu.memref_squeeze %dma_start3A_305 : memref<1x!tpu.dma_semaphore, #tpu.memory_space<semaphore_mem>> -> memref<!tpu.dma_semaphore, #tpu.memory_space<semaphore_mem>>
      tpu.enqueue_indirect_dma source(%dma_start3A_304 : memref<10000x128xf32, #tpu.memory_space<hbm>>) target(%dma_start3A_298 : memref<100x128xf32, #tpu.memory_space<vmem>>) offsets(%dma_start3A_301 : memref<100xi32, #tpu.memory_space<vmem>>) semaphore(%dma_start3A_306 : memref<!tpu.dma_semaphore, #tpu.memory_space<semaphore_mem>>)
      %dma_wait3A_307 = arith.constant 0 : i32
      %dma_wait3A_308 = arith.constant 0 : i32
      %dma_wait3A_309 = arith.constant 0 : i32
      %dma_wait3A_310 = arith.constant 0 : i32
      %dma_wait3A_311 = tpu.memref_slice %arg9[%dma_wait3A_307, %dma_wait3A_309, %dma_wait3A_310] : memref<2x100x128xf32, #tpu.memory_space<vmem>> -> memref<1x100x128xf32, #tpu.memory_space<vmem>>
      %dma_wait3A_312 = tpu.memref_squeeze %dma_wait3A_311 : memref<1x100x128xf32, #tpu.memory_space<vmem>> -> memref<100x128xf32, #tpu.memory_space<vmem>>
      %dma_wait3A_313 = arith.constant 0 : i32
      %dma_wait3A_314 = tpu.memref_slice %arg7[%add3A_230, %dma_wait3A_313] : memref<50x100xi32, #tpu.memory_space<vmem>> -> memref<1x100xi32, #tpu.memory_space<vmem>>
      %dma_wait3A_315 = tpu.memref_squeeze %dma_wait3A_314 : memref<1x100xi32, #tpu.memory_space<vmem>> -> memref<100xi32, #tpu.memory_space<vmem>>
      %dma_wait3A_316 = arith.constant 0 : i32
      %dma_wait3A_317 = arith.constant 0 : i32
      %dma_wait3A_318 = tpu.memref_slice %arg2[%dma_wait3A_316, %dma_wait3A_317] : memref<10000x128xf32, #tpu.memory_space<hbm>> -> memref<10000x128xf32, #tpu.memory_space<hbm>>
      %dma_wait3A_319 = tpu.memref_slice %arg11[%dma_wait3A_308] : memref<2x!tpu.dma_semaphore, #tpu.memory_space<semaphore_mem>> -> memref<1x!tpu.dma_semaphore, #tpu.memory_space<semaphore_mem>>
      %dma_wait3A_320 = tpu.memref_squeeze %dma_wait3A_319 : memref<1x!tpu.dma_semaphore, #tpu.memory_space<semaphore_mem>> -> memref<!tpu.dma_semaphore, #tpu.memory_space<semaphore_mem>>
      tpu.wait_indirect_dma semaphore(%dma_wait3A_320 : memref<!tpu.dma_semaphore, #tpu.memory_space<semaphore_mem>>) src(%dma_wait3A_318 : memref<10000x128xf32, #tpu.memory_space<hbm>>) dst(%dma_wait3A_312 : memref<100x128xf32, #tpu.memory_space<vmem>>)
      %add3A_321 = arith.constant 4 : i32
      %add3A_322 = arith.addi %mul3A_28, %add3A_321 : i32
      %dma_start3A_323 = arith.constant 0 : i32
      %dma_start3A_324 = arith.constant 0 : i32
      %dma_start3A_325 = arith.constant 0 : i32
      %dma_start3A_326 = arith.constant 0 : i32
      %dma_start3A_327 = tpu.memref_slice %arg9[%dma_start3A_323, %dma_start3A_325, %dma_start3A_326] : memref<2x100x128xf32, #tpu.memory_space<vmem>> -> memref<1x100x128xf32, #tpu.memory_space<vmem>>
      %dma_start3A_328 = tpu.memref_squeeze %dma_start3A_327 : memref<1x100x128xf32, #tpu.memory_space<vmem>> -> memref<100x128xf32, #tpu.memory_space<vmem>>
      %dma_start3A_329 = arith.constant 0 : i32
      %dma_start3A_330 = tpu.memref_slice %arg8[%add3A_322, %dma_start3A_329] : memref<50x100xi32, #tpu.memory_space<vmem>> -> memref<1x100xi32, #tpu.memory_space<vmem>>
      %dma_start3A_331 = tpu.memref_squeeze %dma_start3A_330 : memref<1x100xi32, #tpu.memory_space<vmem>> -> memref<100xi32, #tpu.memory_space<vmem>>
      %dma_start3A_332 = arith.constant 0 : i32
      %dma_start3A_333 = arith.constant 0 : i32
      %dma_start3A_334 = tpu.memref_slice %arg10[%dma_start3A_332, %dma_start3A_333] : memref<10240x128xf32, #tpu.memory_space<vmem_shared>> -> memref<10240x128xf32, #tpu.memory_space<vmem_shared>>
      %dma_start3A_335 = tpu.memref_slice %arg12[%dma_start3A_324] : memref<2x!tpu.dma_semaphore, #tpu.memory_space<semaphore_mem>> -> memref<1x!tpu.dma_semaphore, #tpu.memory_space<semaphore_mem>>
      %dma_start3A_336 = tpu.memref_squeeze %dma_start3A_335 : memref<1x!tpu.dma_semaphore, #tpu.memory_space<semaphore_mem>> -> memref<!tpu.dma_semaphore, #tpu.memory_space<semaphore_mem>>
      tpu.enqueue_indirect_dma source(%dma_start3A_328 : memref<100x128xf32, #tpu.memory_space<vmem>>) target(%dma_start3A_334 : memref<10240x128xf32, #tpu.memory_space<vmem_shared>>) offsets(%dma_start3A_331 : memref<100xi32, #tpu.memory_space<vmem>>) semaphore(%dma_start3A_336 : memref<!tpu.dma_semaphore, #tpu.memory_space<semaphore_mem>>) {add = true}
      %dma_wait3A_337 = arith.constant 0 : i32
      %dma_wait3A_338 = arith.constant 0 : i32
      %dma_wait3A_339 = arith.constant 0 : i32
      %dma_wait3A_340 = arith.constant 0 : i32
      %dma_wait3A_341 = tpu.memref_slice %arg9[%dma_wait3A_337, %dma_wait3A_339, %dma_wait3A_340] : memref<2x100x128xf32, #tpu.memory_space<vmem>> -> memref<1x100x128xf32, #tpu.memory_space<vmem>>
      %dma_wait3A_342 = tpu.memref_squeeze %dma_wait3A_341 : memref<1x100x128xf32, #tpu.memory_space<vmem>> -> memref<100x128xf32, #tpu.memory_space<vmem>>
      %dma_wait3A_343 = arith.constant 0 : i32
      %dma_wait3A_344 = tpu.memref_slice %arg8[%add3A_322, %dma_wait3A_343] : memref<50x100xi32, #tpu.memory_space<vmem>> -> memref<1x100xi32, #tpu.memory_space<vmem>>
      %dma_wait3A_345 = tpu.memref_squeeze %dma_wait3A_344 : memref<1x100xi32, #tpu.memory_space<vmem>> -> memref<100xi32, #tpu.memory_space<vmem>>
      %dma_wait3A_346 = arith.constant 0 : i32
      %dma_wait3A_347 = arith.constant 0 : i32
      %dma_wait3A_348 = tpu.memref_slice %arg10[%dma_wait3A_346, %dma_wait3A_347] : memref<10240x128xf32, #tpu.memory_space<vmem_shared>> -> memref<10240x128xf32, #tpu.memory_space<vmem_shared>>
      %dma_wait3A_349 = tpu.memref_slice %arg12[%dma_wait3A_338] : memref<2x!tpu.dma_semaphore, #tpu.memory_space<semaphore_mem>> -> memref<1x!tpu.dma_semaphore, #tpu.memory_space<semaphore_mem>>
      %dma_wait3A_350 = tpu.memref_squeeze %dma_wait3A_349 : memref<1x!tpu.dma_semaphore, #tpu.memory_space<semaphore_mem>> -> memref<!tpu.dma_semaphore, #tpu.memory_space<semaphore_mem>>
      tpu.wait_indirect_dma semaphore(%dma_wait3A_350 : memref<!tpu.dma_semaphore, #tpu.memory_space<semaphore_mem>>) src(%dma_wait3A_342 : memref<100x128xf32, #tpu.memory_space<vmem>>) dst(%dma_wait3A_348 : memref<10240x128xf32, #tpu.memory_space<vmem_shared>>)
      %add3A_351 = arith.constant 5 : i32
      %add3A_352 = arith.addi %mul3A_28, %add3A_351 : i32
      %add3A_353 = arith.constant 1 : i32
      %add3A_354 = arith.addi %add3A_352, %add3A_353 : i32
      %dma_start3A_355 = arith.constant 0 : i32
      %dma_start3A_356 = arith.constant 0 : i32
      %dma_start3A_357 = arith.constant 0 : i32
      %dma_start3A_358 = arith.constant 0 : i32
      %dma_start3A_359 = tpu.memref_slice %arg9[%dma_start3A_355, %dma_start3A_357, %dma_start3A_358] : memref<2x100x128xf32, #tpu.memory_space<vmem>> -> memref<1x100x128xf32, #tpu.memory_space<vmem>>
      %dma_start3A_360 = tpu.memref_squeeze %dma_start3A_359 : memref<1x100x128xf32, #tpu.memory_space<vmem>> -> memref<100x128xf32, #tpu.memory_space<vmem>>
      %dma_start3A_361 = arith.constant 0 : i32
      %dma_start3A_362 = tpu.memref_slice %arg7[%add3A_354, %dma_start3A_361] : memref<50x100xi32, #tpu.memory_space<vmem>> -> memref<1x100xi32, #tpu.memory_space<vmem>>
      %dma_start3A_363 = tpu.memref_squeeze %dma_start3A_362 : memref<1x100xi32, #tpu.memory_space<vmem>> -> memref<100xi32, #tpu.memory_space<vmem>>
      %dma_start3A_364 = arith.constant 0 : i32
      %dma_start3A_365 = arith.constant 0 : i32
      %dma_start3A_366 = tpu.memref_slice %arg2[%dma_start3A_364, %dma_start3A_365] : memref<10000x128xf32, #tpu.memory_space<hbm>> -> memref<10000x128xf32, #tpu.memory_space<hbm>>
      %dma_start3A_367 = tpu.memref_slice %arg11[%dma_start3A_356] : memref<2x!tpu.dma_semaphore, #tpu.memory_space<semaphore_mem>> -> memref<1x!tpu.dma_semaphore, #tpu.memory_space<semaphore_mem>>
      %dma_start3A_368 = tpu.memref_squeeze %dma_start3A_367 : memref<1x!tpu.dma_semaphore, #tpu.memory_space<semaphore_mem>> -> memref<!tpu.dma_semaphore, #tpu.memory_space<semaphore_mem>>
      tpu.enqueue_indirect_dma source(%dma_start3A_366 : memref<10000x128xf32, #tpu.memory_space<hbm>>) target(%dma_start3A_360 : memref<100x128xf32, #tpu.memory_space<vmem>>) offsets(%dma_start3A_363 : memref<100xi32, #tpu.memory_space<vmem>>) semaphore(%dma_start3A_368 : memref<!tpu.dma_semaphore, #tpu.memory_space<semaphore_mem>>)
      %dma_wait3A_369 = arith.constant 1 : i32
      %dma_wait3A_370 = arith.constant 1 : i32
      %dma_wait3A_371 = arith.constant 0 : i32
      %dma_wait3A_372 = arith.constant 0 : i32
      %dma_wait3A_373 = tpu.memref_slice %arg9[%dma_wait3A_369, %dma_wait3A_371, %dma_wait3A_372] : memref<2x100x128xf32, #tpu.memory_space<vmem>> -> memref<1x100x128xf32, #tpu.memory_space<vmem>>
      %dma_wait3A_374 = tpu.memref_squeeze %dma_wait3A_373 : memref<1x100x128xf32, #tpu.memory_space<vmem>> -> memref<100x128xf32, #tpu.memory_space<vmem>>
      %dma_wait3A_375 = arith.constant 0 : i32
      %dma_wait3A_376 = tpu.memref_slice %arg7[%add3A_292, %dma_wait3A_375] : memref<50x100xi32, #tpu.memory_space<vmem>> -> memref<1x100xi32, #tpu.memory_space<vmem>>
      %dma_wait3A_377 = tpu.memref_squeeze %dma_wait3A_376 : memref<1x100xi32, #tpu.memory_space<vmem>> -> memref<100xi32, #tpu.memory_space<vmem>>
      %dma_wait3A_378 = arith.constant 0 : i32
      %dma_wait3A_379 = arith.constant 0 : i32
      %dma_wait3A_380 = tpu.memref_slice %arg2[%dma_wait3A_378, %dma_wait3A_379] : memref<10000x128xf32, #tpu.memory_space<hbm>> -> memref<10000x128xf32, #tpu.memory_space<hbm>>
      %dma_wait3A_381 = tpu.memref_slice %arg11[%dma_wait3A_370] : memref<2x!tpu.dma_semaphore, #tpu.memory_space<semaphore_mem>> -> memref<1x!tpu.dma_semaphore, #tpu.memory_space<semaphore_mem>>
      %dma_wait3A_382 = tpu.memref_squeeze %dma_wait3A_381 : memref<1x!tpu.dma_semaphore, #tpu.memory_space<semaphore_mem>> -> memref<!tpu.dma_semaphore, #tpu.memory_space<semaphore_mem>>
      tpu.wait_indirect_dma semaphore(%dma_wait3A_382 : memref<!tpu.dma_semaphore, #tpu.memory_space<semaphore_mem>>) src(%dma_wait3A_380 : memref<10000x128xf32, #tpu.memory_space<hbm>>) dst(%dma_wait3A_374 : memref<100x128xf32, #tpu.memory_space<vmem>>)
      %add3A_383 = arith.constant 5 : i32
      %add3A_384 = arith.addi %mul3A_28, %add3A_383 : i32
      %dma_start3A_385 = arith.constant 1 : i32
      %dma_start3A_386 = arith.constant 1 : i32
      %dma_start3A_387 = arith.constant 0 : i32
      %dma_start3A_388 = arith.constant 0 : i32
      %dma_start3A_389 = tpu.memref_slice %arg9[%dma_start3A_385, %dma_start3A_387, %dma_start3A_388] : memref<2x100x128xf32, #tpu.memory_space<vmem>> -> memref<1x100x128xf32, #tpu.memory_space<vmem>>
      %dma_start3A_390 = tpu.memref_squeeze %dma_start3A_389 : memref<1x100x128xf32, #tpu.memory_space<vmem>> -> memref<100x128xf32, #tpu.memory_space<vmem>>
      %dma_start3A_391 = arith.constant 0 : i32
      %dma_start3A_392 = tpu.memref_slice %arg8[%add3A_384, %dma_start3A_391] : memref<50x100xi32, #tpu.memory_space<vmem>> -> memref<1x100xi32, #tpu.memory_space<vmem>>
      %dma_start3A_393 = tpu.memref_squeeze %dma_start3A_392 : memref<1x100xi32, #tpu.memory_space<vmem>> -> memref<100xi32, #tpu.memory_space<vmem>>
      %dma_start3A_394 = arith.constant 0 : i32
      %dma_start3A_395 = arith.constant 0 : i32
      %dma_start3A_396 = tpu.memref_slice %arg10[%dma_start3A_394, %dma_start3A_395] : memref<10240x128xf32, #tpu.memory_space<vmem_shared>> -> memref<10240x128xf32, #tpu.memory_space<vmem_shared>>
      %dma_start3A_397 = tpu.memref_slice %arg12[%dma_start3A_386] : memref<2x!tpu.dma_semaphore, #tpu.memory_space<semaphore_mem>> -> memref<1x!tpu.dma_semaphore, #tpu.memory_space<semaphore_mem>>
      %dma_start3A_398 = tpu.memref_squeeze %dma_start3A_397 : memref<1x!tpu.dma_semaphore, #tpu.memory_space<semaphore_mem>> -> memref<!tpu.dma_semaphore, #tpu.memory_space<semaphore_mem>>
      tpu.enqueue_indirect_dma source(%dma_start3A_390 : memref<100x128xf32, #tpu.memory_space<vmem>>) target(%dma_start3A_396 : memref<10240x128xf32, #tpu.memory_space<vmem_shared>>) offsets(%dma_start3A_393 : memref<100xi32, #tpu.memory_space<vmem>>) semaphore(%dma_start3A_398 : memref<!tpu.dma_semaphore, #tpu.memory_space<semaphore_mem>>) {add = true}
      %dma_wait3A_399 = arith.constant 1 : i32
      %dma_wait3A_400 = arith.constant 1 : i32
      %dma_wait3A_401 = arith.constant 0 : i32
      %dma_wait3A_402 = arith.constant 0 : i32
      %dma_wait3A_403 = tpu.memref_slice %arg9[%dma_wait3A_399, %dma_wait3A_401, %dma_wait3A_402] : memref<2x100x128xf32, #tpu.memory_space<vmem>> -> memref<1x100x128xf32, #tpu.memory_space<vmem>>
      %dma_wait3A_404 = tpu.memref_squeeze %dma_wait3A_403 : memref<1x100x128xf32, #tpu.memory_space<vmem>> -> memref<100x128xf32, #tpu.memory_space<vmem>>
      %dma_wait3A_405 = arith.constant 0 : i32
      %dma_wait3A_406 = tpu.memref_slice %arg8[%add3A_384, %dma_wait3A_405] : memref<50x100xi32, #tpu.memory_space<vmem>> -> memref<1x100xi32, #tpu.memory_space<vmem>>
      %dma_wait3A_407 = tpu.memref_squeeze %dma_wait3A_406 : memref<1x100xi32, #tpu.memory_space<vmem>> -> memref<100xi32, #tpu.memory_space<vmem>>
      %dma_wait3A_408 = arith.constant 0 : i32
      %dma_wait3A_409 = arith.constant 0 : i32
      %dma_wait3A_410 = tpu.memref_slice %arg10[%dma_wait3A_408, %dma_wait3A_409] : memref<10240x128xf32, #tpu.memory_space<vmem_shared>> -> memref<10240x128xf32, #tpu.memory_space<vmem_shared>>
      %dma_wait3A_411 = tpu.memref_slice %arg12[%dma_wait3A_400] : memref<2x!tpu.dma_semaphore, #tpu.memory_space<semaphore_mem>> -> memref<1x!tpu.dma_semaphore, #tpu.memory_space<semaphore_mem>>
      %dma_wait3A_412 = tpu.memref_squeeze %dma_wait3A_411 : memref<1x!tpu.dma_semaphore, #tpu.memory_space<semaphore_mem>> -> memref<!tpu.dma_semaphore, #tpu.memory_space<semaphore_mem>>
      tpu.wait_indirect_dma semaphore(%dma_wait3A_412 : memref<!tpu.dma_semaphore, #tpu.memory_space<semaphore_mem>>) src(%dma_wait3A_404 : memref<100x128xf32, #tpu.memory_space<vmem>>) dst(%dma_wait3A_410 : memref<10240x128xf32, #tpu.memory_space<vmem_shared>>)
      %add3A_413 = arith.constant 6 : i32
      %add3A_414 = arith.addi %mul3A_28, %add3A_413 : i32
      %add3A_415 = arith.constant 1 : i32
      %add3A_416 = arith.addi %add3A_414, %add3A_415 : i32
      %dma_start3A_417 = arith.constant 1 : i32
      %dma_start3A_418 = arith.constant 1 : i32
      %dma_start3A_419 = arith.constant 0 : i32
      %dma_start3A_420 = arith.constant 0 : i32
      %dma_start3A_421 = tpu.memref_slice %arg9[%dma_start3A_417, %dma_start3A_419, %dma_start3A_420] : memref<2x100x128xf32, #tpu.memory_space<vmem>> -> memref<1x100x128xf32, #tpu.memory_space<vmem>>
      %dma_start3A_422 = tpu.memref_squeeze %dma_start3A_421 : memref<1x100x128xf32, #tpu.memory_space<vmem>> -> memref<100x128xf32, #tpu.memory_space<vmem>>
      %dma_start3A_423 = arith.constant 0 : i32
      %dma_start3A_424 = tpu.memref_slice %arg7[%add3A_416, %dma_start3A_423] : memref<50x100xi32, #tpu.memory_space<vmem>> -> memref<1x100xi32, #tpu.memory_space<vmem>>
      %dma_start3A_425 = tpu.memref_squeeze %dma_start3A_424 : memref<1x100xi32, #tpu.memory_space<vmem>> -> memref<100xi32, #tpu.memory_space<vmem>>
      %dma_start3A_426 = arith.constant 0 : i32
      %dma_start3A_427 = arith.constant 0 : i32
      %dma_start3A_428 = tpu.memref_slice %arg2[%dma_start3A_426, %dma_start3A_427] : memref<10000x128xf32, #tpu.memory_space<hbm>> -> memref<10000x128xf32, #tpu.memory_space<hbm>>
      %dma_start3A_429 = tpu.memref_slice %arg11[%dma_start3A_418] : memref<2x!tpu.dma_semaphore, #tpu.memory_space<semaphore_mem>> -> memref<1x!tpu.dma_semaphore, #tpu.memory_space<semaphore_mem>>
      %dma_start3A_430 = tpu.memref_squeeze %dma_start3A_429 : memref<1x!tpu.dma_semaphore, #tpu.memory_space<semaphore_mem>> -> memref<!tpu.dma_semaphore, #tpu.memory_space<semaphore_mem>>
      tpu.enqueue_indirect_dma source(%dma_start3A_428 : memref<10000x128xf32, #tpu.memory_space<hbm>>) target(%dma_start3A_422 : memref<100x128xf32, #tpu.memory_space<vmem>>) offsets(%dma_start3A_425 : memref<100xi32, #tpu.memory_space<vmem>>) semaphore(%dma_start3A_430 : memref<!tpu.dma_semaphore, #tpu.memory_space<semaphore_mem>>)
      %dma_wait3A_431 = arith.constant 0 : i32
      %dma_wait3A_432 = arith.constant 0 : i32
      %dma_wait3A_433 = arith.constant 0 : i32
      %dma_wait3A_434 = arith.constant 0 : i32
      %dma_wait3A_435 = tpu.memref_slice %arg9[%dma_wait3A_431, %dma_wait3A_433, %dma_wait3A_434] : memref<2x100x128xf32, #tpu.memory_space<vmem>> -> memref<1x100x128xf32, #tpu.memory_space<vmem>>
      %dma_wait3A_436 = tpu.memref_squeeze %dma_wait3A_435 : memref<1x100x128xf32, #tpu.memory_space<vmem>> -> memref<100x128xf32, #tpu.memory_space<vmem>>
      %dma_wait3A_437 = arith.constant 0 : i32
      %dma_wait3A_438 = tpu.memref_slice %arg7[%add3A_354, %dma_wait3A_437] : memref<50x100xi32, #tpu.memory_space<vmem>> -> memref<1x100xi32, #tpu.memory_space<vmem>>
      %dma_wait3A_439 = tpu.memref_squeeze %dma_wait3A_438 : memref<1x100xi32, #tpu.memory_space<vmem>> -> memref<100xi32, #tpu.memory_space<vmem>>
      %dma_wait3A_440 = arith.constant 0 : i32
      %dma_wait3A_441 = arith.constant 0 : i32
      %dma_wait3A_442 = tpu.memref_slice %arg2[%dma_wait3A_440, %dma_wait3A_441] : memref<10000x128xf32, #tpu.memory_space<hbm>> -> memref<10000x128xf32, #tpu.memory_space<hbm>>
      %dma_wait3A_443 = tpu.memref_slice %arg11[%dma_wait3A_432] : memref<2x!tpu.dma_semaphore, #tpu.memory_space<semaphore_mem>> -> memref<1x!tpu.dma_semaphore, #tpu.memory_space<semaphore_mem>>
      %dma_wait3A_444 = tpu.memref_squeeze %dma_wait3A_443 : memref<1x!tpu.dma_semaphore, #tpu.memory_space<semaphore_mem>> -> memref<!tpu.dma_semaphore, #tpu.memory_space<semaphore_mem>>
      tpu.wait_indirect_dma semaphore(%dma_wait3A_444 : memref<!tpu.dma_semaphore, #tpu.memory_space<semaphore_mem>>) src(%dma_wait3A_442 : memref<10000x128xf32, #tpu.memory_space<hbm>>) dst(%dma_wait3A_436 : memref<100x128xf32, #tpu.memory_space<vmem>>)
      %add3A_445 = arith.constant 6 : i32
      %add3A_446 = arith.addi %mul3A_28, %add3A_445 : i32
      %dma_start3A_447 = arith.constant 0 : i32
      %dma_start3A_448 = arith.constant 0 : i32
      %dma_start3A_449 = arith.constant 0 : i32
      %dma_start3A_450 = arith.constant 0 : i32
      %dma_start3A_451 = tpu.memref_slice %arg9[%dma_start3A_447, %dma_start3A_449, %dma_start3A_450] : memref<2x100x128xf32, #tpu.memory_space<vmem>> -> memref<1x100x128xf32, #tpu.memory_space<vmem>>
      %dma_start3A_452 = tpu.memref_squeeze %dma_start3A_451 : memref<1x100x128xf32, #tpu.memory_space<vmem>> -> memref<100x128xf32, #tpu.memory_space<vmem>>
      %dma_start3A_453 = arith.constant 0 : i32
      %dma_start3A_454 = tpu.memref_slice %arg8[%add3A_446, %dma_start3A_453] : memref<50x100xi32, #tpu.memory_space<vmem>> -> memref<1x100xi32, #tpu.memory_space<vmem>>
      %dma_start3A_455 = tpu.memref_squeeze %dma_start3A_454 : memref<1x100xi32, #tpu.memory_space<vmem>> -> memref<100xi32, #tpu.memory_space<vmem>>
      %dma_start3A_456 = arith.constant 0 : i32
      %dma_start3A_457 = arith.constant 0 : i32
      %dma_start3A_458 = tpu.memref_slice %arg10[%dma_start3A_456, %dma_start3A_457] : memref<10240x128xf32, #tpu.memory_space<vmem_shared>> -> memref<10240x128xf32, #tpu.memory_space<vmem_shared>>
      %dma_start3A_459 = tpu.memref_slice %arg12[%dma_start3A_448] : memref<2x!tpu.dma_semaphore, #tpu.memory_space<semaphore_mem>> -> memref<1x!tpu.dma_semaphore, #tpu.memory_space<semaphore_mem>>
      %dma_start3A_460 = tpu.memref_squeeze %dma_start3A_459 : memref<1x!tpu.dma_semaphore, #tpu.memory_space<semaphore_mem>> -> memref<!tpu.dma_semaphore, #tpu.memory_space<semaphore_mem>>
      tpu.enqueue_indirect_dma source(%dma_start3A_452 : memref<100x128xf32, #tpu.memory_space<vmem>>) target(%dma_start3A_458 : memref<10240x128xf32, #tpu.memory_space<vmem_shared>>) offsets(%dma_start3A_455 : memref<100xi32, #tpu.memory_space<vmem>>) semaphore(%dma_start3A_460 : memref<!tpu.dma_semaphore, #tpu.memory_space<semaphore_mem>>) {add = true}
      %dma_wait3A_461 = arith.constant 0 : i32
      %dma_wait3A_462 = arith.constant 0 : i32
      %dma_wait3A_463 = arith.constant 0 : i32
      %dma_wait3A_464 = arith.constant 0 : i32
      %dma_wait3A_465 = tpu.memref_slice %arg9[%dma_wait3A_461, %dma_wait3A_463, %dma_wait3A_464] : memref<2x100x128xf32, #tpu.memory_space<vmem>> -> memref<1x100x128xf32, #tpu.memory_space<vmem>>
      %dma_wait3A_466 = tpu.memref_squeeze %dma_wait3A_465 : memref<1x100x128xf32, #tpu.memory_space<vmem>> -> memref<100x128xf32, #tpu.memory_space<vmem>>
      %dma_wait3A_467 = arith.constant 0 : i32
      %dma_wait3A_468 = tpu.memref_slice %arg8[%add3A_446, %dma_wait3A_467] : memref<50x100xi32, #tpu.memory_space<vmem>> -> memref<1x100xi32, #tpu.memory_space<vmem>>
      %dma_wait3A_469 = tpu.memref_squeeze %dma_wait3A_468 : memref<1x100xi32, #tpu.memory_space<vmem>> -> memref<100xi32, #tpu.memory_space<vmem>>
      %dma_wait3A_470 = arith.constant 0 : i32
      %dma_wait3A_471 = arith.constant 0 : i32
      %dma_wait3A_472 = tpu.memref_slice %arg10[%dma_wait3A_470, %dma_wait3A_471] : memref<10240x128xf32, #tpu.memory_space<vmem_shared>> -> memref<10240x128xf32, #tpu.memory_space<vmem_shared>>
      %dma_wait3A_473 = tpu.memref_slice %arg12[%dma_wait3A_462] : memref<2x!tpu.dma_semaphore, #tpu.memory_space<semaphore_mem>> -> memref<1x!tpu.dma_semaphore, #tpu.memory_space<semaphore_mem>>
      %dma_wait3A_474 = tpu.memref_squeeze %dma_wait3A_473 : memref<1x!tpu.dma_semaphore, #tpu.memory_space<semaphore_mem>> -> memref<!tpu.dma_semaphore, #tpu.memory_space<semaphore_mem>>
      tpu.wait_indirect_dma semaphore(%dma_wait3A_474 : memref<!tpu.dma_semaphore, #tpu.memory_space<semaphore_mem>>) src(%dma_wait3A_466 : memref<100x128xf32, #tpu.memory_space<vmem>>) dst(%dma_wait3A_472 : memref<10240x128xf32, #tpu.memory_space<vmem_shared>>)
      %add3A_475 = arith.constant 7 : i32
      %add3A_476 = arith.addi %mul3A_28, %add3A_475 : i32
      %add3A_477 = arith.constant 1 : i32
      %add3A_478 = arith.addi %add3A_476, %add3A_477 : i32
      %dma_start3A_479 = arith.constant 0 : i32
      %dma_start3A_480 = arith.constant 0 : i32
      %dma_start3A_481 = arith.constant 0 : i32
      %dma_start3A_482 = arith.constant 0 : i32
      %dma_start3A_483 = tpu.memref_slice %arg9[%dma_start3A_479, %dma_start3A_481, %dma_start3A_482] : memref<2x100x128xf32, #tpu.memory_space<vmem>> -> memref<1x100x128xf32, #tpu.memory_space<vmem>>
      %dma_start3A_484 = tpu.memref_squeeze %dma_start3A_483 : memref<1x100x128xf32, #tpu.memory_space<vmem>> -> memref<100x128xf32, #tpu.memory_space<vmem>>
      %dma_start3A_485 = arith.constant 0 : i32
      %dma_start3A_486 = tpu.memref_slice %arg7[%add3A_478, %dma_start3A_485] : memref<50x100xi32, #tpu.memory_space<vmem>> -> memref<1x100xi32, #tpu.memory_space<vmem>>
      %dma_start3A_487 = tpu.memref_squeeze %dma_start3A_486 : memref<1x100xi32, #tpu.memory_space<vmem>> -> memref<100xi32, #tpu.memory_space<vmem>>
      %dma_start3A_488 = arith.constant 0 : i32
      %dma_start3A_489 = arith.constant 0 : i32
      %dma_start3A_490 = tpu.memref_slice %arg2[%dma_start3A_488, %dma_start3A_489] : memref<10000x128xf32, #tpu.memory_space<hbm>> -> memref<10000x128xf32, #tpu.memory_space<hbm>>
      %dma_start3A_491 = tpu.memref_slice %arg11[%dma_start3A_480] : memref<2x!tpu.dma_semaphore, #tpu.memory_space<semaphore_mem>> -> memref<1x!tpu.dma_semaphore, #tpu.memory_space<semaphore_mem>>
      %dma_start3A_492 = tpu.memref_squeeze %dma_start3A_491 : memref<1x!tpu.dma_semaphore, #tpu.memory_space<semaphore_mem>> -> memref<!tpu.dma_semaphore, #tpu.memory_space<semaphore_mem>>
      tpu.enqueue_indirect_dma source(%dma_start3A_490 : memref<10000x128xf32, #tpu.memory_space<hbm>>) target(%dma_start3A_484 : memref<100x128xf32, #tpu.memory_space<vmem>>) offsets(%dma_start3A_487 : memref<100xi32, #tpu.memory_space<vmem>>) semaphore(%dma_start3A_492 : memref<!tpu.dma_semaphore, #tpu.memory_space<semaphore_mem>>)
      %dma_wait3A_493 = arith.constant 1 : i32
      %dma_wait3A_494 = arith.constant 1 : i32
      %dma_wait3A_495 = arith.constant 0 : i32
      %dma_wait3A_496 = arith.constant 0 : i32
      %dma_wait3A_497 = tpu.memref_slice %arg9[%dma_wait3A_493, %dma_wait3A_495, %dma_wait3A_496] : memref<2x100x128xf32, #tpu.memory_space<vmem>> -> memref<1x100x128xf32, #tpu.memory_space<vmem>>
      %dma_wait3A_498 = tpu.memref_squeeze %dma_wait3A_497 : memref<1x100x128xf32, #tpu.memory_space<vmem>> -> memref<100x128xf32, #tpu.memory_space<vmem>>
      %dma_wait3A_499 = arith.constant 0 : i32
      %dma_wait3A_500 = tpu.memref_slice %arg7[%add3A_416, %dma_wait3A_499] : memref<50x100xi32, #tpu.memory_space<vmem>> -> memref<1x100xi32, #tpu.memory_space<vmem>>
      %dma_wait3A_501 = tpu.memref_squeeze %dma_wait3A_500 : memref<1x100xi32, #tpu.memory_space<vmem>> -> memref<100xi32, #tpu.memory_space<vmem>>
      %dma_wait3A_502 = arith.constant 0 : i32
      %dma_wait3A_503 = arith.constant 0 : i32
      %dma_wait3A_504 = tpu.memref_slice %arg2[%dma_wait3A_502, %dma_wait3A_503] : memref<10000x128xf32, #tpu.memory_space<hbm>> -> memref<10000x128xf32, #tpu.memory_space<hbm>>
      %dma_wait3A_505 = tpu.memref_slice %arg11[%dma_wait3A_494] : memref<2x!tpu.dma_semaphore, #tpu.memory_space<semaphore_mem>> -> memref<1x!tpu.dma_semaphore, #tpu.memory_space<semaphore_mem>>
      %dma_wait3A_506 = tpu.memref_squeeze %dma_wait3A_505 : memref<1x!tpu.dma_semaphore, #tpu.memory_space<semaphore_mem>> -> memref<!tpu.dma_semaphore, #tpu.memory_space<semaphore_mem>>
      tpu.wait_indirect_dma semaphore(%dma_wait3A_506 : memref<!tpu.dma_semaphore, #tpu.memory_space<semaphore_mem>>) src(%dma_wait3A_504 : memref<10000x128xf32, #tpu.memory_space<hbm>>) dst(%dma_wait3A_498 : memref<100x128xf32, #tpu.memory_space<vmem>>)
      %add3A_507 = arith.constant 7 : i32
      %add3A_508 = arith.addi %mul3A_28, %add3A_507 : i32
      %dma_start3A_509 = arith.constant 1 : i32
      %dma_start3A_510 = arith.constant 1 : i32
      %dma_start3A_511 = arith.constant 0 : i32
      %dma_start3A_512 = arith.constant 0 : i32
      %dma_start3A_513 = tpu.memref_slice %arg9[%dma_start3A_509, %dma_start3A_511, %dma_start3A_512] : memref<2x100x128xf32, #tpu.memory_space<vmem>> -> memref<1x100x128xf32, #tpu.memory_space<vmem>>
      %dma_start3A_514 = tpu.memref_squeeze %dma_start3A_513 : memref<1x100x128xf32, #tpu.memory_space<vmem>> -> memref<100x128xf32, #tpu.memory_space<vmem>>
      %dma_start3A_515 = arith.constant 0 : i32
      %dma_start3A_516 = tpu.memref_slice %arg8[%add3A_508, %dma_start3A_515] : memref<50x100xi32, #tpu.memory_space<vmem>> -> memref<1x100xi32, #tpu.memory_space<vmem>>
      %dma_start3A_517 = tpu.memref_squeeze %dma_start3A_516 : memref<1x100xi32, #tpu.memory_space<vmem>> -> memref<100xi32, #tpu.memory_space<vmem>>
      %dma_start3A_518 = arith.constant 0 : i32
      %dma_start3A_519 = arith.constant 0 : i32
      %dma_start3A_520 = tpu.memref_slice %arg10[%dma_start3A_518, %dma_start3A_519] : memref<10240x128xf32, #tpu.memory_space<vmem_shared>> -> memref<10240x128xf32, #tpu.memory_space<vmem_shared>>
      %dma_start3A_521 = tpu.memref_slice %arg12[%dma_start3A_510] : memref<2x!tpu.dma_semaphore, #tpu.memory_space<semaphore_mem>> -> memref<1x!tpu.dma_semaphore, #tpu.memory_space<semaphore_mem>>
      %dma_start3A_522 = tpu.memref_squeeze %dma_start3A_521 : memref<1x!tpu.dma_semaphore, #tpu.memory_space<semaphore_mem>> -> memref<!tpu.dma_semaphore, #tpu.memory_space<semaphore_mem>>
      tpu.enqueue_indirect_dma source(%dma_start3A_514 : memref<100x128xf32, #tpu.memory_space<vmem>>) target(%dma_start3A_520 : memref<10240x128xf32, #tpu.memory_space<vmem_shared>>) offsets(%dma_start3A_517 : memref<100xi32, #tpu.memory_space<vmem>>) semaphore(%dma_start3A_522 : memref<!tpu.dma_semaphore, #tpu.memory_space<semaphore_mem>>) {add = true}
      %dma_wait3A_523 = arith.constant 1 : i32
      %dma_wait3A_524 = arith.constant 1 : i32
      %dma_wait3A_525 = arith.constant 0 : i32
      %dma_wait3A_526 = arith.constant 0 : i32
      %dma_wait3A_527 = tpu.memref_slice %arg9[%dma_wait3A_523, %dma_wait3A_525, %dma_wait3A_526] : memref<2x100x128xf32, #tpu.memory_space<vmem>> -> memref<1x100x128xf32, #tpu.memory_space<vmem>>
      %dma_wait3A_528 = tpu.memref_squeeze %dma_wait3A_527 : memref<1x100x128xf32, #tpu.memory_space<vmem>> -> memref<100x128xf32, #tpu.memory_space<vmem>>
      %dma_wait3A_529 = arith.constant 0 : i32
      %dma_wait3A_530 = tpu.memref_slice %arg8[%add3A_508, %dma_wait3A_529] : memref<50x100xi32, #tpu.memory_space<vmem>> -> memref<1x100xi32, #tpu.memory_space<vmem>>
      %dma_wait3A_531 = tpu.memref_squeeze %dma_wait3A_530 : memref<1x100xi32, #tpu.memory_space<vmem>> -> memref<100xi32, #tpu.memory_space<vmem>>
      %dma_wait3A_532 = arith.constant 0 : i32
      %dma_wait3A_533 = arith.constant 0 : i32
      %dma_wait3A_534 = tpu.memref_slice %arg10[%dma_wait3A_532, %dma_wait3A_533] : memref<10240x128xf32, #tpu.memory_space<vmem_shared>> -> memref<10240x128xf32, #tpu.memory_space<vmem_shared>>
      %dma_wait3A_535 = tpu.memref_slice %arg12[%dma_wait3A_524] : memref<2x!tpu.dma_semaphore, #tpu.memory_space<semaphore_mem>> -> memref<1x!tpu.dma_semaphore, #tpu.memory_space<semaphore_mem>>
      %dma_wait3A_536 = tpu.memref_squeeze %dma_wait3A_535 : memref<1x!tpu.dma_semaphore, #tpu.memory_space<semaphore_mem>> -> memref<!tpu.dma_semaphore, #tpu.memory_space<semaphore_mem>>
      tpu.wait_indirect_dma semaphore(%dma_wait3A_536 : memref<!tpu.dma_semaphore, #tpu.memory_space<semaphore_mem>>) src(%dma_wait3A_528 : memref<100x128xf32, #tpu.memory_space<vmem>>) dst(%dma_wait3A_534 : memref<10240x128xf32, #tpu.memory_space<vmem_shared>>)
      %add3A_537 = arith.constant 8 : i32
      %add3A_538 = arith.addi %mul3A_28, %add3A_537 : i32
      %add3A_539 = arith.constant 1 : i32
      %add3A_540 = arith.addi %add3A_538, %add3A_539 : i32
      %dma_start3A_541 = arith.constant 1 : i32
      %dma_start3A_542 = arith.constant 1 : i32
      %dma_start3A_543 = arith.constant 0 : i32
      %dma_start3A_544 = arith.constant 0 : i32
      %dma_start3A_545 = tpu.memref_slice %arg9[%dma_start3A_541, %dma_start3A_543, %dma_start3A_544] : memref<2x100x128xf32, #tpu.memory_space<vmem>> -> memref<1x100x128xf32, #tpu.memory_space<vmem>>
      %dma_start3A_546 = tpu.memref_squeeze %dma_start3A_545 : memref<1x100x128xf32, #tpu.memory_space<vmem>> -> memref<100x128xf32, #tpu.memory_space<vmem>>
      %dma_start3A_547 = arith.constant 0 : i32
      %dma_start3A_548 = tpu.memref_slice %arg7[%add3A_540, %dma_start3A_547] : memref<50x100xi32, #tpu.memory_space<vmem>> -> memref<1x100xi32, #tpu.memory_space<vmem>>
      %dma_start3A_549 = tpu.memref_squeeze %dma_start3A_548 : memref<1x100xi32, #tpu.memory_space<vmem>> -> memref<100xi32, #tpu.memory_space<vmem>>
      %dma_start3A_550 = arith.constant 0 : i32
      %dma_start3A_551 = arith.constant 0 : i32
      %dma_start3A_552 = tpu.memref_slice %arg2[%dma_start3A_550, %dma_start3A_551] : memref<10000x128xf32, #tpu.memory_space<hbm>> -> memref<10000x128xf32, #tpu.memory_space<hbm>>
      %dma_start3A_553 = tpu.memref_slice %arg11[%dma_start3A_542] : memref<2x!tpu.dma_semaphore, #tpu.memory_space<semaphore_mem>> -> memref<1x!tpu.dma_semaphore, #tpu.memory_space<semaphore_mem>>
      %dma_start3A_554 = tpu.memref_squeeze %dma_start3A_553 : memref<1x!tpu.dma_semaphore, #tpu.memory_space<semaphore_mem>> -> memref<!tpu.dma_semaphore, #tpu.memory_space<semaphore_mem>>
      tpu.enqueue_indirect_dma source(%dma_start3A_552 : memref<10000x128xf32, #tpu.memory_space<hbm>>) target(%dma_start3A_546 : memref<100x128xf32, #tpu.memory_space<vmem>>) offsets(%dma_start3A_549 : memref<100xi32, #tpu.memory_space<vmem>>) semaphore(%dma_start3A_554 : memref<!tpu.dma_semaphore, #tpu.memory_space<semaphore_mem>>)
      %dma_wait3A_555 = arith.constant 0 : i32
      %dma_wait3A_556 = arith.constant 0 : i32
      %dma_wait3A_557 = arith.constant 0 : i32
      %dma_wait3A_558 = arith.constant 0 : i32
      %dma_wait3A_559 = tpu.memref_slice %arg9[%dma_wait3A_555, %dma_wait3A_557, %dma_wait3A_558] : memref<2x100x128xf32, #tpu.memory_space<vmem>> -> memref<1x100x128xf32, #tpu.memory_space<vmem>>
      %dma_wait3A_560 = tpu.memref_squeeze %dma_wait3A_559 : memref<1x100x128xf32, #tpu.memory_space<vmem>> -> memref<100x128xf32, #tpu.memory_space<vmem>>
      %dma_wait3A_561 = arith.constant 0 : i32
      %dma_wait3A_562 = tpu.memref_slice %arg7[%add3A_478, %dma_wait3A_561] : memref<50x100xi32, #tpu.memory_space<vmem>> -> memref<1x100xi32, #tpu.memory_space<vmem>>
      %dma_wait3A_563 = tpu.memref_squeeze %dma_wait3A_562 : memref<1x100xi32, #tpu.memory_space<vmem>> -> memref<100xi32, #tpu.memory_space<vmem>>
      %dma_wait3A_564 = arith.constant 0 : i32
      %dma_wait3A_565 = arith.constant 0 : i32
      %dma_wait3A_566 = tpu.memref_slice %arg2[%dma_wait3A_564, %dma_wait3A_565] : memref<10000x128xf32, #tpu.memory_space<hbm>> -> memref<10000x128xf32, #tpu.memory_space<hbm>>
      %dma_wait3A_567 = tpu.memref_slice %arg11[%dma_wait3A_556] : memref<2x!tpu.dma_semaphore, #tpu.memory_space<semaphore_mem>> -> memref<1x!tpu.dma_semaphore, #tpu.memory_space<semaphore_mem>>
      %dma_wait3A_568 = tpu.memref_squeeze %dma_wait3A_567 : memref<1x!tpu.dma_semaphore, #tpu.memory_space<semaphore_mem>> -> memref<!tpu.dma_semaphore, #tpu.memory_space<semaphore_mem>>
      tpu.wait_indirect_dma semaphore(%dma_wait3A_568 : memref<!tpu.dma_semaphore, #tpu.memory_space<semaphore_mem>>) src(%dma_wait3A_566 : memref<10000x128xf32, #tpu.memory_space<hbm>>) dst(%dma_wait3A_560 : memref<100x128xf32, #tpu.memory_space<vmem>>)
      %add3A_569 = arith.constant 8 : i32
      %add3A_570 = arith.addi %mul3A_28, %add3A_569 : i32
      %dma_start3A_571 = arith.constant 0 : i32
      %dma_start3A_572 = arith.constant 0 : i32
      %dma_start3A_573 = arith.constant 0 : i32
      %dma_start3A_574 = arith.constant 0 : i32
      %dma_start3A_575 = tpu.memref_slice %arg9[%dma_start3A_571, %dma_start3A_573, %dma_start3A_574] : memref<2x100x128xf32, #tpu.memory_space<vmem>> -> memref<1x100x128xf32, #tpu.memory_space<vmem>>
      %dma_start3A_576 = tpu.memref_squeeze %dma_start3A_575 : memref<1x100x128xf32, #tpu.memory_space<vmem>> -> memref<100x128xf32, #tpu.memory_space<vmem>>
      %dma_start3A_577 = arith.constant 0 : i32
      %dma_start3A_578 = tpu.memref_slice %arg8[%add3A_570, %dma_start3A_577] : memref<50x100xi32, #tpu.memory_space<vmem>> -> memref<1x100xi32, #tpu.memory_space<vmem>>
      %dma_start3A_579 = tpu.memref_squeeze %dma_start3A_578 : memref<1x100xi32, #tpu.memory_space<vmem>> -> memref<100xi32, #tpu.memory_space<vmem>>
      %dma_start3A_580 = arith.constant 0 : i32
      %dma_start3A_581 = arith.constant 0 : i32
      %dma_start3A_582 = tpu.memref_slice %arg10[%dma_start3A_580, %dma_start3A_581] : memref<10240x128xf32, #tpu.memory_space<vmem_shared>> -> memref<10240x128xf32, #tpu.memory_space<vmem_shared>>
      %dma_start3A_583 = tpu.memref_slice %arg12[%dma_start3A_572] : memref<2x!tpu.dma_semaphore, #tpu.memory_space<semaphore_mem>> -> memref<1x!tpu.dma_semaphore, #tpu.memory_space<semaphore_mem>>
      %dma_start3A_584 = tpu.memref_squeeze %dma_start3A_583 : memref<1x!tpu.dma_semaphore, #tpu.memory_space<semaphore_mem>> -> memref<!tpu.dma_semaphore, #tpu.memory_space<semaphore_mem>>
      tpu.enqueue_indirect_dma source(%dma_start3A_576 : memref<100x128xf32, #tpu.memory_space<vmem>>) target(%dma_start3A_582 : memref<10240x128xf32, #tpu.memory_space<vmem_shared>>) offsets(%dma_start3A_579 : memref<100xi32, #tpu.memory_space<vmem>>) semaphore(%dma_start3A_584 : memref<!tpu.dma_semaphore, #tpu.memory_space<semaphore_mem>>) {add = true}
      %dma_wait3A_585 = arith.constant 1 : i32
      %dma_wait3A_586 = arith.constant 1 : i32
      %dma_wait3A_587 = arith.constant 0 : i32
      %dma_wait3A_588 = arith.constant 0 : i32
      %dma_wait3A_589 = tpu.memref_slice %arg9[%dma_wait3A_585, %dma_wait3A_587, %dma_wait3A_588] : memref<2x100x128xf32, #tpu.memory_space<vmem>> -> memref<1x100x128xf32, #tpu.memory_space<vmem>>
      %dma_wait3A_590 = tpu.memref_squeeze %dma_wait3A_589 : memref<1x100x128xf32, #tpu.memory_space<vmem>> -> memref<100x128xf32, #tpu.memory_space<vmem>>
      %dma_wait3A_591 = arith.constant 0 : i32
      %dma_wait3A_592 = tpu.memref_slice %arg7[%add3A_540, %dma_wait3A_591] : memref<50x100xi32, #tpu.memory_space<vmem>> -> memref<1x100xi32, #tpu.memory_space<vmem>>
      %dma_wait3A_593 = tpu.memref_squeeze %dma_wait3A_592 : memref<1x100xi32, #tpu.memory_space<vmem>> -> memref<100xi32, #tpu.memory_space<vmem>>
      %dma_wait3A_594 = arith.constant 0 : i32
      %dma_wait3A_595 = arith.constant 0 : i32
      %dma_wait3A_596 = tpu.memref_slice %arg2[%dma_wait3A_594, %dma_wait3A_595] : memref<10000x128xf32, #tpu.memory_space<hbm>> -> memref<10000x128xf32, #tpu.memory_space<hbm>>
      %dma_wait3A_597 = tpu.memref_slice %arg11[%dma_wait3A_586] : memref<2x!tpu.dma_semaphore, #tpu.memory_space<semaphore_mem>> -> memref<1x!tpu.dma_semaphore, #tpu.memory_space<semaphore_mem>>
      %dma_wait3A_598 = tpu.memref_squeeze %dma_wait3A_597 : memref<1x!tpu.dma_semaphore, #tpu.memory_space<semaphore_mem>> -> memref<!tpu.dma_semaphore, #tpu.memory_space<semaphore_mem>>
      tpu.wait_indirect_dma semaphore(%dma_wait3A_598 : memref<!tpu.dma_semaphore, #tpu.memory_space<semaphore_mem>>) src(%dma_wait3A_596 : memref<10000x128xf32, #tpu.memory_space<hbm>>) dst(%dma_wait3A_590 : memref<100x128xf32, #tpu.memory_space<vmem>>)
      %add3A_599 = arith.constant 9 : i32
      %add3A_600 = arith.addi %mul3A_28, %add3A_599 : i32
      %dma_start3A_601 = arith.constant 1 : i32
      %dma_start3A_602 = arith.constant 1 : i32
      %dma_start3A_603 = arith.constant 0 : i32
      %dma_start3A_604 = arith.constant 0 : i32
      %dma_start3A_605 = tpu.memref_slice %arg9[%dma_start3A_601, %dma_start3A_603, %dma_start3A_604] : memref<2x100x128xf32, #tpu.memory_space<vmem>> -> memref<1x100x128xf32, #tpu.memory_space<vmem>>
      %dma_start3A_606 = tpu.memref_squeeze %dma_start3A_605 : memref<1x100x128xf32, #tpu.memory_space<vmem>> -> memref<100x128xf32, #tpu.memory_space<vmem>>
      %dma_start3A_607 = arith.constant 0 : i32
      %dma_start3A_608 = tpu.memref_slice %arg8[%add3A_600, %dma_start3A_607] : memref<50x100xi32, #tpu.memory_space<vmem>> -> memref<1x100xi32, #tpu.memory_space<vmem>>
      %dma_start3A_609 = tpu.memref_squeeze %dma_start3A_608 : memref<1x100xi32, #tpu.memory_space<vmem>> -> memref<100xi32, #tpu.memory_space<vmem>>
      %dma_start3A_610 = arith.constant 0 : i32
      %dma_start3A_611 = arith.constant 0 : i32
      %dma_start3A_612 = tpu.memref_slice %arg10[%dma_start3A_610, %dma_start3A_611] : memref<10240x128xf32, #tpu.memory_space<vmem_shared>> -> memref<10240x128xf32, #tpu.memory_space<vmem_shared>>
      %dma_start3A_613 = tpu.memref_slice %arg12[%dma_start3A_602] : memref<2x!tpu.dma_semaphore, #tpu.memory_space<semaphore_mem>> -> memref<1x!tpu.dma_semaphore, #tpu.memory_space<semaphore_mem>>
      %dma_start3A_614 = tpu.memref_squeeze %dma_start3A_613 : memref<1x!tpu.dma_semaphore, #tpu.memory_space<semaphore_mem>> -> memref<!tpu.dma_semaphore, #tpu.memory_space<semaphore_mem>>
      tpu.enqueue_indirect_dma source(%dma_start3A_606 : memref<100x128xf32, #tpu.memory_space<vmem>>) target(%dma_start3A_612 : memref<10240x128xf32, #tpu.memory_space<vmem_shared>>) offsets(%dma_start3A_609 : memref<100xi32, #tpu.memory_space<vmem>>) semaphore(%dma_start3A_614 : memref<!tpu.dma_semaphore, #tpu.memory_space<semaphore_mem>>) {add = true}
      %dma_wait3A_615 = arith.constant 0 : i32
      %dma_wait3A_616 = arith.constant 0 : i32
      %dma_wait3A_617 = arith.constant 0 : i32
      %dma_wait3A_618 = arith.constant 0 : i32
      %dma_wait3A_619 = tpu.memref_slice %arg9[%dma_wait3A_615, %dma_wait3A_617, %dma_wait3A_618] : memref<2x100x128xf32, #tpu.memory_space<vmem>> -> memref<1x100x128xf32, #tpu.memory_space<vmem>>
      %dma_wait3A_620 = tpu.memref_squeeze %dma_wait3A_619 : memref<1x100x128xf32, #tpu.memory_space<vmem>> -> memref<100x128xf32, #tpu.memory_space<vmem>>
      %dma_wait3A_621 = arith.constant 0 : i32
      %dma_wait3A_622 = tpu.memref_slice %arg8[%add3A_570, %dma_wait3A_621] : memref<50x100xi32, #tpu.memory_space<vmem>> -> memref<1x100xi32, #tpu.memory_space<vmem>>
      %dma_wait3A_623 = tpu.memref_squeeze %dma_wait3A_622 : memref<1x100xi32, #tpu.memory_space<vmem>> -> memref<100xi32, #tpu.memory_space<vmem>>
      %dma_wait3A_624 = arith.constant 0 : i32
      %dma_wait3A_625 = arith.constant 0 : i32
      %dma_wait3A_626 = tpu.memref_slice %arg10[%dma_wait3A_624, %dma_wait3A_625] : memref<10240x128xf32, #tpu.memory_space<vmem_shared>> -> memref<10240x128xf32, #tpu.memory_space<vmem_shared>>
      %dma_wait3A_627 = tpu.memref_slice %arg12[%dma_wait3A_616] : memref<2x!tpu.dma_semaphore, #tpu.memory_space<semaphore_mem>> -> memref<1x!tpu.dma_semaphore, #tpu.memory_space<semaphore_mem>>
      %dma_wait3A_628 = tpu.memref_squeeze %dma_wait3A_627 : memref<1x!tpu.dma_semaphore, #tpu.memory_space<semaphore_mem>> -> memref<!tpu.dma_semaphore, #tpu.memory_space<semaphore_mem>>
      tpu.wait_indirect_dma semaphore(%dma_wait3A_628 : memref<!tpu.dma_semaphore, #tpu.memory_space<semaphore_mem>>) src(%dma_wait3A_620 : memref<100x128xf32, #tpu.memory_space<vmem>>) dst(%dma_wait3A_626 : memref<10240x128xf32, #tpu.memory_space<vmem_shared>>)
      %dma_wait3A_629 = arith.constant 1 : i32
      %dma_wait3A_630 = arith.constant 1 : i32
      %dma_wait3A_631 = arith.constant 0 : i32
      %dma_wait3A_632 = arith.constant 0 : i32
      %dma_wait3A_633 = tpu.memref_slice %arg9[%dma_wait3A_629, %dma_wait3A_631, %dma_wait3A_632] : memref<2x100x128xf32, #tpu.memory_space<vmem>> -> memref<1x100x128xf32, #tpu.memory_space<vmem>>
      %dma_wait3A_634 = tpu.memref_squeeze %dma_wait3A_633 : memref<1x100x128xf32, #tpu.memory_space<vmem>> -> memref<100x128xf32, #tpu.memory_space<vmem>>
      %dma_wait3A_635 = arith.constant 0 : i32
      %dma_wait3A_636 = tpu.memref_slice %arg8[%add3A_600, %dma_wait3A_635] : memref<50x100xi32, #tpu.memory_space<vmem>> -> memref<1x100xi32, #tpu.memory_space<vmem>>
      %dma_wait3A_637 = tpu.memref_squeeze %dma_wait3A_636 : memref<1x100xi32, #tpu.memory_space<vmem>> -> memref<100xi32, #tpu.memory_space<vmem>>
      %dma_wait3A_638 = arith.constant 0 : i32
      %dma_wait3A_639 = arith.constant 0 : i32
      %dma_wait3A_640 = tpu.memref_slice %arg10[%dma_wait3A_638, %dma_wait3A_639] : memref<10240x128xf32, #tpu.memory_space<vmem_shared>> -> memref<10240x128xf32, #tpu.memory_space<vmem_shared>>
      %dma_wait3A_641 = tpu.memref_slice %arg12[%dma_wait3A_630] : memref<2x!tpu.dma_semaphore, #tpu.memory_space<semaphore_mem>> -> memref<1x!tpu.dma_semaphore, #tpu.memory_space<semaphore_mem>>
      %dma_wait3A_642 = tpu.memref_squeeze %dma_wait3A_641 : memref<1x!tpu.dma_semaphore, #tpu.memory_space<semaphore_mem>> -> memref<!tpu.dma_semaphore, #tpu.memory_space<semaphore_mem>>
      tpu.wait_indirect_dma semaphore(%dma_wait3A_642 : memref<!tpu.dma_semaphore, #tpu.memory_space<semaphore_mem>>) src(%dma_wait3A_634 : memref<100x128xf32, #tpu.memory_space<vmem>>) dst(%dma_wait3A_640 : memref<10240x128xf32, #tpu.memory_space<vmem_shared>>)
    }
    %scan3A_16 = arith.constant 5 : i32
    %barrier3A_17 = arith.constant 0 : index
    tpu.barrier barrier_id(%barrier3A_17)
    %mul3A_18 = arith.constant 640 : i32
    %mul3A_19 = arith.muli %arg1, %mul3A_18 : i32
    %mul3A_20 = arith.constant 640 : i32
    %mul3A_21 = arith.muli %arg1, %mul3A_20 : i32
    "tpu.region"() ({
      %run_scoped3A_22 = tpu.sem_alloc : memref<!tpu.dma_semaphore, #tpu.memory_space<semaphore_mem>>
      %dma_start3A = arith.constant 0 : i32
      %dma_start3A_23 = arith.constant 0 : i32
      %dma_start3A_24 = tpu.memref_slice %arg6[%arg0, %dma_start3A, %dma_start3A_23] : memref<2x10240x128xf32, #tpu.memory_space<hbm>> -> memref<1x10240x128xf32, #tpu.memory_space<hbm>>
      %dma_start3A_25 = tpu.memref_squeeze %dma_start3A_24 : memref<1x10240x128xf32, #tpu.memory_space<hbm>> -> memref<10240x128xf32, #tpu.memory_space<hbm>>
      %dma_start3A_26 = arith.constant 0 : i32
      %dma_start3A_27 = tpu.memref_slice %dma_start3A_25[%mul3A_21, %dma_start3A_26] : memref<10240x128xf32, #tpu.memory_space<hbm>> -> memref<640x128xf32, #tpu.memory_space<hbm>>
      %dma_start3A_28 = arith.constant 0 : i32
      %dma_start3A_29 = tpu.memref_slice %arg10[%mul3A_19, %dma_start3A_28] : memref<10240x128xf32, #tpu.memory_space<vmem_shared>> -> memref<640x128xf32, #tpu.memory_space<vmem_shared>>
      tpu.enqueue_dma source(%dma_start3A_29 : memref<640x128xf32, #tpu.memory_space<vmem_shared>>) target(%dma_start3A_27 : memref<640x128xf32, #tpu.memory_space<hbm>>) target_semaphore(%run_scoped3A_22 : memref<!tpu.dma_semaphore, #tpu.memory_space<semaphore_mem>>)
      %dma_wait3A = arith.constant 0 : i32
      %dma_wait3A_30 = arith.constant 0 : i32
      %dma_wait3A_31 = tpu.memref_slice %arg6[%arg0, %dma_wait3A, %dma_wait3A_30] : memref<2x10240x128xf32, #tpu.memory_space<hbm>> -> memref<1x10240x128xf32, #tpu.memory_space<hbm>>
      %dma_wait3A_32 = tpu.memref_squeeze %dma_wait3A_31 : memref<1x10240x128xf32, #tpu.memory_space<hbm>> -> memref<10240x128xf32, #tpu.memory_space<hbm>>
      %dma_wait3A_33 = arith.constant 0 : i32
      %dma_wait3A_34 = tpu.memref_slice %dma_wait3A_32[%mul3A_21, %dma_wait3A_33] : memref<10240x128xf32, #tpu.memory_space<hbm>> -> memref<640x128xf32, #tpu.memory_space<hbm>>
      %dma_wait3A_35 = arith.constant 0 : i32
      %dma_wait3A_36 = tpu.memref_slice %arg10[%mul3A_19, %dma_wait3A_35] : memref<10240x128xf32, #tpu.memory_space<vmem_shared>> -> memref<640x128xf32, #tpu.memory_space<vmem_shared>>
      tpu.wait_dma2 semaphore(%run_scoped3A_22 : memref<!tpu.dma_semaphore, #tpu.memory_space<semaphore_mem>>) src(%dma_wait3A_36 : memref<640x128xf32, #tpu.memory_space<vmem_shared>>) dst(%dma_wait3A_34 : memref<640x128xf32, #tpu.memory_space<hbm>>)
      tpu.yield
    }) : () -> ()
    return
  }
}

module attributes {stable_mosaic.version = 14 : i64} {
  func.func @_scale_body(%arg0: i32, %arg1: memref<2000x128xf32, #tpu.memory_space<vmem>>, %arg2: memref<128x128xf32, #tpu.memory_space<vmem>>, %arg3: memref<2000x32xf32, #tpu.memory_space<vmem>>, %arg4: memref<2000x128xf32, #tpu.memory_space<vmem>>) attributes {dimension_semantics = [#tpu.dimension_semantics<arbitrary>], iteration_bounds = array<i64: 5>, scalar_prefetch = 0 : i64, scratch_operands = 0 : i64, tpu.core_type = #tpu.core_type<tc>, window_params = [{transform_indices = @transform_0, window_bounds = array<i64: 2000, 128>}, {pipeline_mode = #tpu.pipeline_mode<synchronous>, transform_indices = @transform_1, window_bounds = array<i64: 128, 128>}, {transform_indices = @transform_2, window_bounds = array<i64: 2000, 32>}, {transform_indices = @transform_3, window_bounds = array<i64: 2000, 128>}]} {
    %get3A = arith.constant 0 : index
    %get3A_0 = arith.constant 0 : index
    %get3A_1 = vector.load %arg1[%get3A, %get3A_0] : memref<2000x128xf32, #tpu.memory_space<vmem>>, vector<2000x128xf32>
    %get3A_2 = arith.constant 0 : index
    %get3A_3 = arith.constant 0 : index
    %get3A_4 = vector.load %arg2[%get3A_2, %get3A_3] : memref<128x128xf32, #tpu.memory_space<vmem>>, vector<128x128xf32>
    %dot_general3A = arith.constant dense<0.000000e+00> : vector<2000x128xf32>
    %dot_general3A_5 = tpu.matmul %get3A_1, %get3A_4, %dot_general3A {dimension_numbers = #tpu.dot_dimension_numbers<[1], [0], [0], [1], [0, 0, 1, 1], [], []>, transpose_lhs_hint = false} : vector<2000x128xf32>, vector<128x128xf32>, vector<2000x128xf32> -> vector<2000x128xf32>
    %get3A_6 = arith.constant 0 : index
    %get3A_7 = arith.constant 0 : index
    %get3A_8 = vector.load %arg3[%get3A_6, %get3A_7] : memref<2000x32xf32, #tpu.memory_space<vmem>>, vector<2000x32xf32>
    %reduce_sum3A = arith.constant dense<0.000000e+00> : vector<2000xf32>
    %reduce_sum3A_9 = vector.multi_reduction <add>, %get3A_8, %reduce_sum3A [1] : vector<2000x32xf32> to vector<2000xf32>
    %broadcast_in_dim3A = vector.shape_cast %reduce_sum3A_9 : vector<2000xf32> to vector<2000x1xf32>
    %add3A = arith.constant 1.000000e+00 : f32
    %add3A_10 = vector.broadcast %add3A : f32 to vector<2000x1xf32>
    %add3A_11 = arith.addf %broadcast_in_dim3A, %add3A_10 : vector<2000x1xf32>
    %rsqrt3A = math.rsqrt %add3A_11 : vector<2000x1xf32>
    %mul3A = vector.broadcast %rsqrt3A : vector<2000x1xf32> to vector<2000x128xf32>
    %mul3A_12 = arith.mulf %mul3A, %dot_general3A_5 : vector<2000x128xf32>
    %swap3A = arith.constant 0 : index
    %swap3A_13 = arith.constant 0 : index
    %swap3A_14 = vector.load %arg4[%swap3A, %swap3A_13] : memref<2000x128xf32, #tpu.memory_space<vmem>>, vector<2000x128xf32>
    tpu.vector_store %arg4[%swap3A, %swap3A_13], %mul3A_12 {strides = array<i32>} : memref<2000x128xf32, #tpu.memory_space<vmem>>, vector<2000x128xf32>,
    return
  }
  func.func @transform_0(%arg0: i32) -> (i32, i32) {
    %c0_i32 = arith.constant 0 : i32
    %c0_i32_0 = arith.constant 0 : i32
    return %arg0, %c0_i32 : i32, i32
  }
  func.func @transform_1(%arg0: i32) -> (i32, i32) {
    %c0_i32 = arith.constant 0 : i32
    %c0_i32_0 = arith.constant 0 : i32
    %c0_i32_1 = arith.constant 0 : i32
    return %c0_i32, %c0_i32_0 : i32, i32
  }
  func.func @transform_2(%arg0: i32) -> (i32, i32) {
    %c0_i32 = arith.constant 0 : i32
    %c0_i32_0 = arith.constant 0 : i32
    return %arg0, %c0_i32 : i32, i32
  }
  func.func @transform_3(%arg0: i32) -> (i32, i32) {
    %c0_i32 = arith.constant 0 : i32
    %c0_i32_0 = arith.constant 0 : i32
    return %arg0, %c0_i32 : i32, i32
  }
}

module attributes {stable_mosaic.version = 14 : i64} {
  func.func @_final_body(%arg0: i32, %arg1: memref<2000x128xf32, #tpu.memory_space<vmem>>, %arg2: memref<2000x128xf32, #tpu.memory_space<vmem>>, %arg3: memref<2000x128xf32, #tpu.memory_space<vmem>>, %arg4: memref<2000x32xf32, #tpu.memory_space<vmem>>, %arg5: memref<1x128xf32, #tpu.memory_space<vmem>>, %arg6: memref<2000x128xf32, #tpu.memory_space<vmem>>) attributes {dimension_semantics = [#tpu.dimension_semantics<arbitrary>], iteration_bounds = array<i64: 5>, scalar_prefetch = 0 : i64, scratch_operands = 0 : i64, tpu.core_type = #tpu.core_type<tc>, window_params = [{transform_indices = @transform_0, window_bounds = array<i64: 2000, 128>}, {transform_indices = @transform_1, window_bounds = array<i64: 2000, 128>}, {transform_indices = @transform_2, window_bounds = array<i64: 2000, 128>}, {transform_indices = @transform_3, window_bounds = array<i64: 2000, 32>}, {pipeline_mode = #tpu.pipeline_mode<synchronous>, transform_indices = @transform_4, window_bounds = array<i64: 1, 128>}, {transform_indices = @transform_5, window_bounds = array<i64: 2000, 128>}]} {
    %get3A = arith.constant 0 : index
    %get3A_0 = arith.constant 0 : index
    %get3A_1 = vector.load %arg4[%get3A, %get3A_0] : memref<2000x32xf32, #tpu.memory_space<vmem>>, vector<2000x32xf32>
    %reduce_sum3A = arith.constant dense<0.000000e+00> : vector<2000xf32>
    %reduce_sum3A_2 = vector.multi_reduction <add>, %get3A_1, %reduce_sum3A [1] : vector<2000x32xf32> to vector<2000xf32>
    %broadcast_in_dim3A = vector.shape_cast %reduce_sum3A_2 : vector<2000xf32> to vector<2000x1xf32>
    %add3A = arith.constant 1.000000e+00 : f32
    %add3A_3 = vector.broadcast %add3A : f32 to vector<2000x1xf32>
    %add3A_4 = arith.addf %broadcast_in_dim3A, %add3A_3 : vector<2000x1xf32>
    %rsqrt3A = math.rsqrt %add3A_4 : vector<2000x1xf32>
    %get3A_5 = arith.constant 0 : index
    %get3A_6 = arith.constant 0 : index
    %get3A_7 = vector.load %arg1[%get3A_5, %get3A_6] : memref<2000x128xf32, #tpu.memory_space<vmem>>, vector<2000x128xf32>
    %get3A_8 = arith.constant 0 : index
    %get3A_9 = arith.constant 0 : index
    %get3A_10 = vector.load %arg2[%get3A_8, %get3A_9] : memref<2000x128xf32, #tpu.memory_space<vmem>>, vector<2000x128xf32>
    %add3A_11 = arith.addf %get3A_7, %get3A_10 : vector<2000x128xf32>
    %get3A_12 = arith.constant 0 : index
    %get3A_13 = arith.constant 0 : index
    %get3A_14 = vector.load %arg3[%get3A_12, %get3A_13] : memref<2000x128xf32, #tpu.memory_space<vmem>>, vector<2000x128xf32>
    %add3A_15 = arith.addf %add3A_11, %get3A_14 : vector<2000x128xf32>
    %mul3A = vector.broadcast %rsqrt3A : vector<2000x1xf32> to vector<2000x128xf32>
    %mul3A_16 = arith.mulf %mul3A, %add3A_15 : vector<2000x128xf32>
    %get3A_17 = arith.constant 0 : index
    %get3A_18 = arith.constant 0 : index
    %get3A_19 = vector.load %arg5[%get3A_17, %get3A_18] : memref<1x128xf32, #tpu.memory_space<vmem>>, vector<1x128xf32>
    %add3A_20 = vector.broadcast %get3A_19 : vector<1x128xf32> to vector<2000x128xf32>
    %add3A_21 = arith.addf %mul3A_16, %add3A_20 : vector<2000x128xf32>
    %reduce_max3A = arith.constant dense<0xFF800000> : vector<2000xf32>
    %reduce_max3A_22 = vector.multi_reduction <maximumf>, %add3A_21, %reduce_max3A [1] : vector<2000x128xf32> to vector<2000xf32>
    %broadcast_in_dim3A_23 = vector.shape_cast %reduce_max3A_22 : vector<2000xf32> to vector<2000x1xf32>
    %sub3A = vector.broadcast %broadcast_in_dim3A_23 : vector<2000x1xf32> to vector<2000x128xf32>
    %sub3A_24 = arith.subf %add3A_21, %sub3A : vector<2000x128xf32>
    %exp3A = math.exp %sub3A_24 : vector<2000x128xf32>
    %reduce_sum3A_25 = arith.constant dense<0.000000e+00> : vector<2000xf32>
    %reduce_sum3A_26 = vector.multi_reduction <add>, %exp3A, %reduce_sum3A_25 [1] : vector<2000x128xf32> to vector<2000xf32>
    %broadcast_in_dim3A_27 = vector.shape_cast %reduce_sum3A_26 : vector<2000xf32> to vector<2000x1xf32>
    %sub3A_28 = vector.broadcast %broadcast_in_dim3A_23 : vector<2000x1xf32> to vector<2000x128xf32>
    %sub3A_29 = arith.subf %add3A_21, %sub3A_28 : vector<2000x128xf32>
    %log3A = math.log %broadcast_in_dim3A_27 : vector<2000x1xf32>
    %sub3A_30 = vector.broadcast %log3A : vector<2000x1xf32> to vector<2000x128xf32>
    %sub3A_31 = arith.subf %sub3A_29, %sub3A_30 : vector<2000x128xf32>
    %swap3A = arith.constant 0 : index
    %swap3A_32 = arith.constant 0 : index
    %swap3A_33 = vector.load %arg6[%swap3A, %swap3A_32] : memref<2000x128xf32, #tpu.memory_space<vmem>>, vector<2000x128xf32>
    tpu.vector_store %arg6[%swap3A, %swap3A_32], %sub3A_31 {strides = array<i32>} : memref<2000x128xf32, #tpu.memory_space<vmem>>, vector<2000x128xf32>,
    return
  }
  func.func @transform_0(%arg0: i32) -> (i32, i32) {
    %c0_i32 = arith.constant 0 : i32
    %c0_i32_0 = arith.constant 0 : i32
    return %arg0, %c0_i32 : i32, i32
  }
  func.func @transform_1(%arg0: i32) -> (i32, i32) {
    %c0_i32 = arith.constant 0 : i32
    %c0_i32_0 = arith.constant 0 : i32
    return %arg0, %c0_i32 : i32, i32
  }
  func.func @transform_2(%arg0: i32) -> (i32, i32) {
    %c0_i32 = arith.constant 0 : i32
    %c0_i32_0 = arith.constant 0 : i32
    return %arg0, %c0_i32 : i32, i32
  }
  func.func @transform_3(%arg0: i32) -> (i32, i32) {
    %c0_i32 = arith.constant 0 : i32
    %c0_i32_0 = arith.constant 0 : i32
    return %arg0, %c0_i32 : i32, i32
  }
  func.func @transform_4(%arg0: i32) -> (i32, i32) {
    %c0_i32 = arith.constant 0 : i32
    %c0_i32_0 = arith.constant 0 : i32
    %c0_i32_1 = arith.constant 0 : i32
    return %c0_i32, %c0_i32_0 : i32, i32
  }
  func.func @transform_5(%arg0: i32) -> (i32, i32) {
    %c0_i32 = arith.constant 0 : i32
    %c0_i32_0 = arith.constant 0 : i32
    return %arg0, %c0_i32 : i32, i32
  }
}

</mosaic_0001>

<sc_bundles>
// kernel: kernel.6.cloned.1.call-start
scs
__scs_entry_jumppad:
0x0: {  	(pc) =	sbr.rel $0x88, $3  }
0x1: {  	(tag) =	ssettag $0x0;
	lr =	simm.s32 $0x1  }
0x2: {  	[smem:$0x3F9D] =	sst lr;
	_ =	strace $0xD0000000  }
0x3: {  	_ = 	snop  }
0x4: {  	_ = 	snop  }
0x5: {  	_ = 	snop  }
0x6: {  	_ = 	snop  }
0x7: {  	_ = 	snop  }
__scs_overlays_trampoline_lowered:
0x8: {  	[smem:$0x3FAC] =	sst s0  }
0x9: {  	[smem:$0x3FAD] =	sst s1  }
0xa: {  	[smem:$0x3FAE] =	sst s2  }
0xb: {  	[smem:$0x3FAF] =	sst s3  }
0xc: {  	[smem:$0x3FB0] =	sst s4  }
0xd: {  	[smem:$0x3FB1] =	sst s5  }
0xe: {  	[smem:$0x3FB2] =	sst s6  }
0xf: {  	[smem:$0x3FB3] =	sst s7  }
0x10: {  	[smem:$0x3FB4] =	sst s8  }
0x11: {  	[smem:$0x3FB5] =	sst s9;
	s0 =	simm.s32 @!p0 $0x0  }
0x12: {  	s1 =	sld [smem:$0x3F9B];
	s0 =	simm.s32 @p0 $0x1  }
0x13: {  	[smem:$0x3FB6] =	sst s0;
	s0 =	simm.s32 @!p1 $0x0  }
0x14: {  	s2 =	sld [smem:$0x3F9A];
	s0 =	simm.s32 @p1 $0x1  }
0x15: {  	[smem:$0x3FB7] =	sst s0;
	s0 =	simm.s32 @!p2 $0x0  }
0x16: {  	s3 =	sld [smem:$0x3FDB];
	s0 =	simm.s32 @p2 $0x1  }
0x17: {  	s4 =	simm.s32 $0x1BF5;
	[smem:$0x3FB9] =	sst s0  }
0x18: {  	s0 =	sld [smem:$0x3F9C];
	_ =	swait.ge [sflag:s4], $0x0  }
0x19: {  	s7 =	sld [smem:$0x3F9D]  }
0x1a: {  	s8 =	sadd.s32 $0xFFFFE003, lr  }
0x1b: {  	s9 =	sadd.s32 $0xFFFFFEF7, lr;
	s5 =	simm.s32 $0xFFFFFFFF;
	p2 =	slt.u32 s8, $0xFFFFF086  }
0x1c: {  	p1 =	slt.u32 s9, $0xF7A;
	s5 =	simm.s32 @!p2 $0x0  }
0x1d: {  	s5 =	simm.s32 @p1 $0x1;
	p0 =	seq.s32 s7, s2  }
0x1e: {  	s7 =	smul.u32 @!p0 $0xF7A, s2;
	p2 =	seq.s32 @!p0 s5, $0x0  }
0x1f: {  	s9 =	smul.u32 $0xF7A, s1;
	s8 =	simm.s32 @!p0 $0x1BF5;
	p2 =	por !p2, p0  }
0x20: {  	[sflag:s8] =	ssyncset.s32 @!p0 $0xFFFFF086;
	s6 =	sadd.s32 @!p0 s3, s7;
	s7 =	simm.s32 @!p0 $0x108  }
0x21: {  	s3 =	sadd.s32 s3, s9;
	s6 =	sadd.s32 @!p0 $0x88, s6;
	s7 =	simm.s32 @p2 $0x1082  }
0x22: {  	[simem:s7], [sflag:s8] =	dma.local @!p0 [hbm:s6], $0xF7A  }
0x23: {  	s9 =	sor.u32 $0xD0000000, s2;
	s6 =	simm.s32 $0x108;
	_ =	swait.ge @!p0 [sflag:s8], $0x0  }
0x24: {  	s3 =	sadd.s32 $0x88, s3;
	s6 =	simm.s32 @!p1 $0x1082;
	[sflag:s4] =	ssyncset.s32 $0xFFFFF086  }
0x25: {  	[simem:s6], [sflag:s4] =	dma.local [hbm:s3], $0xF7A  }
0x26: {  	[smem:$0x3F9D] =	sst s1;
	(tag) =	ssettag s2;
	_ =	strace s9  }
0x27: {  	s1 =	sld [smem:$0x3FAD]  }
0x28: {  	s2 =	sld [smem:$0x3FAE]  }
0x29: {  	s4 =	sld [smem:$0x3FB0]  }
0x2a: {  	p0 =	seq.s32 s5, $0x0;
	s5 =	sld [smem:$0x3FB1]  }
0x2b: {  	s6 =	sld [smem:$0x3FB2]  }
0x2c: {  	s7 =	sld [smem:$0x3FB3]  }
0x2d: {  	s3 =	simm.s32 $0x108;
	s8 =	sld [smem:$0x3FB4]  }
0x2e: {  	s3 =	simm.s32 @!p0 $0x1082;
	s9 =	sld [smem:$0x3FB5]  }
0x2f: {  	lr =	sadd.s32 s0, s3;
	s0 =	sld [smem:$0x3FAC]  }
0x30: {  	s3 =	sld [smem:$0x3FAF]  }
0x31: {  	[smem:$0x3FB8] =	sst s10  }
0x32: {  	s10 =	sld [smem:$0x3FB6];
	_ =	sdelay $0x3  }
0x33: {  	p0 =	seq.s32 s10, $0x1;
	s10 =	sld [smem:$0x3FB8];
	_ =	sdelay $0x3  }
0x34: {  	[smem:$0x3FB8] =	sst s10  }
0x35: {  	s10 =	sld [smem:$0x3FB7];
	_ =	sdelay $0x3  }
0x36: {  	p1 =	seq.s32 s10, $0x1;
	s10 =	sld [smem:$0x3FB8];
	_ =	sdelay $0x3  }
0x37: {  	[smem:$0x3FB8] =	sst s10  }
0x38: {  	s10 =	sld [smem:$0x3FB9]  }
0x39: {  	_ = 	snop;
	(pc) =	sbr.ind lr, $3  }
0x3a: {  	_ = 	snop  }
0x3b: {  	_ = 	snop  }
0x3c: {  	p2 =	seq.s32 s10, $0x1;
	s10 =	sld [smem:$0x3FB8]  }
0x3d: {  	_ =	shalt  }
0x3e: {  	_ =	shalt  }
0x3f: {  	_ =	shalt  }
0x40: {  	_ =	shalt  }
0x41: {  	_ =	shalt  }
0x42: {  	_ =	shalt  }
0x43: {  	_ =	shalt  }
0x44: {  	_ =	shalt  }
0x45: {  	_ =	shalt  }
0x46: {  	_ =	shalt  }
0x47: {  	_ =	shalt  }
0x48: {  	_ =	shalt  }
0x49: {  	_ =	shalt  }
0x4a: {  	_ =	shalt  }
0x4b: {  	_ =	shalt  }
0x4c: {  	_ =	shalt  }
0x4d: {  	_ =	shalt  }
0x4e: {  	_ =	shalt  }
0x4f: {  	_ =	shalt  }
0x50: {  	_ =	shalt  }
0x51: {  	_ =	shalt  }
0x52: {  	_ =	shalt  }
0x53: {  	_ =	shalt  }
0x54: {  	_ =	shalt  }
0x55: {  	_ =	shalt  }
0x56: {  	_ =	shalt  }
0x57: {  	_ =	shalt  }
0x58: {  	_ =	shalt  }
0x59: {  	_ =	shalt  }
0x5a: {  	_ =	shalt  }
0x5b: {  	_ =	shalt  }
0x5c: {  	_ =	shalt  }
0x5d: {  	_ =	shalt  }
0x5e: {  	_ =	shalt  }
0x5f: {  	_ =	shalt  }
0x60: {  	_ =	shalt  }
0x61: {  	_ =	shalt  }
0x62: {  	_ =	shalt  }
0x63: {  	_ =	shalt  }
0x64: {  	_ =	shalt  }
0x65: {  	_ =	shalt  }
0x66: {  	_ =	shalt  }
0x67: {  	_ =	shalt  }
0x68: {  	_ =	shalt  }
0x69: {  	_ =	shalt  }
0x6a: {  	_ =	shalt  }
0x6b: {  	_ =	shalt  }
0x6c: {  	_ =	shalt  }
0x6d: {  	_ =	shalt  }
0x6e: {  	_ =	shalt  }
0x6f: {  	_ =	shalt  }
0x70: {  	_ =	shalt  }
0x71: {  	_ =	shalt  }
0x72: {  	_ =	shalt  }
0x73: {  	_ =	shalt  }
0x74: {  	_ =	shalt  }
0x75: {  	_ =	shalt  }
0x76: {  	_ =	shalt  }
0x77: {  	_ =	shalt  }
0x78: {  	_ =	shalt  }
0x79: {  	_ =	shalt  }
0x7a: {  	_ =	shalt  }
0x7b: {  	_ =	shalt  }
0x7c: {  	_ =	shalt  }
0x7d: {  	_ =	shalt  }
0x7e: {  	_ =	shalt  }
0x7f: {  	_ =	shalt  }
0x80: {  	_ =	shalt  }
0x81: {  	_ =	shalt  }
0x82: {  	_ =	shalt  }
0x83: {  	_ =	shalt  }
0x84: {  	_ =	shalt  }
0x85: {  	_ =	shalt  }
0x86: {  	_ =	shalt  }
0x87: {  	_ =	shalt  }
.Lfunc_end0:
.L_simem_size_0:
called_computation_lowered:
.L_overlay_start_0:
0x88: {  	s2 =	sld [smem:$0x3FD9]  }
0x89: {  	s3 =	sld [smem:$0x3FFE];
	_ =	sdelay $0x1  }
0x8a: {  	s1 =	srdreg.scid  }
0x8b: {  	s0 =	sand.u32 $0x1, s1  }
0x8c: {  	s17 =	sshll.u32 s0, $0xA;
	s2 =	sadd.s32 s3, s2  }
0x8d: {  	s2 =	sadd.s32 s2, s17  }
0x8e: {  	[smem:$0x3FC4] =	sst s2  }
0x8f: {  	_ = 	snop  }
0x90: {  	s2 =	sld [smem:$0x3FD0];
	(tm) =	ssettm $0x1  }
0x91: {  	s18 =	sld [smem:$0x3FFB];
	_ =	sdelay $0x3  }
0x92: {  	_ =	strace s18  }
0x93: {  	s3 =	sld [smem:$0x3FFC];
	_ =	sdelay $0x3  }
0x94: {  	_ =	strace s3  }
0x95: {  	s3 =	sld [smem:$0x3FFD];
	_ =	sdelay $0x3  }
0x96: {  	_ =	strace s3  }
0x97: {  	_ =	strace $0x8FFFFFFF  }
0x98: {  	s19 =	sld [smem:$0x3FDB];
	_ =	sdelay $0x1  }
0x99: {  	s4 =	simm.s32 $_scs_section_size  }
0x9a: {  	s5 =	simm.s32 $_size__tile_overlayer_lowered;
	s6 =	simm.s32 $_tile_overlayer_lowered  }
0x9b: {  	s22 =	simm.s32 $0x1BFF;
	s21 =	sshll.u32 s6, $0x1;
	s3 =	sadd.s32 s4, s19  }
0x9c: {  	s7 =	simm.s32 $0x0;
	s20 =	sshll.u32 s5, $0x1;
	s5 =	sadd.s32 s21, s3  }
0x9d: {  	[timem:s7], [sflag:s22] =	dma.local [hbm:s5], s20  }
0x9e: {  	_ =	swait.ge [sflag:s22], s20  }
0x9f: {  	s4 =	ssub.s32 $0x0, s20;
	[sflag:s22] =	ssyncset.done $0x0  }
0xa0: {  	[sflag:s22] =	ssyncadd.s32 s4;
	_ =	sdelay $0x1  }
0xa1: {  	s23 =	simm.s32 $0x1B8B  }
0xa2: {  	_ =	swait.ge [sflag:s23], $0x1  }
0xa3: {  	[sflag:s23] =	ssyncset.done $0x0  }
0xa4: {  	s25 =	simm.s32 $0x1B8E;
	s24 =	sld [smem:$0x3FFE];
	[sflag:s23] =	ssyncadd.s32 $0xFFFFFFFF  }
0xa5: {  	s26 =	simm.s32 $execute0_lowered;
	[smem:$0x3FD2] =	sst s25  }
0xa6: {  	s5 =	sshll.u32 s26, $0x1;
	_ =	strace $0x80000046;
	[dreg:$0x1] =	wrdreg $0xFFFFFFFF  }
0xa7: {  	s28 =	simm.s32 $_size_execute0_lowered;
	s3 =	sadd.s32 s3, s5;
	[dreg:$0x0] =	wrdreg $0x0  }
0xa8: {  	s5 =	sshll.u32 s28, $0x1;
	[dreg:$0x2] =	wrdreg s3  }
0xa9: {  	[dreg:$0x3] =	wrdreg s5  }
0xaa: {  	[dreg:$0x4] =	wrdreg $0xC0  }
0xab: {  	_ =	task [dreg:s7], $0x5FFFF  }
0xac: {  	[dreg:$0x1] =	wrdreg $0xFFFFFFFF  }
0xad: {  	[dreg:$0x0] =	wrdreg $0x60  }
0xae: {  	[dreg:$0x2] =	wrdreg s24  }
0xaf: {  	[dreg:$0x3] =	wrdreg s2  }
0xb0: {  	[dreg:$0x4] =	wrdreg $0x9  }
0xb1: {  	_ =	task.clear_ibuf [dreg:s7], $0x5FFFF;
	_ =	strace $0x90000046  }
0xb2: {  	s29 =	simm.s32 $0x9;
	_ =	strace $0x80000048  }
0xb3: {  	_ =	swait.ge [sflag:s29], $0x1  }
0xb4: {  	[sflag:s29] =	ssyncadd.s32 $0xFFFFFFFF  }
0xb5: {  	_ =	strace $0x90000048  }
0xb6: {  	_ =	sfence  }
0xb7: {  	s30 =	sld [smem:$0x0];
	_ =	sdelay $0x2  }
0xb8: {  	s31 =	sshll.u32 s1, $0xD;
	s1 =	sshrl.u32 s1, $0x2  }
0xb9: {  	s3 =	sand.u32 $0x4000, s31;
	s1 =	sadd.s32 s1, s30  }
0xba: {  	s0 =	sor.u32 s3, s0;
	s1 =	sshll.u32 s1, $0x11  }
0xbb: {  	s0 =	sor.u32 s1, s0  }
0xbc: {  	s0 =	sadd.s32 $0x8F2B, s0  }
0xbd: {  	[sflag:s0] =	ssyncadd.remote.s32 $0x1  }
0xbe: {  	_ =	sfence.sel $0xFFFF  }
0xbf: {  	[dreg:$0x0] =	wrdreg $0xFFFFFFFF;
	(pc) =	sbr.abs _section_cstart, $3  }
0xc0: {  	[dreg:$0x1] =	wrdreg $0xFFFFFFFF  }
0xc1: {  	_ =	task.clear_ibuf [dreg:s7], $0x2FFFF;
	_ =	strace $0x9FFFFFFF  }
0xc2: {  	(tm) =	ssettm $0x7FFFFFFF  }
0xc3: {  	_ =	shalt  }
tec
execute0_lowered:
.L_overlay_start_1:
0x0: {  	(tag) =	ssettag $0x1  }
0x1: {  	s3 =	rddreg [dreg:$0x0];
	s1 =	srdreg.scid  }
0x2: {  	s0 =	stileid.u32;
	s4 =	rddreg [dreg:$0x1];
	s9 =	simm.s32 $0x400  }
0x3: {  	s5 =	sand.u32 $0x1, s1;
	s2 =	sshll.u32 s0, $0x1;
	s8 =	sshrl.u32 s0, $0x2  }
0x4: {  	s1 =	rddreg [dreg:$0x2];
	s6 =	sor.u32 s5, s2;
	s8 =	smul.u32 $0x14000, s8  }
0x5: {  	s2 =	simm.s32 $0x0;
	s5 =	ssub.s32 $0x2, s5;
	s7 =	smul.u32 $0x2780, s6  }
0x6: {  	[smem:$0x7FF] =	sst s2;
	s6 =	sshll.u32 s6, $0x7;
	s31 =	sshrl.u32 s5, $0x1  }
0x7: {  	_ =	strace $0x80000047;
	s6 =	sand.u32 $0x380, s6;
	s5 =	ssub.s32 s5, s31  }
0x8: {  	s3 =	sadd.s32 s7, s3;
	s6 =	sor.u32 s8, s6;
	s5 =	smax.u32 s5, $0x1  }
0x9: {  	s7 =	simm.s32 $0x13C00;
	s8 =	simm.s32 $0x80;
	s6 =	sshrl.u32 s6, $0x3  }
0xa: {  	v0 =	vimm.f32 $0.0e+00;
	v1 =	vimm.f32 $1.000000000e+00;
	s3 =	sadd.s32 $0x1200, s3;
	s4 =	sadd.s32 s4, s6;
	s6 =	simm.s32 $0x1  }
.LBB2_1:
0xb: {  	s10 =	simm.s32 $0x40;
	s11 =	simm.s32 $0x0  }
.LBB2_2:
0xc: {  	p0 =	sne.s32 s10, $0x9FC0;
	[tilespmem:s11+$0x13C00] =	vst v0;
	s11 =	smov.u32 s10;
	s10 =	sadd.s32 $0x40, s10  }
.Ltmp0:
0xd: {  	(pc) =	sbr.rel @p0 .LBB2_2-.Ltmp0, $2  }
0xe: {  	_ =	sdelay $0x2  }
0xf: {  	s11 =	sshra.s32 s11, $0x2  }
0x10: {  	[tilespmem:s11+$0x13C00] =	vst v0;
	s10 =	simm.s32 $0x0  }
0x11: {  	[tilespmem:s10], [sflag:$0x1] =	stream.linear.gather [hbm4b:s3+s10], $0x13880, $0x38;
	[tilespmem:$0x16400] =	vst v63  }
0x12: {  	_ =	swait.ge [sflag:s6], $0x13880  }
0x13: {  	[sflag:s6] =	ssyncset.done $0x0  }
0x14: {  	s11 =	simm.s32 $0x0;
	s10 =	simm.s32 $0x200;
	[sflag:s6] =	ssyncadd.s32 $0xFFFEC780  }
.LBB2_4:
0x15: {  	p0 =	sne.s32 s10, $0x4E000;
	v2 =	vld [tilespmem:s11+$0x0];
	_ =	sdelay $0x3  }
.Ltmp1:
0x16: {  	(pc) =	sbr.rel @p0 .LBB2_4-.Ltmp1, $2  }
0x17: {  	_ =	sdelay $0x2  }
0x18: {  	s11 =	sshra.s32 s10, $0x2;
	s10 =	sadd.s32 $0x200, s10;
	[tilespmem:v2+s7+$0x0] =	vst.idx.add.f32.msk $0xffff, v1  }
0x19: {  	v2 =	vld [tilespmem:s11+$0x0];
	_ =	sdelay $0x5  }
0x1a: {  	s2 =	sadd.s32 $0x1, s2  }
0x1b: {  	p0 =	sne.s32 s2, s5  }
.Ltmp2:
0x1c: {  	[tilespmem:v2+s7+$0x0] =	vst.idx.add.f32.msk $0xffff, v1;
	(pc) =	sbr.rel @p0 .LBB2_1-.Ltmp2, $4  }
0x1d: {  	[hbm4b:s4+s8] =	stream.strided.scatter [tilespmem:s7], [sflag:$0x1], $0x2800, s9, s8, $0x38;
	[tilespmem:$0x16400] =	vst v63  }
0x1e: {  	_ =	swait.ge [sflag:s6], $0x2800  }
0x1f: {  	[sflag:s6] =	ssyncset.done $0x0  }
0x20: {  	[sflag:s6] =	ssyncadd.s32 $0xFFFFD800  }
0x21: {  	_ =	sfence.sel $0x180000  }
0x22: {  	[bflag:$0x0] =	sbarrier.arrive $0xFFFF  }
0x23: {  	p0 =	sne.s32 s0, $0x0;
	_ =	strace $0x90000047  }
0x24: {  	s0 =	sadd.s32 @!p0 $0x100000, s1;
	[bflag:$0x2] =	sbarrier.arrive $0xFFFF  }
0x25: {  	[sflag:s0] =	ssyncadd.tile.s32 @!p0 $0x1;
	_ =	shalt  }
.Lfunc_end2:
_tile_overlayer_lowered:
.L_overlay_start_2:
0x26: {  	(tag) =	ssettag $0x2  }
0x27: {  	s0 =	rddreg [dreg:$0x0];
	s2 =	stileid.u32  }
0x28: {  	s1 =	rddreg [dreg:$0x1];
	p0 =	sne.s32 s2, $0x0  }
0x29: {  	s3 =	rddreg [dreg:$0x2];
	[bflag:$0x3] =	sbarrier.arrive $0xFFFF;
	s2 =	simm.s32 @!p0 $0x1C01  }
0x2a: {  	[timem:s3], [sflag:s2] =	dma.local @!p0 [hbm:s0], s1  }
0x2b: {  	s0 =	simm.s32 @!p0 $0x1  }
0x2c: {  	_ =	swait.ge @!p0 [sflag:s0], s1  }
0x2d: {  	s1 =	ssub.s32 @!p0 $0x0, s1;
	[sflag:s0] =	ssyncset.done @!p0 $0x0  }
0x2e: {  	[sflag:s0] =	ssyncadd.s32 @!p0 s1  }
0x2f: {  	[bflag:$0x3] =	sbarrier.arrive $0xFFFF  }
0x30: {  	_ =	shalt  }

// kernel: kernel.9.cloned.1.call-start
scs
__scs_entry_jumppad:
0x0: {  	(pc) =	sbr.rel $0x88, $3  }
0x1: {  	(tag) =	ssettag $0x0;
	lr =	simm.s32 $0x1  }
0x2: {  	[smem:$0x3F9D] =	sst lr;
	_ =	strace $0xD0000000  }
0x3: {  	_ = 	snop  }
0x4: {  	_ = 	snop  }
0x5: {  	_ = 	snop  }
0x6: {  	_ = 	snop  }
0x7: {  	_ = 	snop  }
__scs_overlays_trampoline_lowered:
0x8: {  	[smem:$0x3FAC] =	sst s0  }
0x9: {  	[smem:$0x3FAD] =	sst s1  }
0xa: {  	[smem:$0x3FAE] =	sst s2  }
0xb: {  	[smem:$0x3FAF] =	sst s3  }
0xc: {  	[smem:$0x3FB0] =	sst s4  }
0xd: {  	[smem:$0x3FB1] =	sst s5  }
0xe: {  	[smem:$0x3FB2] =	sst s6  }
0xf: {  	[smem:$0x3FB3] =	sst s7  }
0x10: {  	[smem:$0x3FB4] =	sst s8  }
0x11: {  	[smem:$0x3FB5] =	sst s9;
	s0 =	simm.s32 @!p0 $0x0  }
0x12: {  	s1 =	sld [smem:$0x3F9B];
	s0 =	simm.s32 @p0 $0x1  }
0x13: {  	[smem:$0x3FB6] =	sst s0;
	s0 =	simm.s32 @!p1 $0x0  }
0x14: {  	s2 =	sld [smem:$0x3F9A];
	s0 =	simm.s32 @p1 $0x1  }
0x15: {  	[smem:$0x3FB7] =	sst s0;
	s0 =	simm.s32 @!p2 $0x0  }
0x16: {  	s3 =	sld [smem:$0x3FDB];
	s0 =	simm.s32 @p2 $0x1  }
0x17: {  	s4 =	simm.s32 $0x1BF5;
	[smem:$0x3FB9] =	sst s0  }
0x18: {  	s0 =	sld [smem:$0x3F9C];
	_ =	swait.ge [sflag:s4], $0x0  }
0x19: {  	s7 =	sld [smem:$0x3F9D]  }
0x1a: {  	s8 =	sadd.s32 $0xFFFFE003, lr  }
0x1b: {  	s9 =	sadd.s32 $0xFFFFFEF7, lr;
	s5 =	simm.s32 $0xFFFFFFFF;
	p2 =	slt.u32 s8, $0xFFFFF086  }
0x1c: {  	p1 =	slt.u32 s9, $0xF7A;
	s5 =	simm.s32 @!p2 $0x0  }
0x1d: {  	s5 =	simm.s32 @p1 $0x1;
	p0 =	seq.s32 s7, s2  }
0x1e: {  	s7 =	smul.u32 @!p0 $0xF7A, s2;
	p2 =	seq.s32 @!p0 s5, $0x0  }
0x1f: {  	s9 =	smul.u32 $0xF7A, s1;
	s8 =	simm.s32 @!p0 $0x1BF5;
	p2 =	por !p2, p0  }
0x20: {  	[sflag:s8] =	ssyncset.s32 @!p0 $0xFFFFF086;
	s6 =	sadd.s32 @!p0 s3, s7;
	s7 =	simm.s32 @!p0 $0x108  }
0x21: {  	s3 =	sadd.s32 s3, s9;
	s6 =	sadd.s32 @!p0 $0x88, s6;
	s7 =	simm.s32 @p2 $0x1082  }
0x22: {  	[simem:s7], [sflag:s8] =	dma.local @!p0 [hbm:s6], $0xF7A  }
0x23: {  	s9 =	sor.u32 $0xD0000000, s2;
	s6 =	simm.s32 $0x108;
	_ =	swait.ge @!p0 [sflag:s8], $0x0  }
0x24: {  	s3 =	sadd.s32 $0x88, s3;
	s6 =	simm.s32 @!p1 $0x1082;
	[sflag:s4] =	ssyncset.s32 $0xFFFFF086  }
0x25: {  	[simem:s6], [sflag:s4] =	dma.local [hbm:s3], $0xF7A  }
0x26: {  	[smem:$0x3F9D] =	sst s1;
	(tag) =	ssettag s2;
	_ =	strace s9  }
0x27: {  	s1 =	sld [smem:$0x3FAD]  }
0x28: {  	s2 =	sld [smem:$0x3FAE]  }
0x29: {  	s4 =	sld [smem:$0x3FB0]  }
0x2a: {  	p0 =	seq.s32 s5, $0x0;
	s5 =	sld [smem:$0x3FB1]  }
0x2b: {  	s6 =	sld [smem:$0x3FB2]  }
0x2c: {  	s7 =	sld [smem:$0x3FB3]  }
0x2d: {  	s3 =	simm.s32 $0x108;
	s8 =	sld [smem:$0x3FB4]  }
0x2e: {  	s3 =	simm.s32 @!p0 $0x1082;
	s9 =	sld [smem:$0x3FB5]  }
0x2f: {  	lr =	sadd.s32 s0, s3;
	s0 =	sld [smem:$0x3FAC]  }
0x30: {  	s3 =	sld [smem:$0x3FAF]  }
0x31: {  	[smem:$0x3FB8] =	sst s10  }
0x32: {  	s10 =	sld [smem:$0x3FB6];
	_ =	sdelay $0x3  }
0x33: {  	p0 =	seq.s32 s10, $0x1;
	s10 =	sld [smem:$0x3FB8];
	_ =	sdelay $0x3  }
0x34: {  	[smem:$0x3FB8] =	sst s10  }
0x35: {  	s10 =	sld [smem:$0x3FB7];
	_ =	sdelay $0x3  }
0x36: {  	p1 =	seq.s32 s10, $0x1;
	s10 =	sld [smem:$0x3FB8];
	_ =	sdelay $0x3  }
0x37: {  	[smem:$0x3FB8] =	sst s10  }
0x38: {  	s10 =	sld [smem:$0x3FB9]  }
0x39: {  	_ = 	snop;
	(pc) =	sbr.ind lr, $3  }
0x3a: {  	_ = 	snop  }
0x3b: {  	_ = 	snop  }
0x3c: {  	p2 =	seq.s32 s10, $0x1;
	s10 =	sld [smem:$0x3FB8]  }
0x3d: {  	_ =	shalt  }
0x3e: {  	_ =	shalt  }
0x3f: {  	_ =	shalt  }
0x40: {  	_ =	shalt  }
0x41: {  	_ =	shalt  }
0x42: {  	_ =	shalt  }
0x43: {  	_ =	shalt  }
0x44: {  	_ =	shalt  }
0x45: {  	_ =	shalt  }
0x46: {  	_ =	shalt  }
0x47: {  	_ =	shalt  }
0x48: {  	_ =	shalt  }
0x49: {  	_ =	shalt  }
0x4a: {  	_ =	shalt  }
0x4b: {  	_ =	shalt  }
0x4c: {  	_ =	shalt  }
0x4d: {  	_ =	shalt  }
0x4e: {  	_ =	shalt  }
0x4f: {  	_ =	shalt  }
0x50: {  	_ =	shalt  }
0x51: {  	_ =	shalt  }
0x52: {  	_ =	shalt  }
0x53: {  	_ =	shalt  }
0x54: {  	_ =	shalt  }
0x55: {  	_ =	shalt  }
0x56: {  	_ =	shalt  }
0x57: {  	_ =	shalt  }
0x58: {  	_ =	shalt  }
0x59: {  	_ =	shalt  }
0x5a: {  	_ =	shalt  }
0x5b: {  	_ =	shalt  }
0x5c: {  	_ =	shalt  }
0x5d: {  	_ =	shalt  }
0x5e: {  	_ =	shalt  }
0x5f: {  	_ =	shalt  }
0x60: {  	_ =	shalt  }
0x61: {  	_ =	shalt  }
0x62: {  	_ =	shalt  }
0x63: {  	_ =	shalt  }
0x64: {  	_ =	shalt  }
0x65: {  	_ =	shalt  }
0x66: {  	_ =	shalt  }
0x67: {  	_ =	shalt  }
0x68: {  	_ =	shalt  }
0x69: {  	_ =	shalt  }
0x6a: {  	_ =	shalt  }
0x6b: {  	_ =	shalt  }
0x6c: {  	_ =	shalt  }
0x6d: {  	_ =	shalt  }
0x6e: {  	_ =	shalt  }
0x6f: {  	_ =	shalt  }
0x70: {  	_ =	shalt  }
0x71: {  	_ =	shalt  }
0x72: {  	_ =	shalt  }
0x73: {  	_ =	shalt  }
0x74: {  	_ =	shalt  }
0x75: {  	_ =	shalt  }
0x76: {  	_ =	shalt  }
0x77: {  	_ =	shalt  }
0x78: {  	_ =	shalt  }
0x79: {  	_ =	shalt  }
0x7a: {  	_ =	shalt  }
0x7b: {  	_ =	shalt  }
0x7c: {  	_ =	shalt  }
0x7d: {  	_ =	shalt  }
0x7e: {  	_ =	shalt  }
0x7f: {  	_ =	shalt  }
0x80: {  	_ =	shalt  }
0x81: {  	_ =	shalt  }
0x82: {  	_ =	shalt  }
0x83: {  	_ =	shalt  }
0x84: {  	_ =	shalt  }
0x85: {  	_ =	shalt  }
0x86: {  	_ =	shalt  }
0x87: {  	_ =	shalt  }
.Lfunc_end0:
.L_simem_size_0:
called_computation.1_lowered:
.L_overlay_start_0:
0x88: {  	s2 =	sld [smem:$0x3FD9]  }
0x89: {  	s3 =	sld [smem:$0x3FFE];
	_ =	sdelay $0x1  }
0x8a: {  	s1 =	srdreg.scid  }
0x8b: {  	s0 =	sand.u32 $0x1, s1  }
0x8c: {  	s17 =	sshll.u32 s0, $0xA;
	s2 =	sadd.s32 s3, s2  }
0x8d: {  	s2 =	sadd.s32 s2, s17  }
0x8e: {  	[smem:$0x3FC4] =	sst s2  }
0x8f: {  	_ = 	snop  }
0x90: {  	s2 =	sld [smem:$0x3FD0];
	(tm) =	ssettm $0x1  }
0x91: {  	s18 =	sld [smem:$0x3FFB];
	_ =	sdelay $0x3  }
0x92: {  	_ =	strace s18  }
0x93: {  	s3 =	sld [smem:$0x3FFC];
	_ =	sdelay $0x3  }
0x94: {  	_ =	strace s3  }
0x95: {  	s3 =	sld [smem:$0x3FFD];
	_ =	sdelay $0x3  }
0x96: {  	_ =	strace s3  }
0x97: {  	_ =	strace $0x8FFFFFFF  }
0x98: {  	s19 =	sld [smem:$0x3FDB];
	_ =	sdelay $0x1  }
0x99: {  	s4 =	simm.s32 $_scs_section_size  }
0x9a: {  	s5 =	simm.s32 $_size__tile_overlayer_lowered;
	s6 =	simm.s32 $_tile_overlayer_lowered  }
0x9b: {  	s22 =	simm.s32 $0x1BFF;
	s21 =	sshll.u32 s6, $0x1;
	s3 =	sadd.s32 s4, s19  }
0x9c: {  	s7 =	simm.s32 $0x0;
	s20 =	sshll.u32 s5, $0x1;
	s5 =	sadd.s32 s21, s3  }
0x9d: {  	[timem:s7], [sflag:s22] =	dma.local [hbm:s5], s20  }
0x9e: {  	_ =	swait.ge [sflag:s22], s20  }
0x9f: {  	s4 =	ssub.s32 $0x0, s20;
	[sflag:s22] =	ssyncset.done $0x0  }
0xa0: {  	[sflag:s22] =	ssyncadd.s32 s4;
	_ =	sdelay $0x1  }
0xa1: {  	s23 =	simm.s32 $0x1B8B  }
0xa2: {  	_ =	swait.ge [sflag:s23], $0x1  }
0xa3: {  	[sflag:s23] =	ssyncset.done $0x0  }
0xa4: {  	s25 =	simm.s32 $0x1B8E;
	s24 =	sld [smem:$0x3FFE];
	[sflag:s23] =	ssyncadd.s32 $0xFFFFFFFF  }
0xa5: {  	s26 =	simm.s32 $execute0_lowered;
	[smem:$0x3FD2] =	sst s25  }
0xa6: {  	s5 =	sshll.u32 s26, $0x1;
	_ =	strace $0x80000049;
	[dreg:$0x1] =	wrdreg $0xFFFFFFFF  }
0xa7: {  	s28 =	simm.s32 $_size_execute0_lowered;
	s3 =	sadd.s32 s3, s5;
	[dreg:$0x0] =	wrdreg $0x0  }
0xa8: {  	s5 =	sshll.u32 s28, $0x1;
	[dreg:$0x2] =	wrdreg s3  }
0xa9: {  	[dreg:$0x3] =	wrdreg s5  }
0xaa: {  	[dreg:$0x4] =	wrdreg $0xC0  }
0xab: {  	_ =	task [dreg:s7], $0x5FFFF  }
0xac: {  	[dreg:$0x1] =	wrdreg $0xFFFFFFFF  }
0xad: {  	[dreg:$0x0] =	wrdreg $0x60  }
0xae: {  	[dreg:$0x2] =	wrdreg s2  }
0xaf: {  	[dreg:$0x3] =	wrdreg s24  }
0xb0: {  	[dreg:$0x4] =	wrdreg $0xA0000  }
0xb1: {  	[dreg:$0x5] =	wrdreg $0x9  }
0xb2: {  	_ =	task.clear_ibuf [dreg:s7], $0x6FFFF;
	_ =	strace $0x90000049  }
0xb3: {  	s29 =	simm.s32 $0x9;
	_ =	strace $0x8000004B  }
0xb4: {  	_ =	swait.ge [sflag:s29], $0x1  }
0xb5: {  	[sflag:s29] =	ssyncadd.s32 $0xFFFFFFFF  }
0xb6: {  	_ =	strace $0x9000004B  }
0xb7: {  	_ =	sfence  }
0xb8: {  	s30 =	sld [smem:$0x0];
	_ =	sdelay $0x2  }
0xb9: {  	s31 =	sshll.u32 s1, $0xD;
	s1 =	sshrl.u32 s1, $0x2  }
0xba: {  	s3 =	sand.u32 $0x4000, s31;
	s1 =	sadd.s32 s1, s30  }
0xbb: {  	s0 =	sor.u32 s3, s0;
	s1 =	sshll.u32 s1, $0x11  }
0xbc: {  	s0 =	sor.u32 s1, s0  }
0xbd: {  	s0 =	sadd.s32 $0x8F2B, s0  }
0xbe: {  	[sflag:s0] =	ssyncadd.remote.s32 $0x1  }
0xbf: {  	_ =	sfence.sel $0xFFFF  }
0xc0: {  	[dreg:$0x0] =	wrdreg $0xFFFFFFFF;
	(pc) =	sbr.abs _section_cstart, $3  }
0xc1: {  	[dreg:$0x1] =	wrdreg $0xFFFFFFFF  }
0xc2: {  	_ =	task.clear_ibuf [dreg:s7], $0x2FFFF;
	_ =	strace $0x9FFFFFFF  }
0xc3: {  	(tm) =	ssettm $0x7FFFFFFF  }
tec
execute0_lowered:
.L_overlay_start_1:
0x0: {  	(tag) =	ssettag $0x1  }
0x1: {  	s1 =	rddreg [dreg:$0x0]  }
0x2: {  	s2 =	srdreg.scid;
	s5 =	rddreg [dreg:$0x1]  }
0x3: {  	s0 =	stileid.u32;
	s3 =	rddreg [dreg:$0x2];
	s4 =	simm.s32 $0x0  }
0x4: {  	s14 =	simm.s32 $0x3800;
	s15 =	simm.s32 $0x6C00;
	s16 =	simm.s32 $0x1  }
0x5: {  	s17 =	simm.s32 $0x3;
	s18 =	simm.s32 $0x2;
	s19 =	simm.s32 $0x4  }
0x6: {  	s6 =	sand.u32 $0x1, s2;
	s2 =	rddreg [dreg:$0x3];
	s22 =	smul.u32 $0x2800, s0  }
0x7: {  	s26 =	sshll.u32 s0, $0x1;
	[smem:$0x7FF] =	sst s4;
	s28 =	smul.u32 $0x50000, s0  }
0x8: {  	s31 =	sshll.u32 s0, $0x6;
	s7 =	sor.u32 s6, s26;
	s8 =	smul.u32 $0x28000, s6  }
0x9: {  	_ =	strace $0x8000004A;
	s6 =	ssub.s32 $0x2, s6;
	s7 =	smul.u32 $0x700, s7  }
0xa: {  	s10 =	sadd.s32 s22, s5;
	s29 =	sshrl.u32 s6, $0x1;
	s30 =	sshrl.u32 s28, $0x2  }
0xb: {  	s11 =	sadd.s32 s8, s5;
	s12 =	ssub.s32 s6, s29;
	s13 =	sadd.s32 s30, s3  }
0xc: {  	s6 =	sor.u32 $0x1C05, s31;
	s9 =	sadd.s32 s7, s5;
	s5 =	sadd.s32 $0x1200, s10  }
0xd: {  	s23 =	sadd.s32 $0x6C200, s11;
	s10 =	sshrl.u32 s13, $0x3;
	s11 =	simm.s32 $0x5  }
0xe: {  	s13 =	simm.s32 $0x64;
	s7 =	sadd.s32 $0x5E200, s9;
	s8 =	sadd.s32 $0x50200, s9  }
0xf: {  	s9 =	smax.u32 s12, $0x1;
	s12 =	simm.s32 $0x1C00;
	s22 =	sadd.s32 s22, s23  }
0x10: {  	s23 =	simm.s32 $0x0;
	s20 =	sadd.s32 $0x380, s7;
	s21 =	sadd.s32 $0x380, s8  }
.LBB2_1:
0x11: {  	[spmem:s10], [sflag:s6] =	dma.local [hbm:s5], $0x2800  }
0x12: {  	_ =	swait.ge [sflag:s11], $0x2800  }
0x13: {  	[sflag:s11] =	ssyncset.done $0x0  }
0x14: {  	[sflag:s11] =	ssyncadd.s32 $0xFFFFD800  }
0x15: {  	[bflag:$0x0] =	sbarrier.arrive $0xFFFF  }
0x16: {  	[tilespmem:s4], [sflag:$0x5] =	stream.linear.gather [hbm4b:s7+s4], $0x1900, $0x38;
	[tilespmem:$0x1E000] =	vst v63  }
0x17: {  	_ =	swait.ge [sflag:s11], $0x1900  }
0x18: {  	[sflag:s11] =	ssyncset.done $0x0  }
0x19: {  	[sflag:s11] =	ssyncadd.s32 $0xFFFFE700  }
0x1a: {  	[tilespmem:s12], [sflag:$0x5] =	stream.linear.gather [hbm4b:s8+s4], $0x1900, $0x38;
	[tilespmem:$0x1E000] =	vst v63  }
0x1b: {  	_ =	swait.ge [sflag:s11], $0x1900  }
0x1c: {  	[sflag:s11] =	ssyncset.done $0x0  }
0x1d: {  	s24 =	simm.s32 $0x0;
	[sflag:s11] =	ssyncadd.s32 $0xFFFFE700  }
0x1e: {  	[tilespmem:s14], [sflag:$0x1] =	stream.indirect.gather [hbm4b:s1+s13], $0x80, s24, s13, $0xb8;
	[tilespmem:$0x1E000] =	vst v63  }
0x1f: {  	s26 =	simm.s32 $0x80  }
0x20: {  	[tilespmem:s15], [sflag:$0x2] =	stream.indirect.gather [hbm4b:s1+s13], $0x80, s26, s13, $0xb8;
	[tilespmem:$0x1E000] =	vst v63  }
0x21: {  	_ =	swait.ge [sflag:s16], $0x3200  }
0x22: {  	[sflag:s16] =	ssyncset.done $0x0  }
0x23: {  	s29 =	simm.s32 $0x1C00;
	[sflag:s16] =	ssyncadd.s32 $0xFFFFCE00  }
0x24: {  	[spmem:s3] =	stream.indirect.scatter.add.f32 [tilespmem:s14], [sflag:$0x3], $0x80, s29, s13, $0xb8;
	[tilespmem:$0x1E000] =	vst v63  }
0x25: {  	_ =	swait.ge [sflag:s17], $0x3200  }
0x26: {  	[sflag:s17] =	ssyncset.done $0x0  }
0x27: {  	s30 =	simm.s32 $0x100;
	[sflag:s17] =	ssyncadd.s32 $0xFFFFCE00  }
0x28: {  	[tilespmem:s14], [sflag:$0x1] =	stream.indirect.gather [hbm4b:s1+s13], $0x80, s30, s13, $0xb8;
	[tilespmem:$0x1E000] =	vst v63  }
0x29: {  	_ =	swait.ge [sflag:s18], $0x3200  }
0x2a: {  	[sflag:s18] =	ssyncset.done $0x0  }
0x2b: {  	s31 =	simm.s32 $0x1C80;
	[sflag:s18] =	ssyncadd.s32 $0xFFFFCE00  }
0x2c: {  	[spmem:s3] =	stream.indirect.scatter.add.f32 [tilespmem:s15], [sflag:$0x4], $0x80, s31, s13, $0xb8;
	[tilespmem:$0x1E000] =	vst v63  }
0x2d: {  	_ =	swait.ge [sflag:s19], $0x3200  }
0x2e: {  	[sflag:s19] =	ssyncset.done $0x0  }
0x2f: {  	s25 =	simm.s32 $0x180;
	[sflag:s19] =	ssyncadd.s32 $0xFFFFCE00  }
0x30: {  	[tilespmem:s15], [sflag:$0x2] =	stream.indirect.gather [hbm4b:s1+s13], $0x80, s25, s13, $0xb8;
	[tilespmem:$0x1E000] =	vst v63  }
0x31: {  	_ =	swait.ge [sflag:s16], $0x3200  }
0x32: {  	[sflag:s16] =	ssyncset.done $0x0  }
0x33: {  	s26 =	simm.s32 $0x1D00;
	[sflag:s16] =	ssyncadd.s32 $0xFFFFCE00  }
0x34: {  	[spmem:s3] =	stream.indirect.scatter.add.f32 [tilespmem:s14], [sflag:$0x3], $0x80, s26, s13, $0xb8;
	[tilespmem:$0x1E000] =	vst v63  }
0x35: {  	_ =	swait.ge [sflag:s17], $0x3200  }
0x36: {  	[sflag:s17] =	ssyncset.done $0x0  }
0x37: {  	s29 =	simm.s32 $0x200;
	[sflag:s17] =	ssyncadd.s32 $0xFFFFCE00  }
0x38: {  	[tilespmem:s14], [sflag:$0x1] =	stream.indirect.gather [hbm4b:s1+s13], $0x80, s29, s13, $0xb8;
	[tilespmem:$0x1E000] =	vst v63  }
0x39: {  	_ =	swait.ge [sflag:s18], $0x3200  }
0x3a: {  	[sflag:s18] =	ssyncset.done $0x0  }
0x3b: {  	s30 =	simm.s32 $0x1D80;
	[sflag:s18] =	ssyncadd.s32 $0xFFFFCE00  }
0x3c: {  	[spmem:s3] =	stream.indirect.scatter.add.f32 [tilespmem:s15], [sflag:$0x4], $0x80, s30, s13, $0xb8;
	[tilespmem:$0x1E000] =	vst v63  }
0x3d: {  	_ =	swait.ge [sflag:s19], $0x3200  }
0x3e: {  	[sflag:s19] =	ssyncset.done $0x0  }
0x3f: {  	s31 =	simm.s32 $0x280;
	[sflag:s19] =	ssyncadd.s32 $0xFFFFCE00  }
0x40: {  	[tilespmem:s15], [sflag:$0x2] =	stream.indirect.gather [hbm4b:s1+s13], $0x80, s31, s13, $0xb8;
	[tilespmem:$0x1E000] =	vst v63  }
0x41: {  	_ =	swait.ge [sflag:s16], $0x3200  }
0x42: {  	[sflag:s16] =	ssyncset.done $0x0  }
0x43: {  	s25 =	simm.s32 $0x1E00;
	[sflag:s16] =	ssyncadd.s32 $0xFFFFCE00  }
0x44: {  	[spmem:s3] =	stream.indirect.scatter.add.f32 [tilespmem:s14], [sflag:$0x3], $0x80, s25, s13, $0xb8;
	[tilespmem:$0x1E000] =	vst v63  }
0x45: {  	_ =	swait.ge [sflag:s17], $0x3200  }
0x46: {  	[sflag:s17] =	ssyncset.done $0x0  }
0x47: {  	s26 =	simm.s32 $0x300;
	[sflag:s17] =	ssyncadd.s32 $0xFFFFCE00  }
0x48: {  	[tilespmem:s14], [sflag:$0x1] =	stream.indirect.gather [hbm4b:s1+s13], $0x80, s26, s13, $0xb8;
	[tilespmem:$0x1E000] =	vst v63  }
0x49: {  	_ =	swait.ge [sflag:s18], $0x3200  }
0x4a: {  	[sflag:s18] =	ssyncset.done $0x0  }
0x4b: {  	s29 =	simm.s32 $0x1E80;
	[sflag:s18] =	ssyncadd.s32 $0xFFFFCE00  }
0x4c: {  	[spmem:s3] =	stream.indirect.scatter.add.f32 [tilespmem:s15], [sflag:$0x4], $0x80, s29, s13, $0xb8;
	[tilespmem:$0x1E000] =	vst v63  }
0x4d: {  	_ =	swait.ge [sflag:s19], $0x3200  }
0x4e: {  	[sflag:s19] =	ssyncset.done $0x0  }
0x4f: {  	s30 =	simm.s32 $0x380;
	[sflag:s19] =	ssyncadd.s32 $0xFFFFCE00  }
0x50: {  	[tilespmem:s15], [sflag:$0x2] =	stream.indirect.gather [hbm4b:s1+s13], $0x80, s30, s13, $0xb8;
	[tilespmem:$0x1E000] =	vst v63  }
0x51: {  	_ =	swait.ge [sflag:s16], $0x3200  }
0x52: {  	[sflag:s16] =	ssyncset.done $0x0  }
0x53: {  	s31 =	simm.s32 $0x1F00;
	[sflag:s16] =	ssyncadd.s32 $0xFFFFCE00  }
0x54: {  	[spmem:s3] =	stream.indirect.scatter.add.f32 [tilespmem:s14], [sflag:$0x3], $0x80, s31, s13, $0xb8;
	[tilespmem:$0x1E000] =	vst v63  }
0x55: {  	_ =	swait.ge [sflag:s17], $0x3200  }
0x56: {  	[sflag:s17] =	ssyncset.done $0x0  }
0x57: {  	s25 =	simm.s32 $0x400;
	[sflag:s17] =	ssyncadd.s32 $0xFFFFCE00  }
0x58: {  	[tilespmem:s14], [sflag:$0x1] =	stream.indirect.gather [hbm4b:s1+s13], $0x80, s25, s13, $0xb8;
	[tilespmem:$0x1E000] =	vst v63  }
0x59: {  	_ =	swait.ge [sflag:s18], $0x3200  }
0x5a: {  	[sflag:s18] =	ssyncset.done $0x0  }
0x5b: {  	s26 =	simm.s32 $0x1F80;
	[sflag:s18] =	ssyncadd.s32 $0xFFFFCE00  }
0x5c: {  	[spmem:s3] =	stream.indirect.scatter.add.f32 [tilespmem:s15], [sflag:$0x4], $0x80, s26, s13, $0xb8;
	[tilespmem:$0x1E000] =	vst v63  }
0x5d: {  	_ =	swait.ge [sflag:s19], $0x3200  }
0x5e: {  	[sflag:s19] =	ssyncset.done $0x0  }
0x5f: {  	s29 =	simm.s32 $0x480;
	[sflag:s19] =	ssyncadd.s32 $0xFFFFCE00  }
0x60: {  	[tilespmem:s15], [sflag:$0x2] =	stream.indirect.gather [hbm4b:s1+s13], $0x80, s29, s13, $0xb8;
	[tilespmem:$0x1E000] =	vst v63  }
0x61: {  	_ =	swait.ge [sflag:s16], $0x3200  }
0x62: {  	[sflag:s16] =	ssyncset.done $0x0  }
0x63: {  	s30 =	simm.s32 $0x2000;
	[sflag:s16] =	ssyncadd.s32 $0xFFFFCE00  }
0x64: {  	[spmem:s3] =	stream.indirect.scatter.add.f32 [tilespmem:s14], [sflag:$0x3], $0x80, s30, s13, $0xb8;
	[tilespmem:$0x1E000] =	vst v63  }
0x65: {  	_ =	swait.ge [sflag:s18], $0x3200  }
0x66: {  	[sflag:s18] =	ssyncset.done $0x0  }
0x67: {  	s31 =	simm.s32 $0x2080;
	[sflag:s18] =	ssyncadd.s32 $0xFFFFCE00  }
0x68: {  	[spmem:s3] =	stream.indirect.scatter.add.f32 [tilespmem:s15], [sflag:$0x4], $0x80, s31, s13, $0xb8;
	[tilespmem:$0x1E000] =	vst v63  }
0x69: {  	_ =	swait.ge [sflag:s17], $0x3200  }
0x6a: {  	[sflag:s17] =	ssyncset.done $0x0  }
0x6b: {  	[sflag:s17] =	ssyncadd.s32 $0xFFFFCE00  }
0x6c: {  	_ =	swait.ge [sflag:s19], $0x3200  }
0x6d: {  	s28 =	simm.s32 $0x2800;
	s24 =	simm.s32 $0x1400;
	[sflag:s19] =	ssyncset.done $0x0  }
.LBB2_2:
0x6e: {  	s26 =	sshra.s32 s24, $0x2  }
0x6f: {  	[sflag:s19] =	ssyncadd.s32 $0xFFFFCE00;
	s24 =	smov.u32 s28;
	s25 =	sadd.s32 $0x1400, s28  }
0x70: {  	[tilespmem:s14], [sflag:$0x1] =	stream.indirect.gather [hbm4b:s1+s13], $0x80, s26, s13, $0xb8;
	[tilespmem:$0x1E000] =	vst v63  }
0x71: {  	p0 =	sne.s32 s28, $0x5000;
	s28 =	sadd.s32 $0x80, s26  }
0x72: {  	[tilespmem:s15], [sflag:$0x2] =	stream.indirect.gather [hbm4b:s1+s13], $0x80, s28, s13, $0xb8;
	[tilespmem:$0x1E000] =	vst v63  }
0x73: {  	_ =	swait.ge [sflag:s16], $0x3200  }
0x74: {  	[sflag:s16] =	ssyncset.done $0x0  }
0x75: {  	s28 =	sadd.s32 $0x1C00, s26;
	[sflag:s16] =	ssyncadd.s32 $0xFFFFCE00  }
0x76: {  	[spmem:s3] =	stream.indirect.scatter.add.f32 [tilespmem:s14], [sflag:$0x3], $0x80, s28, s13, $0xb8;
	[tilespmem:$0x1E000] =	vst v63  }
0x77: {  	_ =	swait.ge [sflag:s17], $0x3200  }
0x78: {  	[sflag:s17] =	ssyncset.done $0x0  }
0x79: {  	s28 =	sadd.s32 $0x100, s26;
	[sflag:s17] =	ssyncadd.s32 $0xFFFFCE00  }
0x7a: {  	[tilespmem:s14], [sflag:$0x1] =	stream.indirect.gather [hbm4b:s1+s13], $0x80, s28, s13, $0xb8;
	[tilespmem:$0x1E000] =	vst v63  }
0x7b: {  	_ =	swait.ge [sflag:s18], $0x3200  }
0x7c: {  	[sflag:s18] =	ssyncset.done $0x0  }
0x7d: {  	s28 =	sadd.s32 $0x1C80, s26;
	[sflag:s18] =	ssyncadd.s32 $0xFFFFCE00  }
0x7e: {  	[spmem:s3] =	stream.indirect.scatter.add.f32 [tilespmem:s15], [sflag:$0x4], $0x80, s28, s13, $0xb8;
	[tilespmem:$0x1E000] =	vst v63  }
0x7f: {  	_ =	swait.ge [sflag:s19], $0x3200  }
0x80: {  	[sflag:s19] =	ssyncset.done $0x0  }
0x81: {  	s28 =	sadd.s32 $0x180, s26;
	[sflag:s19] =	ssyncadd.s32 $0xFFFFCE00  }
0x82: {  	[tilespmem:s15], [sflag:$0x2] =	stream.indirect.gather [hbm4b:s1+s13], $0x80, s28, s13, $0xb8;
	[tilespmem:$0x1E000] =	vst v63  }
0x83: {  	_ =	swait.ge [sflag:s16], $0x3200  }
0x84: {  	[sflag:s16] =	ssyncset.done $0x0  }
0x85: {  	s28 =	sadd.s32 $0x1D00, s26;
	[sflag:s16] =	ssyncadd.s32 $0xFFFFCE00  }
0x86: {  	[spmem:s3] =	stream.indirect.scatter.add.f32 [tilespmem:s14], [sflag:$0x3], $0x80, s28, s13, $0xb8;
	[tilespmem:$0x1E000] =	vst v63  }
0x87: {  	_ =	swait.ge [sflag:s17], $0x3200  }
0x88: {  	[sflag:s17] =	ssyncset.done $0x0  }
0x89: {  	s28 =	sadd.s32 $0x200, s26;
	[sflag:s17] =	ssyncadd.s32 $0xFFFFCE00  }
0x8a: {  	[tilespmem:s14], [sflag:$0x1] =	stream.indirect.gather [hbm4b:s1+s13], $0x80, s28, s13, $0xb8;
	[tilespmem:$0x1E000] =	vst v63  }
0x8b: {  	_ =	swait.ge [sflag:s18], $0x3200  }
0x8c: {  	[sflag:s18] =	ssyncset.done $0x0  }
0x8d: {  	s28 =	sadd.s32 $0x1D80, s26;
	[sflag:s18] =	ssyncadd.s32 $0xFFFFCE00  }
0x8e: {  	[spmem:s3] =	stream.indirect.scatter.add.f32 [tilespmem:s15], [sflag:$0x4], $0x80, s28, s13, $0xb8;
	[tilespmem:$0x1E000] =	vst v63  }
0x8f: {  	_ =	swait.ge [sflag:s19], $0x3200  }
0x90: {  	[sflag:s19] =	ssyncset.done $0x0  }
0x91: {  	s28 =	sadd.s32 $0x280, s26;
	[sflag:s19] =	ssyncadd.s32 $0xFFFFCE00  }
0x92: {  	[tilespmem:s15], [sflag:$0x2] =	stream.indirect.gather [hbm4b:s1+s13], $0x80, s28, s13, $0xb8;
	[tilespmem:$0x1E000] =	vst v63  }
0x93: {  	_ =	swait.ge [sflag:s16], $0x3200  }
0x94: {  	[sflag:s16] =	ssyncset.done $0x0  }
0x95: {  	s28 =	sadd.s32 $0x1E00, s26;
	[sflag:s16] =	ssyncadd.s32 $0xFFFFCE00  }
0x96: {  	[spmem:s3] =	stream.indirect.scatter.add.f32 [tilespmem:s14], [sflag:$0x3], $0x80, s28, s13, $0xb8;
	[tilespmem:$0x1E000] =	vst v63  }
0x97: {  	_ =	swait.ge [sflag:s17], $0x3200  }
0x98: {  	[sflag:s17] =	ssyncset.done $0x0  }
0x99: {  	s28 =	sadd.s32 $0x300, s26;
	[sflag:s17] =	ssyncadd.s32 $0xFFFFCE00  }
0x9a: {  	[tilespmem:s14], [sflag:$0x1] =	stream.indirect.gather [hbm4b:s1+s13], $0x80, s28, s13, $0xb8;
	[tilespmem:$0x1E000] =	vst v63  }
0x9b: {  	_ =	swait.ge [sflag:s18], $0x3200  }
0x9c: {  	[sflag:s18] =	ssyncset.done $0x0  }
0x9d: {  	s28 =	sadd.s32 $0x1E80, s26;
	[sflag:s18] =	ssyncadd.s32 $0xFFFFCE00  }
0x9e: {  	[spmem:s3] =	stream.indirect.scatter.add.f32 [tilespmem:s15], [sflag:$0x4], $0x80, s28, s13, $0xb8;
	[tilespmem:$0x1E000] =	vst v63  }
0x9f: {  	_ =	swait.ge [sflag:s19], $0x3200  }
0xa0: {  	[sflag:s19] =	ssyncset.done $0x0  }
0xa1: {  	s28 =	sadd.s32 $0x380, s26;
	[sflag:s19] =	ssyncadd.s32 $0xFFFFCE00  }
0xa2: {  	[tilespmem:s15], [sflag:$0x2] =	stream.indirect.gather [hbm4b:s1+s13], $0x80, s28, s13, $0xb8;
	[tilespmem:$0x1E000] =	vst v63  }
0xa3: {  	_ =	swait.ge [sflag:s16], $0x3200  }
0xa4: {  	[sflag:s16] =	ssyncset.done $0x0  }
0xa5: {  	s28 =	sadd.s32 $0x1F00, s26;
	[sflag:s16] =	ssyncadd.s32 $0xFFFFCE00  }
0xa6: {  	[spmem:s3] =	stream.indirect.scatter.add.f32 [tilespmem:s14], [sflag:$0x3], $0x80, s28, s13, $0xb8;
	[tilespmem:$0x1E000] =	vst v63  }
0xa7: {  	_ =	swait.ge [sflag:s17], $0x3200  }
0xa8: {  	[sflag:s17] =	ssyncset.done $0x0  }
0xa9: {  	s28 =	sadd.s32 $0x400, s26;
	[sflag:s17] =	ssyncadd.s32 $0xFFFFCE00  }
0xaa: {  	[tilespmem:s14], [sflag:$0x1] =	stream.indirect.gather [hbm4b:s1+s13], $0x80, s28, s13, $0xb8;
	[tilespmem:$0x1E000] =	vst v63  }
0xab: {  	_ =	swait.ge [sflag:s18], $0x3200  }
0xac: {  	[sflag:s18] =	ssyncset.done $0x0  }
0xad: {  	s28 =	sadd.s32 $0x1F80, s26;
	[sflag:s18] =	ssyncadd.s32 $0xFFFFCE00  }
0xae: {  	[spmem:s3] =	stream.indirect.scatter.add.f32 [tilespmem:s15], [sflag:$0x4], $0x80, s28, s13, $0xb8;
	[tilespmem:$0x1E000] =	vst v63  }
0xaf: {  	_ =	swait.ge [sflag:s19], $0x3200  }
0xb0: {  	[sflag:s19] =	ssyncset.done $0x0  }
0xb1: {  	s28 =	sadd.s32 $0x480, s26;
	[sflag:s19] =	ssyncadd.s32 $0xFFFFCE00  }
0xb2: {  	[tilespmem:s15], [sflag:$0x2] =	stream.indirect.gather [hbm4b:s1+s13], $0x80, s28, s13, $0xb8;
	[tilespmem:$0x1E000] =	vst v63  }
0xb3: {  	_ =	swait.ge [sflag:s16], $0x3200  }
0xb4: {  	[sflag:s16] =	ssyncset.done $0x0  }
0xb5: {  	s28 =	sadd.s32 $0x2000, s26;
	[sflag:s16] =	ssyncadd.s32 $0xFFFFCE00  }
0xb6: {  	[spmem:s3] =	stream.indirect.scatter.add.f32 [tilespmem:s14], [sflag:$0x3], $0x80, s28, s13, $0xb8;
	[tilespmem:$0x1E000] =	vst v63  }
0xb7: {  	_ =	swait.ge [sflag:s18], $0x3200  }
0xb8: {  	[sflag:s18] =	ssyncset.done $0x0  }
0xb9: {  	s26 =	sadd.s32 $0x2080, s26;
	[sflag:s18] =	ssyncadd.s32 $0xFFFFCE00  }
0xba: {  	[spmem:s3] =	stream.indirect.scatter.add.f32 [tilespmem:s15], [sflag:$0x4], $0x80, s26, s13, $0xb8;
	[tilespmem:$0x1E000] =	vst v63  }
.Ltmp0:
0xbb: {  	_ =	swait.ge [sflag:s17], $0x3200;
	(pc) =	sbr.rel @p0 .LBB2_2-.Ltmp0, $4  }
0xbc: {  	[sflag:s17] =	ssyncset.done $0x0  }
0xbd: {  	[sflag:s17] =	ssyncadd.s32 $0xFFFFCE00  }
0xbe: {  	_ =	swait.ge [sflag:s19], $0x3200  }
0xbf: {  	s28 =	smov.u32 s25;
	[sflag:s19] =	ssyncset.done $0x0  }
0xc0: {  	s24 =	sshra.s32 s24, $0x2;
	[sflag:s19] =	ssyncadd.s32 $0xFFFFCE00  }
0xc1: {  	[tilespmem:s14], [sflag:$0x1] =	stream.indirect.gather [hbm4b:s1+s13], $0x80, s24, s13, $0xb8;
	[tilespmem:$0x1E000] =	vst v63  }
0xc2: {  	s25 =	sadd.s32 $0x80, s24  }
0xc3: {  	[tilespmem:s15], [sflag:$0x2] =	stream.indirect.gather [hbm4b:s1+s13], $0x80, s25, s13, $0xb8;
	[tilespmem:$0x1E000] =	vst v63  }
0xc4: {  	_ =	swait.ge [sflag:s16], $0x3200  }
0xc5: {  	[sflag:s16] =	ssyncset.done $0x0  }
0xc6: {  	s30 =	sadd.s32 $0x1C00, s24;
	[sflag:s16] =	ssyncadd.s32 $0xFFFFCE00  }
0xc7: {  	[spmem:s3] =	stream.indirect.scatter.add.f32 [tilespmem:s14], [sflag:$0x3], $0x80, s30, s13, $0xb8;
	[tilespmem:$0x1E000] =	vst v63  }
0xc8: {  	_ =	swait.ge [sflag:s17], $0x3200  }
0xc9: {  	[sflag:s17] =	ssyncset.done $0x0  }
0xca: {  	s31 =	sadd.s32 $0x100, s24;
	[sflag:s17] =	ssyncadd.s32 $0xFFFFCE00  }
0xcb: {  	[tilespmem:s14], [sflag:$0x1] =	stream.indirect.gather [hbm4b:s1+s13], $0x80, s31, s13, $0xb8;
	[tilespmem:$0x1E000] =	vst v63  }
0xcc: {  	_ =	swait.ge [sflag:s18], $0x3200  }
0xcd: {  	[sflag:s18] =	ssyncset.done $0x0  }
0xce: {  	s26 =	sadd.s32 $0x1C80, s24;
	[sflag:s18] =	ssyncadd.s32 $0xFFFFCE00  }
0xcf: {  	[spmem:s3] =	stream.indirect.scatter.add.f32 [tilespmem:s15], [sflag:$0x4], $0x80, s26, s13, $0xb8;
	[tilespmem:$0x1E000] =	vst v63  }
0xd0: {  	_ =	swait.ge [sflag:s19], $0x3200  }
0xd1: {  	[sflag:s19] =	ssyncset.done $0x0  }
0xd2: {  	s29 =	sadd.s32 $0x180, s24;
	[sflag:s19] =	ssyncadd.s32 $0xFFFFCE00  }
0xd3: {  	[tilespmem:s15], [sflag:$0x2] =	stream.indirect.gather [hbm4b:s1+s13], $0x80, s29, s13, $0xb8;
	[tilespmem:$0x1E000] =	vst v63  }
0xd4: {  	_ =	swait.ge [sflag:s16], $0x3200  }
0xd5: {  	[sflag:s16] =	ssyncset.done $0x0  }
0xd6: {  	s30 =	sadd.s32 $0x1D00, s24;
	[sflag:s16] =	ssyncadd.s32 $0xFFFFCE00  }
0xd7: {  	[spmem:s3] =	stream.indirect.scatter.add.f32 [tilespmem:s14], [sflag:$0x3], $0x80, s30, s13, $0xb8;
	[tilespmem:$0x1E000] =	vst v63  }
0xd8: {  	_ =	swait.ge [sflag:s17], $0x3200  }
0xd9: {  	[sflag:s17] =	ssyncset.done $0x0  }
0xda: {  	s31 =	sadd.s32 $0x200, s24;
	[sflag:s17] =	ssyncadd.s32 $0xFFFFCE00  }
0xdb: {  	[tilespmem:s14], [sflag:$0x1] =	stream.indirect.gather [hbm4b:s1+s13], $0x80, s31, s13, $0xb8;
	[tilespmem:$0x1E000] =	vst v63  }
0xdc: {  	_ =	swait.ge [sflag:s18], $0x3200  }
0xdd: {  	[sflag:s18] =	ssyncset.done $0x0  }
0xde: {  	s26 =	sadd.s32 $0x1D80, s24;
	[sflag:s18] =	ssyncadd.s32 $0xFFFFCE00  }
0xdf: {  	[spmem:s3] =	stream.indirect.scatter.add.f32 [tilespmem:s15], [sflag:$0x4], $0x80, s26, s13, $0xb8;
	[tilespmem:$0x1E000] =	vst v63  }
0xe0: {  	_ =	swait.ge [sflag:s19], $0x3200  }
0xe1: {  	[sflag:s19] =	ssyncset.done $0x0  }
0xe2: {  	s29 =	sadd.s32 $0x280, s24;
	[sflag:s19] =	ssyncadd.s32 $0xFFFFCE00  }
0xe3: {  	[tilespmem:s15], [sflag:$0x2] =	stream.indirect.gather [hbm4b:s1+s13], $0x80, s29, s13, $0xb8;
	[tilespmem:$0x1E000] =	vst v63  }
0xe4: {  	_ =	swait.ge [sflag:s16], $0x3200  }
0xe5: {  	[sflag:s16] =	ssyncset.done $0x0  }
0xe6: {  	s30 =	sadd.s32 $0x1E00, s24;
	[sflag:s16] =	ssyncadd.s32 $0xFFFFCE00  }
0xe7: {  	[spmem:s3] =	stream.indirect.scatter.add.f32 [tilespmem:s14], [sflag:$0x3], $0x80, s30, s13, $0xb8;
	[tilespmem:$0x1E000] =	vst v63  }
0xe8: {  	_ =	swait.ge [sflag:s17], $0x3200  }
0xe9: {  	[sflag:s17] =	ssyncset.done $0x0  }
0xea: {  	s31 =	sadd.s32 $0x300, s24;
	[sflag:s17] =	ssyncadd.s32 $0xFFFFCE00  }
0xeb: {  	[tilespmem:s14], [sflag:$0x1] =	stream.indirect.gather [hbm4b:s1+s13], $0x80, s31, s13, $0xb8;
	[tilespmem:$0x1E000] =	vst v63  }
0xec: {  	_ =	swait.ge [sflag:s18], $0x3200  }
0xed: {  	[sflag:s18] =	ssyncset.done $0x0  }
0xee: {  	s26 =	sadd.s32 $0x1E80, s24;
	[sflag:s18] =	ssyncadd.s32 $0xFFFFCE00  }
0xef: {  	[spmem:s3] =	stream.indirect.scatter.add.f32 [tilespmem:s15], [sflag:$0x4], $0x80, s26, s13, $0xb8;
	[tilespmem:$0x1E000] =	vst v63  }
0xf0: {  	_ =	swait.ge [sflag:s19], $0x3200  }
0xf1: {  	[sflag:s19] =	ssyncset.done $0x0  }
0xf2: {  	s29 =	sadd.s32 $0x380, s24;
	[sflag:s19] =	ssyncadd.s32 $0xFFFFCE00  }
0xf3: {  	[tilespmem:s15], [sflag:$0x2] =	stream.indirect.gather [hbm4b:s1+s13], $0x80, s29, s13, $0xb8;
	[tilespmem:$0x1E000] =	vst v63  }
0xf4: {  	_ =	swait.ge [sflag:s16], $0x3200  }
0xf5: {  	[sflag:s16] =	ssyncset.done $0x0  }
0xf6: {  	s30 =	sadd.s32 $0x1F00, s24;
	[sflag:s16] =	ssyncadd.s32 $0xFFFFCE00  }
0xf7: {  	[spmem:s3] =	stream.indirect.scatter.add.f32 [tilespmem:s14], [sflag:$0x3], $0x80, s30, s13, $0xb8;
	[tilespmem:$0x1E000] =	vst v63  }
0xf8: {  	_ =	swait.ge [sflag:s17], $0x3200  }
0xf9: {  	[sflag:s17] =	ssyncset.done $0x0  }
0xfa: {  	s31 =	sadd.s32 $0x400, s24;
	[sflag:s17] =	ssyncadd.s32 $0xFFFFCE00  }
0xfb: {  	[tilespmem:s14], [sflag:$0x1] =	stream.indirect.gather [hbm4b:s1+s13], $0x80, s31, s13, $0xb8;
	[tilespmem:$0x1E000] =	vst v63  }
0xfc: {  	_ =	swait.ge [sflag:s18], $0x3200  }
0xfd: {  	[sflag:s18] =	ssyncset.done $0x0  }
0xfe: {  	s26 =	sadd.s32 $0x1F80, s24;
	[sflag:s18] =	ssyncadd.s32 $0xFFFFCE00  }
0xff: {  	[spmem:s3] =	stream.indirect.scatter.add.f32 [tilespmem:s15], [sflag:$0x4], $0x80, s26, s13, $0xb8;
	[tilespmem:$0x1E000] =	vst v63  }
0x100: {  	_ =	swait.ge [sflag:s19], $0x3200  }
0x101: {  	[sflag:s19] =	ssyncset.done $0x0  }
0x102: {  	s29 =	sadd.s32 $0x480, s24;
	[sflag:s19] =	ssyncadd.s32 $0xFFFFCE00  }
0x103: {  	[tilespmem:s15], [sflag:$0x2] =	stream.indirect.gather [hbm4b:s1+s13], $0x80, s29, s13, $0xb8;
	[tilespmem:$0x1E000] =	vst v63  }
0x104: {  	_ =	swait.ge [sflag:s16], $0x3200  }
0x105: {  	[sflag:s16] =	ssyncset.done $0x0  }
0x106: {  	s30 =	sadd.s32 $0x2000, s24;
	[sflag:s16] =	ssyncadd.s32 $0xFFFFCE00  }
0x107: {  	[spmem:s3] =	stream.indirect.scatter.add.f32 [tilespmem:s14], [sflag:$0x3], $0x80, s30, s13, $0xb8;
	[tilespmem:$0x1E000] =	vst v63  }
0x108: {  	_ =	swait.ge [sflag:s18], $0x3200  }
0x109: {  	[sflag:s18] =	ssyncset.done $0x0  }
0x10a: {  	s24 =	sadd.s32 $0x2080, s24;
	[sflag:s18] =	ssyncadd.s32 $0xFFFFCE00  }
0x10b: {  	[spmem:s3] =	stream.indirect.scatter.add.f32 [tilespmem:s15], [sflag:$0x4], $0x80, s24, s13, $0xb8;
	[tilespmem:$0x1E000] =	vst v63  }
0x10c: {  	_ =	swait.ge [sflag:s17], $0x3200  }
0x10d: {  	[sflag:s17] =	ssyncset.done $0x0  }
0x10e: {  	[sflag:s17] =	ssyncadd.s32 $0xFFFFCE00  }
0x10f: {  	_ =	swait.ge [sflag:s19], $0x3200  }
0x110: {  	[sflag:s19] =	ssyncset.done $0x0  }
0x111: {  	s31 =	simm.s32 $0x0;
	[sflag:s19] =	ssyncadd.s32 $0xFFFFCE00  }
0x112: {  	[tilespmem:s31], [sflag:$0x5] =	stream.linear.gather [hbm4b:s20+s31], $0x1900, $0x38;
	[tilespmem:$0x1E000] =	vst v63  }
0x113: {  	_ =	swait.ge [sflag:s11], $0x1900  }
0x114: {  	[sflag:s11] =	ssyncset.done $0x0  }
0x115: {  	[sflag:s11] =	ssyncadd.s32 $0xFFFFE700  }
0x116: {  	[tilespmem:s12], [sflag:$0x5] =	stream.linear.gather [hbm4b:s21+s31], $0x1900, $0x38;
	[tilespmem:$0x1E000] =	vst v63  }
0x117: {  	_ =	swait.ge [sflag:s11], $0x1900  }
0x118: {  	[sflag:s11] =	ssyncset.done $0x0  }
0x119: {  	s25 =	simm.s32 $0x0;
	[sflag:s11] =	ssyncadd.s32 $0xFFFFE700  }
0x11a: {  	[tilespmem:s14], [sflag:$0x1] =	stream.indirect.gather [hbm4b:s1+s13], $0x80, s25, s13, $0xb8;
	[tilespmem:$0x1E000] =	vst v63  }
0x11b: {  	s26 =	simm.s32 $0x80  }
0x11c: {  	[tilespmem:s15], [sflag:$0x2] =	stream.indirect.gather [hbm4b:s1+s13], $0x80, s26, s13, $0xb8;
	[tilespmem:$0x1E000] =	vst v63  }
0x11d: {  	_ =	swait.ge [sflag:s16], $0x3200  }
0x11e: {  	[sflag:s16] =	ssyncset.done $0x0  }
0x11f: {  	s29 =	simm.s32 $0x1C00;
	[sflag:s16] =	ssyncadd.s32 $0xFFFFCE00  }
0x120: {  	[spmem:s3] =	stream.indirect.scatter.add.f32 [tilespmem:s14], [sflag:$0x3], $0x80, s29, s13, $0xb8;
	[tilespmem:$0x1E000] =	vst v63  }
0x121: {  	_ =	swait.ge [sflag:s17], $0x3200  }
0x122: {  	[sflag:s17] =	ssyncset.done $0x0  }
0x123: {  	s30 =	simm.s32 $0x100;
	[sflag:s17] =	ssyncadd.s32 $0xFFFFCE00  }
0x124: {  	[tilespmem:s14], [sflag:$0x1] =	stream.indirect.gather [hbm4b:s1+s13], $0x80, s30, s13, $0xb8;
	[tilespmem:$0x1E000] =	vst v63  }
0x125: {  	_ =	swait.ge [sflag:s18], $0x3200  }
0x126: {  	[sflag:s18] =	ssyncset.done $0x0  }
0x127: {  	s31 =	simm.s32 $0x1C80;
	[sflag:s18] =	ssyncadd.s32 $0xFFFFCE00  }
0x128: {  	[spmem:s3] =	stream.indirect.scatter.add.f32 [tilespmem:s15], [sflag:$0x4], $0x80, s31, s13, $0xb8;
	[tilespmem:$0x1E000] =	vst v63  }
0x129: {  	_ =	swait.ge [sflag:s19], $0x3200  }
0x12a: {  	[sflag:s19] =	ssyncset.done $0x0  }
0x12b: {  	s25 =	simm.s32 $0x180;
	[sflag:s19] =	ssyncadd.s32 $0xFFFFCE00  }
0x12c: {  	[tilespmem:s15], [sflag:$0x2] =	stream.indirect.gather [hbm4b:s1+s13], $0x80, s25, s13, $0xb8;
	[tilespmem:$0x1E000] =	vst v63  }
0x12d: {  	_ =	swait.ge [sflag:s16], $0x3200  }
0x12e: {  	[sflag:s16] =	ssyncset.done $0x0  }
0x12f: {  	s26 =	simm.s32 $0x1D00;
	[sflag:s16] =	ssyncadd.s32 $0xFFFFCE00  }
0x130: {  	[spmem:s3] =	stream.indirect.scatter.add.f32 [tilespmem:s14], [sflag:$0x3], $0x80, s26, s13, $0xb8;
	[tilespmem:$0x1E000] =	vst v63  }
0x131: {  	_ =	swait.ge [sflag:s17], $0x3200  }
0x132: {  	[sflag:s17] =	ssyncset.done $0x0  }
0x133: {  	s29 =	simm.s32 $0x200;
	[sflag:s17] =	ssyncadd.s32 $0xFFFFCE00  }
0x134: {  	[tilespmem:s14], [sflag:$0x1] =	stream.indirect.gather [hbm4b:s1+s13], $0x80, s29, s13, $0xb8;
	[tilespmem:$0x1E000] =	vst v63  }
0x135: {  	_ =	swait.ge [sflag:s18], $0x3200  }
0x136: {  	[sflag:s18] =	ssyncset.done $0x0  }
0x137: {  	s30 =	simm.s32 $0x1D80;
	[sflag:s18] =	ssyncadd.s32 $0xFFFFCE00  }
0x138: {  	[spmem:s3] =	stream.indirect.scatter.add.f32 [tilespmem:s15], [sflag:$0x4], $0x80, s30, s13, $0xb8;
	[tilespmem:$0x1E000] =	vst v63  }
0x139: {  	_ =	swait.ge [sflag:s19], $0x3200  }
0x13a: {  	[sflag:s19] =	ssyncset.done $0x0  }
0x13b: {  	s31 =	simm.s32 $0x280;
	[sflag:s19] =	ssyncadd.s32 $0xFFFFCE00  }
0x13c: {  	[tilespmem:s15], [sflag:$0x2] =	stream.indirect.gather [hbm4b:s1+s13], $0x80, s31, s13, $0xb8;
	[tilespmem:$0x1E000] =	vst v63  }
0x13d: {  	_ =	swait.ge [sflag:s16], $0x3200  }
0x13e: {  	[sflag:s16] =	ssyncset.done $0x0  }
0x13f: {  	s25 =	simm.s32 $0x1E00;
	[sflag:s16] =	ssyncadd.s32 $0xFFFFCE00  }
0x140: {  	[spmem:s3] =	stream.indirect.scatter.add.f32 [tilespmem:s14], [sflag:$0x3], $0x80, s25, s13, $0xb8;
	[tilespmem:$0x1E000] =	vst v63  }
0x141: {  	_ =	swait.ge [sflag:s17], $0x3200  }
0x142: {  	[sflag:s17] =	ssyncset.done $0x0  }
0x143: {  	s26 =	simm.s32 $0x300;
	[sflag:s17] =	ssyncadd.s32 $0xFFFFCE00  }
0x144: {  	[tilespmem:s14], [sflag:$0x1] =	stream.indirect.gather [hbm4b:s1+s13], $0x80, s26, s13, $0xb8;
	[tilespmem:$0x1E000] =	vst v63  }
0x145: {  	_ =	swait.ge [sflag:s18], $0x3200  }
0x146: {  	[sflag:s18] =	ssyncset.done $0x0  }
0x147: {  	s29 =	simm.s32 $0x1E80;
	[sflag:s18] =	ssyncadd.s32 $0xFFFFCE00  }
0x148: {  	[spmem:s3] =	stream.indirect.scatter.add.f32 [tilespmem:s15], [sflag:$0x4], $0x80, s29, s13, $0xb8;
	[tilespmem:$0x1E000] =	vst v63  }
0x149: {  	_ =	swait.ge [sflag:s19], $0x3200  }
0x14a: {  	[sflag:s19] =	ssyncset.done $0x0  }
0x14b: {  	s30 =	simm.s32 $0x380;
	[sflag:s19] =	ssyncadd.s32 $0xFFFFCE00  }
0x14c: {  	[tilespmem:s15], [sflag:$0x2] =	stream.indirect.gather [hbm4b:s1+s13], $0x80, s30, s13, $0xb8;
	[tilespmem:$0x1E000] =	vst v63  }
0x14d: {  	_ =	swait.ge [sflag:s16], $0x3200  }
0x14e: {  	[sflag:s16] =	ssyncset.done $0x0  }
0x14f: {  	s31 =	simm.s32 $0x1F00;
	[sflag:s16] =	ssyncadd.s32 $0xFFFFCE00  }
0x150: {  	[spmem:s3] =	stream.indirect.scatter.add.f32 [tilespmem:s14], [sflag:$0x3], $0x80, s31, s13, $0xb8;
	[tilespmem:$0x1E000] =	vst v63  }
0x151: {  	_ =	swait.ge [sflag:s17], $0x3200  }
0x152: {  	[sflag:s17] =	ssyncset.done $0x0  }
0x153: {  	s25 =	simm.s32 $0x400;
	[sflag:s17] =	ssyncadd.s32 $0xFFFFCE00  }
0x154: {  	[tilespmem:s14], [sflag:$0x1] =	stream.indirect.gather [hbm4b:s1+s13], $0x80, s25, s13, $0xb8;
	[tilespmem:$0x1E000] =	vst v63  }
0x155: {  	_ =	swait.ge [sflag:s18], $0x3200  }
0x156: {  	[sflag:s18] =	ssyncset.done $0x0  }
0x157: {  	s26 =	simm.s32 $0x1F80;
	[sflag:s18] =	ssyncadd.s32 $0xFFFFCE00  }
0x158: {  	[spmem:s3] =	stream.indirect.scatter.add.f32 [tilespmem:s15], [sflag:$0x4], $0x80, s26, s13, $0xb8;
	[tilespmem:$0x1E000] =	vst v63  }
0x159: {  	_ =	swait.ge [sflag:s19], $0x3200  }
0x15a: {  	[sflag:s19] =	ssyncset.done $0x0  }
0x15b: {  	s29 =	simm.s32 $0x480;
	[sflag:s19] =	ssyncadd.s32 $0xFFFFCE00  }
0x15c: {  	[tilespmem:s15], [sflag:$0x2] =	stream.indirect.gather [hbm4b:s1+s13], $0x80, s29, s13, $0xb8;
	[tilespmem:$0x1E000] =	vst v63  }
0x15d: {  	_ =	swait.ge [sflag:s16], $0x3200  }
0x15e: {  	[sflag:s16] =	ssyncset.done $0x0  }
0x15f: {  	s30 =	simm.s32 $0x2000;
	[sflag:s16] =	ssyncadd.s32 $0xFFFFCE00  }
0x160: {  	[spmem:s3] =	stream.indirect.scatter.add.f32 [tilespmem:s14], [sflag:$0x3], $0x80, s30, s13, $0xb8;
	[tilespmem:$0x1E000] =	vst v63  }
0x161: {  	_ =	swait.ge [sflag:s18], $0x3200  }
0x162: {  	[sflag:s18] =	ssyncset.done $0x0  }
0x163: {  	s31 =	simm.s32 $0x2080;
	[sflag:s18] =	ssyncadd.s32 $0xFFFFCE00  }
0x164: {  	[spmem:s3] =	stream.indirect.scatter.add.f32 [tilespmem:s15], [sflag:$0x4], $0x80, s31, s13, $0xb8;
	[tilespmem:$0x1E000] =	vst v63  }
0x165: {  	_ =	swait.ge [sflag:s17], $0x3200  }
0x166: {  	[sflag:s17] =	ssyncset.done $0x0  }
0x167: {  	[sflag:s17] =	ssyncadd.s32 $0xFFFFCE00  }
0x168: {  	_ =	swait.ge [sflag:s19], $0x3200  }
0x169: {  	s28 =	simm.s32 $0x2800;
	s24 =	simm.s32 $0x1400;
	[sflag:s19] =	ssyncset.done $0x0  }
.LBB2_4:
0x16a: {  	s26 =	sshra.s32 s24, $0x2  }
0x16b: {  	[sflag:s19] =	ssyncadd.s32 $0xFFFFCE00;
	s24 =	smov.u32 s28;
	s25 =	sadd.s32 $0x1400, s28  }
0x16c: {  	[tilespmem:s14], [sflag:$0x1] =	stream.indirect.gather [hbm4b:s1+s13], $0x80, s26, s13, $0xb8;
	[tilespmem:$0x1E000] =	vst v63  }
0x16d: {  	p0 =	sne.s32 s28, $0x5000;
	s28 =	sadd.s32 $0x80, s26  }
0x16e: {  	[tilespmem:s15], [sflag:$0x2] =	stream.indirect.gather [hbm4b:s1+s13], $0x80, s28, s13, $0xb8;
	[tilespmem:$0x1E000] =	vst v63  }
0x16f: {  	_ =	swait.ge [sflag:s16], $0x3200  }
0x170: {  	[sflag:s16] =	ssyncset.done $0x0  }
0x171: {  	s28 =	sadd.s32 $0x1C00, s26;
	[sflag:s16] =	ssyncadd.s32 $0xFFFFCE00  }
0x172: {  	[spmem:s3] =	stream.indirect.scatter.add.f32 [tilespmem:s14], [sflag:$0x3], $0x80, s28, s13, $0xb8;
	[tilespmem:$0x1E000] =	vst v63  }
0x173: {  	_ =	swait.ge [sflag:s17], $0x3200  }
0x174: {  	[sflag:s17] =	ssyncset.done $0x0  }
0x175: {  	s28 =	sadd.s32 $0x100, s26;
	[sflag:s17] =	ssyncadd.s32 $0xFFFFCE00  }
0x176: {  	[tilespmem:s14], [sflag:$0x1] =	stream.indirect.gather [hbm4b:s1+s13], $0x80, s28, s13, $0xb8;
	[tilespmem:$0x1E000] =	vst v63  }
0x177: {  	_ =	swait.ge [sflag:s18], $0x3200  }
0x178: {  	[sflag:s18] =	ssyncset.done $0x0  }
0x179: {  	s28 =	sadd.s32 $0x1C80, s26;
	[sflag:s18] =	ssyncadd.s32 $0xFFFFCE00  }
0x17a: {  	[spmem:s3] =	stream.indirect.scatter.add.f32 [tilespmem:s15], [sflag:$0x4], $0x80, s28, s13, $0xb8;
	[tilespmem:$0x1E000] =	vst v63  }
0x17b: {  	_ =	swait.ge [sflag:s19], $0x3200  }
0x17c: {  	[sflag:s19] =	ssyncset.done $0x0  }
0x17d: {  	s28 =	sadd.s32 $0x180, s26;
	[sflag:s19] =	ssyncadd.s32 $0xFFFFCE00  }
0x17e: {  	[tilespmem:s15], [sflag:$0x2] =	stream.indirect.gather [hbm4b:s1+s13], $0x80, s28, s13, $0xb8;
	[tilespmem:$0x1E000] =	vst v63  }
0x17f: {  	_ =	swait.ge [sflag:s16], $0x3200  }
0x180: {  	[sflag:s16] =	ssyncset.done $0x0  }
0x181: {  	s28 =	sadd.s32 $0x1D00, s26;
	[sflag:s16] =	ssyncadd.s32 $0xFFFFCE00  }
0x182: {  	[spmem:s3] =	stream.indirect.scatter.add.f32 [tilespmem:s14], [sflag:$0x3], $0x80, s28, s13, $0xb8;
	[tilespmem:$0x1E000] =	vst v63  }
0x183: {  	_ =	swait.ge [sflag:s17], $0x3200  }
0x184: {  	[sflag:s17] =	ssyncset.done $0x0  }
0x185: {  	s28 =	sadd.s32 $0x200, s26;
	[sflag:s17] =	ssyncadd.s32 $0xFFFFCE00  }
0x186: {  	[tilespmem:s14], [sflag:$0x1] =	stream.indirect.gather [hbm4b:s1+s13], $0x80, s28, s13, $0xb8;
	[tilespmem:$0x1E000] =	vst v63  }
0x187: {  	_ =	swait.ge [sflag:s18], $0x3200  }
0x188: {  	[sflag:s18] =	ssyncset.done $0x0  }
0x189: {  	s28 =	sadd.s32 $0x1D80, s26;
	[sflag:s18] =	ssyncadd.s32 $0xFFFFCE00  }
0x18a: {  	[spmem:s3] =	stream.indirect.scatter.add.f32 [tilespmem:s15], [sflag:$0x4], $0x80, s28, s13, $0xb8;
	[tilespmem:$0x1E000] =	vst v63  }
0x18b: {  	_ =	swait.ge [sflag:s19], $0x3200  }
0x18c: {  	[sflag:s19] =	ssyncset.done $0x0  }
0x18d: {  	s28 =	sadd.s32 $0x280, s26;
	[sflag:s19] =	ssyncadd.s32 $0xFFFFCE00  }
0x18e: {  	[tilespmem:s15], [sflag:$0x2] =	stream.indirect.gather [hbm4b:s1+s13], $0x80, s28, s13, $0xb8;
	[tilespmem:$0x1E000] =	vst v63  }
0x18f: {  	_ =	swait.ge [sflag:s16], $0x3200  }
0x190: {  	[sflag:s16] =	ssyncset.done $0x0  }
0x191: {  	s28 =	sadd.s32 $0x1E00, s26;
	[sflag:s16] =	ssyncadd.s32 $0xFFFFCE00  }
0x192: {  	[spmem:s3] =	stream.indirect.scatter.add.f32 [tilespmem:s14], [sflag:$0x3], $0x80, s28, s13, $0xb8;
	[tilespmem:$0x1E000] =	vst v63  }
0x193: {  	_ =	swait.ge [sflag:s17], $0x3200  }
0x194: {  	[sflag:s17] =	ssyncset.done $0x0  }
0x195: {  	s28 =	sadd.s32 $0x300, s26;
	[sflag:s17] =	ssyncadd.s32 $0xFFFFCE00  }
0x196: {  	[tilespmem:s14], [sflag:$0x1] =	stream.indirect.gather [hbm4b:s1+s13], $0x80, s28, s13, $0xb8;
	[tilespmem:$0x1E000] =	vst v63  }
0x197: {  	_ =	swait.ge [sflag:s18], $0x3200  }
0x198: {  	[sflag:s18] =	ssyncset.done $0x0  }
0x199: {  	s28 =	sadd.s32 $0x1E80, s26;
	[sflag:s18] =	ssyncadd.s32 $0xFFFFCE00  }
0x19a: {  	[spmem:s3] =	stream.indirect.scatter.add.f32 [tilespmem:s15], [sflag:$0x4], $0x80, s28, s13, $0xb8;
	[tilespmem:$0x1E000] =	vst v63  }
0x19b: {  	_ =	swait.ge [sflag:s19], $0x3200  }
0x19c: {  	[sflag:s19] =	ssyncset.done $0x0  }
0x19d: {  	s28 =	sadd.s32 $0x380, s26;
	[sflag:s19] =	ssyncadd.s32 $0xFFFFCE00  }
0x19e: {  	[tilespmem:s15], [sflag:$0x2] =	stream.indirect.gather [hbm4b:s1+s13], $0x80, s28, s13, $0xb8;
	[tilespmem:$0x1E000] =	vst v63  }
0x19f: {  	_ =	swait.ge [sflag:s16], $0x3200  }
0x1a0: {  	[sflag:s16] =	ssyncset.done $0x0  }
0x1a1: {  	s28 =	sadd.s32 $0x1F00, s26;
	[sflag:s16] =	ssyncadd.s32 $0xFFFFCE00  }
0x1a2: {  	[spmem:s3] =	stream.indirect.scatter.add.f32 [tilespmem:s14], [sflag:$0x3], $0x80, s28, s13, $0xb8;
	[tilespmem:$0x1E000] =	vst v63  }
0x1a3: {  	_ =	swait.ge [sflag:s17], $0x3200  }
0x1a4: {  	[sflag:s17] =	ssyncset.done $0x0  }
0x1a5: {  	s28 =	sadd.s32 $0x400, s26;
	[sflag:s17] =	ssyncadd.s32 $0xFFFFCE00  }
0x1a6: {  	[tilespmem:s14], [sflag:$0x1] =	stream.indirect.gather [hbm4b:s1+s13], $0x80, s28, s13, $0xb8;
	[tilespmem:$0x1E000] =	vst v63  }
0x1a7: {  	_ =	swait.ge [sflag:s18], $0x3200  }
0x1a8: {  	[sflag:s18] =	ssyncset.done $0x0  }
0x1a9: {  	s28 =	sadd.s32 $0x1F80, s26;
	[sflag:s18] =	ssyncadd.s32 $0xFFFFCE00  }
0x1aa: {  	[spmem:s3] =	stream.indirect.scatter.add.f32 [tilespmem:s15], [sflag:$0x4], $0x80, s28, s13, $0xb8;
	[tilespmem:$0x1E000] =	vst v63  }
0x1ab: {  	_ =	swait.ge [sflag:s19], $0x3200  }
0x1ac: {  	[sflag:s19] =	ssyncset.done $0x0  }
0x1ad: {  	s28 =	sadd.s32 $0x480, s26;
	[sflag:s19] =	ssyncadd.s32 $0xFFFFCE00  }
0x1ae: {  	[tilespmem:s15], [sflag:$0x2] =	stream.indirect.gather [hbm4b:s1+s13], $0x80, s28, s13, $0xb8;
	[tilespmem:$0x1E000] =	vst v63  }
0x1af: {  	_ =	swait.ge [sflag:s16], $0x3200  }
0x1b0: {  	[sflag:s16] =	ssyncset.done $0x0  }
0x1b1: {  	s28 =	sadd.s32 $0x2000, s26;
	[sflag:s16] =	ssyncadd.s32 $0xFFFFCE00  }
0x1b2: {  	[spmem:s3] =	stream.indirect.scatter.add.f32 [tilespmem:s14], [sflag:$0x3], $0x80, s28, s13, $0xb8;
	[tilespmem:$0x1E000] =	vst v63  }
0x1b3: {  	_ =	swait.ge [sflag:s18], $0x3200  }
0x1b4: {  	[sflag:s18] =	ssyncset.done $0x0  }
0x1b5: {  	s26 =	sadd.s32 $0x2080, s26;
	[sflag:s18] =	ssyncadd.s32 $0xFFFFCE00  }
0x1b6: {  	[spmem:s3] =	stream.indirect.scatter.add.f32 [tilespmem:s15], [sflag:$0x4], $0x80, s26, s13, $0xb8;
	[tilespmem:$0x1E000] =	vst v63  }
.Ltmp1:
0x1b7: {  	_ =	swait.ge [sflag:s17], $0x3200;
	(pc) =	sbr.rel @p0 .LBB2_4-.Ltmp1, $4  }
0x1b8: {  	[sflag:s17] =	ssyncset.done $0x0  }
0x1b9: {  	[sflag:s17] =	ssyncadd.s32 $0xFFFFCE00  }
0x1ba: {  	_ =	swait.ge [sflag:s19], $0x3200  }
0x1bb: {  	s28 =	smov.u32 s25;
	[sflag:s19] =	ssyncset.done $0x0  }
0x1bc: {  	s24 =	sshra.s32 s24, $0x2;
	[sflag:s19] =	ssyncadd.s32 $0xFFFFCE00  }
0x1bd: {  	[tilespmem:s14], [sflag:$0x1] =	stream.indirect.gather [hbm4b:s1+s13], $0x80, s24, s13, $0xb8;
	[tilespmem:$0x1E000] =	vst v63  }
0x1be: {  	s25 =	sadd.s32 $0x80, s24  }
0x1bf: {  	[tilespmem:s15], [sflag:$0x2] =	stream.indirect.gather [hbm4b:s1+s13], $0x80, s25, s13, $0xb8;
	[tilespmem:$0x1E000] =	vst v63  }
0x1c0: {  	_ =	swait.ge [sflag:s16], $0x3200  }
0x1c1: {  	[sflag:s16] =	ssyncset.done $0x0  }
0x1c2: {  	s30 =	sadd.s32 $0x1C00, s24;
	[sflag:s16] =	ssyncadd.s32 $0xFFFFCE00  }
0x1c3: {  	[spmem:s3] =	stream.indirect.scatter.add.f32 [tilespmem:s14], [sflag:$0x3], $0x80, s30, s13, $0xb8;
	[tilespmem:$0x1E000] =	vst v63  }
0x1c4: {  	_ =	swait.ge [sflag:s17], $0x3200  }
0x1c5: {  	[sflag:s17] =	ssyncset.done $0x0  }
0x1c6: {  	s31 =	sadd.s32 $0x100, s24;
	[sflag:s17] =	ssyncadd.s32 $0xFFFFCE00  }
0x1c7: {  	[tilespmem:s14], [sflag:$0x1] =	stream.indirect.gather [hbm4b:s1+s13], $0x80, s31, s13, $0xb8;
	[tilespmem:$0x1E000] =	vst v63  }
0x1c8: {  	_ =	swait.ge [sflag:s18], $0x3200  }
0x1c9: {  	[sflag:s18] =	ssyncset.done $0x0  }
0x1ca: {  	s26 =	sadd.s32 $0x1C80, s24;
	[sflag:s18] =	ssyncadd.s32 $0xFFFFCE00  }
0x1cb: {  	[spmem:s3] =	stream.indirect.scatter.add.f32 [tilespmem:s15], [sflag:$0x4], $0x80, s26, s13, $0xb8;
	[tilespmem:$0x1E000] =	vst v63  }
0x1cc: {  	_ =	swait.ge [sflag:s19], $0x3200  }
0x1cd: {  	[sflag:s19] =	ssyncset.done $0x0  }
0x1ce: {  	s28 =	sadd.s32 $0x180, s24;
	[sflag:s19] =	ssyncadd.s32 $0xFFFFCE00  }
0x1cf: {  	[tilespmem:s15], [sflag:$0x2] =	stream.indirect.gather [hbm4b:s1+s13], $0x80, s28, s13, $0xb8;
	[tilespmem:$0x1E000] =	vst v63  }
0x1d0: {  	_ =	swait.ge [sflag:s16], $0x3200  }
0x1d1: {  	[sflag:s16] =	ssyncset.done $0x0  }
0x1d2: {  	s29 =	sadd.s32 $0x1D00, s24;
	[sflag:s16] =	ssyncadd.s32 $0xFFFFCE00  }
0x1d3: {  	[spmem:s3] =	stream.indirect.scatter.add.f32 [tilespmem:s14], [sflag:$0x3], $0x80, s29, s13, $0xb8;
	[tilespmem:$0x1E000] =	vst v63  }
0x1d4: {  	_ =	swait.ge [sflag:s17], $0x3200  }
0x1d5: {  	[sflag:s17] =	ssyncset.done $0x0  }
0x1d6: {  	s30 =	sadd.s32 $0x200, s24;
	[sflag:s17] =	ssyncadd.s32 $0xFFFFCE00  }
0x1d7: {  	[tilespmem:s14], [sflag:$0x1] =	stream.indirect.gather [hbm4b:s1+s13], $0x80, s30, s13, $0xb8;
	[tilespmem:$0x1E000] =	vst v63  }
0x1d8: {  	_ =	swait.ge [sflag:s18], $0x3200  }
0x1d9: {  	[sflag:s18] =	ssyncset.done $0x0  }
0x1da: {  	s31 =	sadd.s32 $0x1D80, s24;
	[sflag:s18] =	ssyncadd.s32 $0xFFFFCE00  }
0x1db: {  	[spmem:s3] =	stream.indirect.scatter.add.f32 [tilespmem:s15], [sflag:$0x4], $0x80, s31, s13, $0xb8;
	[tilespmem:$0x1E000] =	vst v63  }
0x1dc: {  	_ =	swait.ge [sflag:s19], $0x3200  }
0x1dd: {  	[sflag:s19] =	ssyncset.done $0x0  }
0x1de: {  	s26 =	sadd.s32 $0x280, s24;
	[sflag:s19] =	ssyncadd.s32 $0xFFFFCE00  }
0x1df: {  	[tilespmem:s15], [sflag:$0x2] =	stream.indirect.gather [hbm4b:s1+s13], $0x80, s26, s13, $0xb8;
	[tilespmem:$0x1E000] =	vst v63  }
0x1e0: {  	_ =	swait.ge [sflag:s16], $0x3200  }
0x1e1: {  	[sflag:s16] =	ssyncset.done $0x0  }
0x1e2: {  	s28 =	sadd.s32 $0x1E00, s24;
	[sflag:s16] =	ssyncadd.s32 $0xFFFFCE00  }
0x1e3: {  	[spmem:s3] =	stream.indirect.scatter.add.f32 [tilespmem:s14], [sflag:$0x3], $0x80, s28, s13, $0xb8;
	[tilespmem:$0x1E000] =	vst v63  }
0x1e4: {  	_ =	swait.ge [sflag:s17], $0x3200  }
0x1e5: {  	[sflag:s17] =	ssyncset.done $0x0  }
0x1e6: {  	s29 =	sadd.s32 $0x300, s24;
	[sflag:s17] =	ssyncadd.s32 $0xFFFFCE00  }
0x1e7: {  	[tilespmem:s14], [sflag:$0x1] =	stream.indirect.gather [hbm4b:s1+s13], $0x80, s29, s13, $0xb8;
	[tilespmem:$0x1E000] =	vst v63  }
0x1e8: {  	_ =	swait.ge [sflag:s18], $0x3200  }
0x1e9: {  	[sflag:s18] =	ssyncset.done $0x0  }
0x1ea: {  	s30 =	sadd.s32 $0x1E80, s24;
	[sflag:s18] =	ssyncadd.s32 $0xFFFFCE00  }
0x1eb: {  	[spmem:s3] =	stream.indirect.scatter.add.f32 [tilespmem:s15], [sflag:$0x4], $0x80, s30, s13, $0xb8;
	[tilespmem:$0x1E000] =	vst v63  }
0x1ec: {  	_ =	swait.ge [sflag:s19], $0x3200  }
0x1ed: {  	[sflag:s19] =	ssyncset.done $0x0  }
0x1ee: {  	s31 =	sadd.s32 $0x380, s24;
	[sflag:s19] =	ssyncadd.s32 $0xFFFFCE00  }
0x1ef: {  	[tilespmem:s15], [sflag:$0x2] =	stream.indirect.gather [hbm4b:s1+s13], $0x80, s31, s13, $0xb8;
	[tilespmem:$0x1E000] =	vst v63  }
0x1f0: {  	_ =	swait.ge [sflag:s16], $0x3200  }
0x1f1: {  	[sflag:s16] =	ssyncset.done $0x0  }
0x1f2: {  	s26 =	sadd.s32 $0x1F00, s24;
	[sflag:s16] =	ssyncadd.s32 $0xFFFFCE00  }
0x1f3: {  	[spmem:s3] =	stream.indirect.scatter.add.f32 [tilespmem:s14], [sflag:$0x3], $0x80, s26, s13, $0xb8;
	[tilespmem:$0x1E000] =	vst v63  }
0x1f4: {  	_ =	swait.ge [sflag:s17], $0x3200  }
0x1f5: {  	[sflag:s17] =	ssyncset.done $0x0  }
0x1f6: {  	s28 =	sadd.s32 $0x400, s24;
	[sflag:s17] =	ssyncadd.s32 $0xFFFFCE00  }
0x1f7: {  	[tilespmem:s14], [sflag:$0x1] =	stream.indirect.gather [hbm4b:s1+s13], $0x80, s28, s13, $0xb8;
	[tilespmem:$0x1E000] =	vst v63  }
0x1f8: {  	_ =	swait.ge [sflag:s18], $0x3200  }
0x1f9: {  	[sflag:s18] =	ssyncset.done $0x0  }
0x1fa: {  	s29 =	sadd.s32 $0x1F80, s24;
	[sflag:s18] =	ssyncadd.s32 $0xFFFFCE00  }
0x1fb: {  	[spmem:s3] =	stream.indirect.scatter.add.f32 [tilespmem:s15], [sflag:$0x4], $0x80, s29, s13, $0xb8;
	[tilespmem:$0x1E000] =	vst v63  }
0x1fc: {  	_ =	swait.ge [sflag:s19], $0x3200  }
0x1fd: {  	[sflag:s19] =	ssyncset.done $0x0  }
0x1fe: {  	s30 =	sadd.s32 $0x480, s24;
	[sflag:s19] =	ssyncadd.s32 $0xFFFFCE00  }
0x1ff: {  	[tilespmem:s15], [sflag:$0x2] =	stream.indirect.gather [hbm4b:s1+s13], $0x80, s30, s13, $0xb8;
	[tilespmem:$0x1E000] =	vst v63  }
0x200: {  	_ =	swait.ge [sflag:s16], $0x3200  }
0x201: {  	[sflag:s16] =	ssyncset.done $0x0  }
0x202: {  	s31 =	sadd.s32 $0x2000, s24;
	[sflag:s16] =	ssyncadd.s32 $0xFFFFCE00  }
0x203: {  	[spmem:s3] =	stream.indirect.scatter.add.f32 [tilespmem:s14], [sflag:$0x3], $0x80, s31, s13, $0xb8;
	[tilespmem:$0x1E000] =	vst v63  }
0x204: {  	_ =	swait.ge [sflag:s18], $0x3200  }
0x205: {  	[sflag:s18] =	ssyncset.done $0x0  }
0x206: {  	s24 =	sadd.s32 $0x2080, s24;
	[sflag:s18] =	ssyncadd.s32 $0xFFFFCE00  }
0x207: {  	[spmem:s3] =	stream.indirect.scatter.add.f32 [tilespmem:s15], [sflag:$0x4], $0x80, s24, s13, $0xb8;
	[tilespmem:$0x1E000] =	vst v63  }
0x208: {  	_ =	swait.ge [sflag:s17], $0x3200  }
0x209: {  	[sflag:s17] =	ssyncset.done $0x0  }
0x20a: {  	[sflag:s17] =	ssyncadd.s32 $0xFFFFCE00  }
0x20b: {  	_ =	swait.ge [sflag:s19], $0x3200  }
0x20c: {  	s23 =	sadd.s32 $0x1, s23;
	[sflag:s19] =	ssyncset.done $0x0  }
0x20d: {  	p0 =	sne.s32 s23, s9;
	[sflag:s19] =	ssyncadd.s32 $0xFFFFCE00  }
.Ltmp2:
0x20e: {  	[bflag:$0x0] =	sbarrier.arrive $0xFFFF;
	(pc) =	sbr.rel @p0 .LBB2_1-.Ltmp2, $4  }
0x20f: {  	[hbm:s22], [sflag:s6] =	dma.local [spmem:s10], $0x2800  }
0x210: {  	_ =	swait.ge [sflag:s11], $0x2800  }
0x211: {  	[sflag:s11] =	ssyncset.done $0x0  }
0x212: {  	[sflag:s11] =	ssyncadd.s32 $0xFFFFD800  }
0x213: {  	_ =	sfence.sel $0x180000  }
0x214: {  	[bflag:$0x0] =	sbarrier.arrive $0xFFFF  }
0x215: {  	p0 =	sne.s32 s0, $0x0;
	_ =	strace $0x9000004A  }
0x216: {  	s0 =	sadd.s32 @!p0 $0x100000, s2;
	[bflag:$0x2] =	sbarrier.arrive $0xFFFF  }
0x217: {  	[sflag:s0] =	ssyncadd.tile.s32 @!p0 $0x1;
	_ =	shalt  }
.Lfunc_end2:
_tile_overlayer_lowered:
.L_overlay_start_2:
0x218: {  	(tag) =	ssettag $0x2  }
0x219: {  	s0 =	rddreg [dreg:$0x0];
	s2 =	stileid.u32  }
0x21a: {  	s1 =	rddreg [dreg:$0x1];
	p0 =	sne.s32 s2, $0x0  }
0x21b: {  	s3 =	rddreg [dreg:$0x2];
	[bflag:$0x3] =	sbarrier.arrive $0xFFFF;
	s2 =	simm.s32 @!p0 $0x1C05  }
0x21c: {  	[timem:s3], [sflag:s2] =	dma.local @!p0 [hbm:s0], s1  }
0x21d: {  	s0 =	simm.s32 @!p0 $0x5  }
0x21e: {  	_ =	swait.ge @!p0 [sflag:s0], s1  }
0x21f: {  	s1 =	ssub.s32 @!p0 $0x0, s1;
	[sflag:s0] =	ssyncset.done @!p0 $0x0  }
0x220: {  	[sflag:s0] =	ssyncadd.s32 @!p0 s1  }
0x221: {  	[bflag:$0x3] =	sbarrier.arrive $0xFFFF  }
0x222: {  	_ =	shalt  }

</sc_bundles>
